<compile_context>
chip_gen: v7x
topology: tpu7x:2x2x1
jax: 0.10.2.dev20260603
libtpu: 0.0.44.dev20260713+nightly
codegen_flags: <defaults>
</compile_context>

<pallas_src>
import functools

import jax
import jax.numpy as jnp
from jax import lax
from jax.experimental import pallas as pl
from jax.experimental.pallas import tpu as pltpu
from jax.experimental.pallas import tpu_sc as plsc


_LANES = 16
_CH = 128


def _pad_nodes(n):
    return ((n + 1 + 127) // 128) * 128



def _mm1_body(x_ref, w1_ref, o_ref):
    n = x_ref.shape[0]
    np_ = o_ref.shape[0]
    o_ref[pl.ds(0, n), :] = jnp.dot(x_ref[...], w1_ref[...],
                                    preferred_element_type=jnp.float32)
    o_ref[pl.ds(n, np_ - n), :] = jnp.zeros((np_ - n, o_ref.shape[1]),
                                            jnp.float32)


def _mid_body(u_ref, s_ref, b1_ref, w2_ref, b2_ref, o_ref):
    z = u_ref[...] + s_ref[0] + s_ref[1] + b1_ref[...]
    t = jnp.maximum(z, 0.0)
    h = jnp.dot(t, w2_ref[...], preferred_element_type=jnp.float32) + b2_ref[...]
    o_ref[...] = jnp.maximum(h, 0.0)


def _post_body(h_ref, s_ref, w3_ref, b3_ref, w4_ref, b4_ref, o_ref):
    n = o_ref.shape[0]
    z2 = h_ref[...] + s_ref[0] + s_ref[1]
    h2 = jnp.maximum(
        jnp.dot(z2, w3_ref[...], preferred_element_type=jnp.float32) + b3_ref[...],
        0.0)
    o = jnp.dot(h2, w4_ref[...], preferred_element_type=jnp.float32) + b4_ref[...]
    o = o[:n, :]
    m = jnp.max(o, axis=1, keepdims=True)
    e = jnp.exp(o - m)
    lse = jnp.log(jnp.sum(e, axis=1, keepdims=True))
    o_ref[...] = o - m - lse



@functools.lru_cache(maxsize=None)
def _make_segsum(np_, n_chunks, hidden, pw0):
    assert hidden == _LANES
    rows_per_tile = np_ // 16
    assert rows_per_tile % 8 == 0

    G = 4
    D = 2
    L = 1
    NB = 4
    per_w_sum = n_chunks // 16
    assert per_w_sum * 16 == n_chunks
    pw = [pw0, per_w_sum - pw0]
    assert pw[0] % G == 0 and pw[1] % G == 0
    assert min(pw) // G >= D + L
    pw_max = max(pw)

    mesh = plsc.VectorSubcoreMesh(core_axis_name="c", subcore_axis_name="s")

    @functools.partial(
        pl.kernel, mesh=mesh,
        out_type=jax.ShapeDtypeStruct((2, np_, hidden), jnp.float32),
        scratch_types=[
            pltpu.VMEM((pw_max, _CH), jnp.int32),
            pltpu.VMEM((pw_max, _CH), jnp.int32),
            pltpu.VMEM((NB * G * _CH, hidden), jnp.float32),
            pltpu.VMEM_SHARED((np_, hidden), jnp.float32),
            pltpu.SemaphoreType.DMA,
            pltpu.SemaphoreType.DMA,
        ],
        compiler_params=pltpu.CompilerParams(use_tc_tiling_on_sc=False),
    )
    def segsum(table_hbm, src_hbm, dst_hbm, zeros_hbm, out_hbm,
               src_v, dst_v, rows_v, acc_sh, gsem, ssem):
        c = lax.axis_index("c")
        s = lax.axis_index("s")

        row0 = s * rows_per_tile
        pltpu.sync_copy(zeros_hbm.at[pl.ds(row0, rows_per_tile)],
                        acc_sh.at[pl.ds(row0, rows_per_tile)])

        @pl.when(c == 0)
        def _():
            chunk0 = s * pw[0]
            pltpu.sync_copy(src_hbm.at[pl.ds(chunk0, pw[0])],
                            src_v.at[pl.ds(0, pw[0])])
            pltpu.sync_copy(dst_hbm.at[pl.ds(chunk0, pw[0])],
                            dst_v.at[pl.ds(0, pw[0])])

        @pl.when(c == 1)
        def _():
            chunk0 = 16 * pw[0] + s * pw[1]
            pltpu.sync_copy(src_hbm.at[pl.ds(chunk0, pw[1])],
                            src_v.at[pl.ds(0, pw[1])])
            pltpu.sync_copy(dst_hbm.at[pl.ds(chunk0, pw[1])],
                            dst_v.at[pl.ds(0, pw[1])])

        ngroups = jnp.where(c == 0, pw[0] // G, pw[1] // G)

        plsc.subcore_barrier()

        def gdma(i, k):
            b = lax.rem(i, NB)
            return pltpu.make_async_copy(
                table_hbm.at[src_v.at[i * G + k]],
                rows_v.at[pl.ds((b * G + k) * _CH, _CH)],
                gsem)

        def sdma(i, k):
            b = lax.rem(i, NB)
            return pltpu.make_async_copy(
                rows_v.at[pl.ds((b * G + k) * _CH, _CH)],
                acc_sh.at[dst_v.at[i * G + k]],
                ssem)

        for i in range(D):
            for k in range(G):
                gdma(jnp.int32(i), k).start()

        def body(j, carry):
            @pl.when(j >= L)
            def _():
                for k in range(G):
                    sdma(j - L, k).wait()

            @pl.when(j + D < ngroups)
            def _():
                for k in range(G):
                    gdma(j + D, k).start()

            for k in range(G):
                gdma(j, k).wait()
            for k in range(G):
                sdma(j, k).start(add=True)
            return carry
        lax.fori_loop(0, ngroups, body, 0, unroll=False)

        for l in range(L):
            for k in range(G):
                sdma(ngroups - L + l, k).wait()

        plsc.subcore_barrier()

        pltpu.sync_copy(acc_sh.at[pl.ds(row0, rows_per_tile)],
                        out_hbm.at[c, pl.ds(row0, rows_per_tile)])

    return segsum



def kernel(x, edge_index, W1, b1, W2, b2, W3, b3, W4, b4):
    n = x.shape[0]
    h_dim = W1.shape[1]
    n_edges = edge_index.shape[1]
    np_ = _pad_nodes(n)

    n_chunks = -(-n_edges // _CH)
    n_chunks = -(-n_chunks // 256) * 256
    e_pad = n_chunks * _CH - n_edges
    src = jnp.concatenate(
        [edge_index[0], jnp.full((e_pad,), n, edge_index.dtype)])
    dst = jnp.concatenate(
        [edge_index[1], jnp.full((e_pad,), n, edge_index.dtype)])
    src2d = src.reshape(n_chunks, _CH)
    dst2d = dst.reshape(n_chunks, _CH)
    zeros = jnp.zeros((np_, h_dim), jnp.float32)
    b1r, b2r, b3r, b4r = (b.reshape(1, -1) for b in (b1, b2, b3, b4))

    segsum = _make_segsum(np_, n_chunks, h_dim, 112)

    u = pl.pallas_call(
        _mm1_body,
        out_shape=jax.ShapeDtypeStruct((np_, h_dim), jnp.float32),
    )(x, W1)

    s1 = segsum(u, src2d, dst2d, zeros)

    h = pl.pallas_call(
        _mid_body,
        out_shape=jax.ShapeDtypeStruct((np_, h_dim), jnp.float32),
    )(u, s1, b1r, W2, b2r)

    s2 = segsum(h, src2d, dst2d, zeros)

    out = pl.pallas_call(
        _post_body,
        out_shape=jax.ShapeDtypeStruct((n, W4.shape[1]), jnp.float32),
    )(h, s2, W3, b3r, W4, b4r)

    return out

# --- scband reference (transcript-rebuilt; emitter-appended) ---
"""Pipeline reference for scband-ginnet-cora-34832184770974 (READ-ONLY COPY).

The authoritative reference and input builder live on the scoring server;
editing this copy changes nothing except your own understanding.
"""

import jax, jax.numpy as jnp
import numpy as np

N, E, F_IN, H, C = 10000, 320000, 128, 16, 7

def setup_inputs(seed: int = 0) -> dict:
    key = jax.random.key(seed)
    ks = jax.random.split(key, 10)
    x = jax.random.normal(ks[0], (N, F_IN), dtype=jnp.float32)
    edge_index = jax.random.randint(ks[1], (2, E), 0, N)
    def lin_w(k, fi, fo):
        return (jax.random.uniform(k, (fi, fo), dtype=jnp.float32) * 2.0 - 1.0) / np.sqrt(fi)
    def lin_b(k, fi, fo):
        return (jax.random.uniform(k, (fo,), dtype=jnp.float32) * 2.0 - 1.0) / np.sqrt(fi)
    return {
        "x": x,
        "edge_index": edge_index,
        "W1": lin_w(ks[2], F_IN, H), "b1": lin_b(ks[3], F_IN, H),
        "W2": lin_w(ks[4], H, H),    "b2": lin_b(ks[5], H, H),
        "W3": lin_w(ks[6], H, H),    "b3": lin_b(ks[7], H, H),
        "W4": lin_w(ks[8], H, C),    "b4": lin_b(ks[9], H, C),
    }

def _gin_aggregate(x, edge_index, eps=0.0):
    # GINConv aggregation: (1 + eps) * x_i + sum_{j in N(i)} x_j
    src = edge_index[0]
    dst = edge_index[1]
    msgs = jnp.take(x, src, axis=0)
    agg = jax.ops.segment_sum(msgs, dst, num_segments=x.shape[0])
    return (1.0 + eps) * x + agg

def reference(x, edge_index, W1, b1, W2, b2, W3, b3, W4, b4):
    # conv1: GINConv(Seq(Linear(F_IN,16), ReLU, Linear(16,16), ReLU))
    z = _gin_aggregate(x, edge_index)
    h = jax.nn.relu(z @ W1 + b1)
    h = jax.nn.relu(h @ W2 + b2)
    # F.relu
    h = jax.nn.relu(h)
    # conv2: GINConv(Seq(Linear(16,16), ReLU, Linear(16,C)))
    z2 = _gin_aggregate(h, edge_index)
    h2 = jax.nn.relu(z2 @ W3 + b3)
    out = h2 @ W4 + b4
    return jax.nn.log_softmax(out, axis=1)

if __name__ == "__main__":
    import jax
    _d = setup_inputs()
    print(jax.jit(kernel)(*tuple(_d.values())))

</pallas_src>

<mosaic_0001>
#map = affine_map<(d0, d1) -> (0, 0)>
#map1 = affine_map<(d0, d1) -> (0, 0, 0)>
module attributes {stable_mosaic.version = 14 : i64} {
  func.func @segsum(%arg0: i32, %arg1: i32, %arg2: memref<10112x16xf32, #tpu.memory_space<hbm>>, %arg3: memref<2560x128xi32, #tpu.memory_space<hbm>>, %arg4: memref<2560x128xi32, #tpu.memory_space<hbm>>, %arg5: memref<10112x16xf32, #tpu.memory_space<hbm>>, %arg6: memref<2x10112x16xf32, #tpu.memory_space<hbm>>, %arg7: memref<112x128xi32, #tpu.memory_space<vmem>>, %arg8: memref<112x128xi32, #tpu.memory_space<vmem>>, %arg9: memref<2048x16xf32, #tpu.memory_space<vmem>>, %arg10: memref<10112x16xf32, #tpu.memory_space<vmem_shared>>, %arg11: memref<!tpu.dma_semaphore, #tpu.memory_space<semaphore_mem>>, %arg12: memref<!tpu.dma_semaphore, #tpu.memory_space<semaphore_mem>>) attributes {dimension_semantics = [#tpu.dimension_semantics<core_parallel>, #tpu.dimension_semantics<subcore_parallel>], iteration_bounds = array<i64: 2, 16>, scalar_prefetch = 0 : i64, scratch_operands = 6 : i64, tpu.core_type = #tpu.core_type<sc_vector_subcore>, window_params = [{transform_indices = #map}, {transform_indices = #map}, {transform_indices = #map}, {transform_indices = #map}, {transform_indices = #map1}]} {
    %mul3A = arith.constant 632 : i32
    %mul3A_0 = arith.muli %arg1, %mul3A : i32
    "tpu.region"() ({
      %run_scoped3A = tpu.sem_alloc : memref<!tpu.dma_semaphore, #tpu.memory_space<semaphore_mem>>
      %dma_start3A_288 = arith.constant 0 : i32
      %dma_start3A_289 = tpu.memref_slice %arg10[%mul3A_0, %dma_start3A_288] : memref<10112x16xf32, #tpu.memory_space<vmem_shared>> -> memref<632x16xf32, #tpu.memory_space<vmem_shared>>
      %dma_start3A_290 = arith.constant 0 : i32
      %dma_start3A_291 = tpu.memref_slice %arg5[%mul3A_0, %dma_start3A_290] : memref<10112x16xf32, #tpu.memory_space<hbm>> -> memref<632x16xf32, #tpu.memory_space<hbm>>
      tpu.enqueue_dma source(%dma_start3A_291 : memref<632x16xf32, #tpu.memory_space<hbm>>) target(%dma_start3A_289 : memref<632x16xf32, #tpu.memory_space<vmem_shared>>) target_semaphore(%run_scoped3A : memref<!tpu.dma_semaphore, #tpu.memory_space<semaphore_mem>>)
      %dma_wait3A_292 = arith.constant 0 : i32
      %dma_wait3A_293 = tpu.memref_slice %arg10[%mul3A_0, %dma_wait3A_292] : memref<10112x16xf32, #tpu.memory_space<vmem_shared>> -> memref<632x16xf32, #tpu.memory_space<vmem_shared>>
      %dma_wait3A_294 = arith.constant 0 : i32
      %dma_wait3A_295 = tpu.memref_slice %arg5[%mul3A_0, %dma_wait3A_294] : memref<10112x16xf32, #tpu.memory_space<hbm>> -> memref<632x16xf32, #tpu.memory_space<hbm>>
      tpu.wait_dma2 semaphore(%run_scoped3A : memref<!tpu.dma_semaphore, #tpu.memory_space<semaphore_mem>>) src(%dma_wait3A_295 : memref<632x16xf32, #tpu.memory_space<hbm>>) dst(%dma_wait3A_293 : memref<632x16xf32, #tpu.memory_space<vmem_shared>>)
      tpu.yield
    }) : () -> ()
    %eq3A = arith.constant 0 : i32
    %eq3A_1 = arith.cmpi eq, %arg0, %eq3A : i32
    %convert_element_type3A = arith.extui %eq3A_1 : i1 to i32
    %cond3A = arith.constant 0 : i32
    %cond3A_2 = arith.cmpi ne, %convert_element_type3A, %cond3A : i32
    scf.if %cond3A_2 {
      %mul3A_288 = arith.constant 112 : i32
      %mul3A_289 = arith.muli %arg1, %mul3A_288 : i32
      "tpu.region"() ({
        %run_scoped3A = tpu.sem_alloc : memref<!tpu.dma_semaphore, #tpu.memory_space<semaphore_mem>>
        %dma_start3A_290 = arith.constant 0 : i32
        %dma_start3A_291 = arith.constant 0 : i32
        %dma_start3A_292 = tpu.memref_slice %arg7[%dma_start3A_290, %dma_start3A_291] : memref<112x128xi32, #tpu.memory_space<vmem>> -> memref<112x128xi32, #tpu.memory_space<vmem>>
        %dma_start3A_293 = arith.constant 0 : i32
        %dma_start3A_294 = tpu.memref_slice %arg3[%mul3A_289, %dma_start3A_293] : memref<2560x128xi32, #tpu.memory_space<hbm>> -> memref<112x128xi32, #tpu.memory_space<hbm>>
        %dma_start3A_295 = arith.constant 0 : i32
        %dma_start3A_296 = arith.constant 0 : i32
        %dma_start3A_297 = tpu.memref_slice %arg7[%dma_start3A_295, %dma_start3A_296] : memref<112x128xi32, #tpu.memory_space<vmem>> -> memref<112x128xi32, #tpu.memory_space<vmem>>
        %dma_start3A_298 = arith.constant 0 : i32
        %dma_start3A_299 = tpu.memref_slice %arg3[%mul3A_289, %dma_start3A_298] : memref<2560x128xi32, #tpu.memory_space<hbm>> -> memref<112x128xi32, #tpu.memory_space<hbm>>
        tpu.enqueue_dma source(%dma_start3A_299 : memref<112x128xi32, #tpu.memory_space<hbm>>) target(%dma_start3A_297 : memref<112x128xi32, #tpu.memory_space<vmem>>) target_semaphore(%run_scoped3A : memref<!tpu.dma_semaphore, #tpu.memory_space<semaphore_mem>>)
        %dma_wait3A_300 = arith.constant 0 : i32
        %dma_wait3A_301 = arith.constant 0 : i32
        %dma_wait3A_302 = tpu.memref_slice %arg7[%dma_wait3A_300, %dma_wait3A_301] : memref<112x128xi32, #tpu.memory_space<vmem>> -> memref<112x128xi32, #tpu.memory_space<vmem>>
        %dma_wait3A_303 = arith.constant 0 : i32
        %dma_wait3A_304 = tpu.memref_slice %arg3[%mul3A_289, %dma_wait3A_303] : memref<2560x128xi32, #tpu.memory_space<hbm>> -> memref<112x128xi32, #tpu.memory_space<hbm>>
        %dma_wait3A_305 = arith.constant 0 : i32
        %dma_wait3A_306 = arith.constant 0 : i32
        %dma_wait3A_307 = tpu.memref_slice %arg7[%dma_wait3A_305, %dma_wait3A_306] : memref<112x128xi32, #tpu.memory_space<vmem>> -> memref<112x128xi32, #tpu.memory_space<vmem>>
        %dma_wait3A_308 = arith.constant 0 : i32
        %dma_wait3A_309 = tpu.memref_slice %arg3[%mul3A_289, %dma_wait3A_308] : memref<2560x128xi32, #tpu.memory_space<hbm>> -> memref<112x128xi32, #tpu.memory_space<hbm>>
        tpu.wait_dma2 semaphore(%run_scoped3A : memref<!tpu.dma_semaphore, #tpu.memory_space<semaphore_mem>>) src(%dma_wait3A_309 : memref<112x128xi32, #tpu.memory_space<hbm>>) dst(%dma_wait3A_307 : memref<112x128xi32, #tpu.memory_space<vmem>>)
        tpu.yield
      }) : () -> ()
      "tpu.region"() ({
        %run_scoped3A = tpu.sem_alloc : memref<!tpu.dma_semaphore, #tpu.memory_space<semaphore_mem>>
        %dma_start3A_290 = arith.constant 0 : i32
        %dma_start3A_291 = arith.constant 0 : i32
        %dma_start3A_292 = tpu.memref_slice %arg8[%dma_start3A_290, %dma_start3A_291] : memref<112x128xi32, #tpu.memory_space<vmem>> -> memref<112x128xi32, #tpu.memory_space<vmem>>
        %dma_start3A_293 = arith.constant 0 : i32
        %dma_start3A_294 = tpu.memref_slice %arg4[%mul3A_289, %dma_start3A_293] : memref<2560x128xi32, #tpu.memory_space<hbm>> -> memref<112x128xi32, #tpu.memory_space<hbm>>
        %dma_start3A_295 = arith.constant 0 : i32
        %dma_start3A_296 = arith.constant 0 : i32
        %dma_start3A_297 = tpu.memref_slice %arg8[%dma_start3A_295, %dma_start3A_296] : memref<112x128xi32, #tpu.memory_space<vmem>> -> memref<112x128xi32, #tpu.memory_space<vmem>>
        %dma_start3A_298 = arith.constant 0 : i32
        %dma_start3A_299 = tpu.memref_slice %arg4[%mul3A_289, %dma_start3A_298] : memref<2560x128xi32, #tpu.memory_space<hbm>> -> memref<112x128xi32, #tpu.memory_space<hbm>>
        tpu.enqueue_dma source(%dma_start3A_299 : memref<112x128xi32, #tpu.memory_space<hbm>>) target(%dma_start3A_297 : memref<112x128xi32, #tpu.memory_space<vmem>>) target_semaphore(%run_scoped3A : memref<!tpu.dma_semaphore, #tpu.memory_space<semaphore_mem>>)
        %dma_wait3A_300 = arith.constant 0 : i32
        %dma_wait3A_301 = arith.constant 0 : i32
        %dma_wait3A_302 = tpu.memref_slice %arg8[%dma_wait3A_300, %dma_wait3A_301] : memref<112x128xi32, #tpu.memory_space<vmem>> -> memref<112x128xi32, #tpu.memory_space<vmem>>
        %dma_wait3A_303 = arith.constant 0 : i32
        %dma_wait3A_304 = tpu.memref_slice %arg4[%mul3A_289, %dma_wait3A_303] : memref<2560x128xi32, #tpu.memory_space<hbm>> -> memref<112x128xi32, #tpu.memory_space<hbm>>
        %dma_wait3A_305 = arith.constant 0 : i32
        %dma_wait3A_306 = arith.constant 0 : i32
        %dma_wait3A_307 = tpu.memref_slice %arg8[%dma_wait3A_305, %dma_wait3A_306] : memref<112x128xi32, #tpu.memory_space<vmem>> -> memref<112x128xi32, #tpu.memory_space<vmem>>
        %dma_wait3A_308 = arith.constant 0 : i32
        %dma_wait3A_309 = tpu.memref_slice %arg4[%mul3A_289, %dma_wait3A_308] : memref<2560x128xi32, #tpu.memory_space<hbm>> -> memref<112x128xi32, #tpu.memory_space<hbm>>
        tpu.wait_dma2 semaphore(%run_scoped3A : memref<!tpu.dma_semaphore, #tpu.memory_space<semaphore_mem>>) src(%dma_wait3A_309 : memref<112x128xi32, #tpu.memory_space<hbm>>) dst(%dma_wait3A_307 : memref<112x128xi32, #tpu.memory_space<vmem>>)
        tpu.yield
      }) : () -> ()
    } else {
    }
    %eq3A_3 = arith.constant 1 : i32
    %eq3A_4 = arith.cmpi eq, %arg0, %eq3A_3 : i32
    %convert_element_type3A_5 = arith.extui %eq3A_4 : i1 to i32
    %cond3A_6 = arith.constant 0 : i32
    %cond3A_7 = arith.cmpi ne, %convert_element_type3A_5, %cond3A_6 : i32
    scf.if %cond3A_7 {
      %mul3A_288 = arith.constant 48 : i32
      %mul3A_289 = arith.muli %arg1, %mul3A_288 : i32
      %add3A_290 = arith.constant 1792 : i32
      %add3A_291 = arith.addi %add3A_290, %mul3A_289 : i32
      "tpu.region"() ({
        %run_scoped3A = tpu.sem_alloc : memref<!tpu.dma_semaphore, #tpu.memory_space<semaphore_mem>>
        %dma_start3A_292 = arith.constant 0 : i32
        %dma_start3A_293 = arith.constant 0 : i32
        %dma_start3A_294 = tpu.memref_slice %arg7[%dma_start3A_292, %dma_start3A_293] : memref<112x128xi32, #tpu.memory_space<vmem>> -> memref<48x128xi32, #tpu.memory_space<vmem>>
        %dma_start3A_295 = arith.constant 0 : i32
        %dma_start3A_296 = tpu.memref_slice %arg3[%add3A_291, %dma_start3A_295] : memref<2560x128xi32, #tpu.memory_space<hbm>> -> memref<48x128xi32, #tpu.memory_space<hbm>>
        %dma_start3A_297 = arith.constant 0 : i32
        %dma_start3A_298 = arith.constant 0 : i32
        %dma_start3A_299 = tpu.memref_slice %arg7[%dma_start3A_297, %dma_start3A_298] : memref<112x128xi32, #tpu.memory_space<vmem>> -> memref<48x128xi32, #tpu.memory_space<vmem>>
        %dma_start3A_300 = arith.constant 0 : i32
        %dma_start3A_301 = tpu.memref_slice %arg3[%add3A_291, %dma_start3A_300] : memref<2560x128xi32, #tpu.memory_space<hbm>> -> memref<48x128xi32, #tpu.memory_space<hbm>>
        tpu.enqueue_dma source(%dma_start3A_301 : memref<48x128xi32, #tpu.memory_space<hbm>>) target(%dma_start3A_299 : memref<48x128xi32, #tpu.memory_space<vmem>>) target_semaphore(%run_scoped3A : memref<!tpu.dma_semaphore, #tpu.memory_space<semaphore_mem>>)
        %dma_wait3A_302 = arith.constant 0 : i32
        %dma_wait3A_303 = arith.constant 0 : i32
        %dma_wait3A_304 = tpu.memref_slice %arg7[%dma_wait3A_302, %dma_wait3A_303] : memref<112x128xi32, #tpu.memory_space<vmem>> -> memref<48x128xi32, #tpu.memory_space<vmem>>
        %dma_wait3A_305 = arith.constant 0 : i32
        %dma_wait3A_306 = tpu.memref_slice %arg3[%add3A_291, %dma_wait3A_305] : memref<2560x128xi32, #tpu.memory_space<hbm>> -> memref<48x128xi32, #tpu.memory_space<hbm>>
        %dma_wait3A_307 = arith.constant 0 : i32
        %dma_wait3A_308 = arith.constant 0 : i32
        %dma_wait3A_309 = tpu.memref_slice %arg7[%dma_wait3A_307, %dma_wait3A_308] : memref<112x128xi32, #tpu.memory_space<vmem>> -> memref<48x128xi32, #tpu.memory_space<vmem>>
        %dma_wait3A_310 = arith.constant 0 : i32
        %dma_wait3A_311 = tpu.memref_slice %arg3[%add3A_291, %dma_wait3A_310] : memref<2560x128xi32, #tpu.memory_space<hbm>> -> memref<48x128xi32, #tpu.memory_space<hbm>>
        tpu.wait_dma2 semaphore(%run_scoped3A : memref<!tpu.dma_semaphore, #tpu.memory_space<semaphore_mem>>) src(%dma_wait3A_311 : memref<48x128xi32, #tpu.memory_space<hbm>>) dst(%dma_wait3A_309 : memref<48x128xi32, #tpu.memory_space<vmem>>)
        tpu.yield
      }) : () -> ()
      "tpu.region"() ({
        %run_scoped3A = tpu.sem_alloc : memref<!tpu.dma_semaphore, #tpu.memory_space<semaphore_mem>>
        %dma_start3A_292 = arith.constant 0 : i32
        %dma_start3A_293 = arith.constant 0 : i32
        %dma_start3A_294 = tpu.memref_slice %arg8[%dma_start3A_292, %dma_start3A_293] : memref<112x128xi32, #tpu.memory_space<vmem>> -> memref<48x128xi32, #tpu.memory_space<vmem>>
        %dma_start3A_295 = arith.constant 0 : i32
        %dma_start3A_296 = tpu.memref_slice %arg4[%add3A_291, %dma_start3A_295] : memref<2560x128xi32, #tpu.memory_space<hbm>> -> memref<48x128xi32, #tpu.memory_space<hbm>>
        %dma_start3A_297 = arith.constant 0 : i32
        %dma_start3A_298 = arith.constant 0 : i32
        %dma_start3A_299 = tpu.memref_slice %arg8[%dma_start3A_297, %dma_start3A_298] : memref<112x128xi32, #tpu.memory_space<vmem>> -> memref<48x128xi32, #tpu.memory_space<vmem>>
        %dma_start3A_300 = arith.constant 0 : i32
        %dma_start3A_301 = tpu.memref_slice %arg4[%add3A_291, %dma_start3A_300] : memref<2560x128xi32, #tpu.memory_space<hbm>> -> memref<48x128xi32, #tpu.memory_space<hbm>>
        tpu.enqueue_dma source(%dma_start3A_301 : memref<48x128xi32, #tpu.memory_space<hbm>>) target(%dma_start3A_299 : memref<48x128xi32, #tpu.memory_space<vmem>>) target_semaphore(%run_scoped3A : memref<!tpu.dma_semaphore, #tpu.memory_space<semaphore_mem>>)
        %dma_wait3A_302 = arith.constant 0 : i32
        %dma_wait3A_303 = arith.constant 0 : i32
        %dma_wait3A_304 = tpu.memref_slice %arg8[%dma_wait3A_302, %dma_wait3A_303] : memref<112x128xi32, #tpu.memory_space<vmem>> -> memref<48x128xi32, #tpu.memory_space<vmem>>
        %dma_wait3A_305 = arith.constant 0 : i32
        %dma_wait3A_306 = tpu.memref_slice %arg4[%add3A_291, %dma_wait3A_305] : memref<2560x128xi32, #tpu.memory_space<hbm>> -> memref<48x128xi32, #tpu.memory_space<hbm>>
        %dma_wait3A_307 = arith.constant 0 : i32
        %dma_wait3A_308 = arith.constant 0 : i32
        %dma_wait3A_309 = tpu.memref_slice %arg8[%dma_wait3A_307, %dma_wait3A_308] : memref<112x128xi32, #tpu.memory_space<vmem>> -> memref<48x128xi32, #tpu.memory_space<vmem>>
        %dma_wait3A_310 = arith.constant 0 : i32
        %dma_wait3A_311 = tpu.memref_slice %arg4[%add3A_291, %dma_wait3A_310] : memref<2560x128xi32, #tpu.memory_space<hbm>> -> memref<48x128xi32, #tpu.memory_space<hbm>>
        tpu.wait_dma2 semaphore(%run_scoped3A : memref<!tpu.dma_semaphore, #tpu.memory_space<semaphore_mem>>) src(%dma_wait3A_311 : memref<48x128xi32, #tpu.memory_space<hbm>>) dst(%dma_wait3A_309 : memref<48x128xi32, #tpu.memory_space<vmem>>)
        tpu.yield
      }) : () -> ()
    } else {
    }
    %eq3A_8 = arith.constant 0 : i32
    %eq3A_9 = arith.cmpi eq, %arg0, %eq3A_8 : i32
    %jit3A = arith.constant 28 : i32
    %jit3A_10 = arith.constant 12 : i32
    %select_n3A = arith.select %eq3A_9, %jit3A, %jit3A_10 : i32
    %barrier3A = arith.constant 0 : index
    tpu.barrier barrier_id(%barrier3A)
    %rem3A = arith.constant 0 : i32
    %rem3A_11 = arith.constant 4 : i32
    %rem3A_12 = arith.remsi %rem3A, %rem3A_11 : i32
    %mul3A_13 = arith.constant 0 : i32
    %mul3A_14 = arith.constant 4 : i32
    %mul3A_15 = arith.muli %mul3A_13, %mul3A_14 : i32
    %add3A = arith.constant 0 : i32
    %add3A_16 = arith.addi %mul3A_15, %add3A : i32
    %mul3A_17 = arith.constant 4 : i32
    %mul3A_18 = arith.muli %rem3A_12, %mul3A_17 : i32
    %add3A_19 = arith.constant 0 : i32
    %add3A_20 = arith.addi %mul3A_18, %add3A_19 : i32
    %mul3A_21 = arith.constant 128 : i32
    %mul3A_22 = arith.muli %add3A_20, %mul3A_21 : i32
    %dma_start3A = arith.constant 0 : i32
    %dma_start3A_23 = tpu.memref_slice %arg9[%mul3A_22, %dma_start3A] : memref<2048x16xf32, #tpu.memory_space<vmem>> -> memref<128x16xf32, #tpu.memory_space<vmem>>
    %dma_start3A_24 = arith.constant 0 : i32
    %dma_start3A_25 = tpu.memref_slice %arg7[%add3A_16, %dma_start3A_24] : memref<112x128xi32, #tpu.memory_space<vmem>> -> memref<1x128xi32, #tpu.memory_space<vmem>>
    %dma_start3A_26 = tpu.memref_squeeze %dma_start3A_25 : memref<1x128xi32, #tpu.memory_space<vmem>> -> memref<128xi32, #tpu.memory_space<vmem>>
    %dma_start3A_27 = arith.constant 0 : i32
    %dma_start3A_28 = arith.constant 0 : i32
    %dma_start3A_29 = tpu.memref_slice %arg2[%dma_start3A_27, %dma_start3A_28] : memref<10112x16xf32, #tpu.memory_space<hbm>> -> memref<10112x16xf32, #tpu.memory_space<hbm>>
    tpu.enqueue_indirect_dma source(%dma_start3A_29 : memref<10112x16xf32, #tpu.memory_space<hbm>>) target(%dma_start3A_23 : memref<128x16xf32, #tpu.memory_space<vmem>>) offsets(%dma_start3A_26 : memref<128xi32, #tpu.memory_space<vmem>>) semaphore(%arg11 : memref<!tpu.dma_semaphore, #tpu.memory_space<semaphore_mem>>)
    %rem3A_30 = arith.constant 0 : i32
    %rem3A_31 = arith.constant 4 : i32
    %rem3A_32 = arith.remsi %rem3A_30, %rem3A_31 : i32
    %mul3A_33 = arith.constant 0 : i32
    %mul3A_34 = arith.constant 4 : i32
    %mul3A_35 = arith.muli %mul3A_33, %mul3A_34 : i32
    %add3A_36 = arith.constant 1 : i32
    %add3A_37 = arith.addi %mul3A_35, %add3A_36 : i32
    %mul3A_38 = arith.constant 4 : i32
    %mul3A_39 = arith.muli %rem3A_32, %mul3A_38 : i32
    %add3A_40 = arith.constant 1 : i32
    %add3A_41 = arith.addi %mul3A_39, %add3A_40 : i32
    %mul3A_42 = arith.constant 128 : i32
    %mul3A_43 = arith.muli %add3A_41, %mul3A_42 : i32
    %dma_start3A_44 = arith.constant 0 : i32
    %dma_start3A_45 = tpu.memref_slice %arg9[%mul3A_43, %dma_start3A_44] : memref<2048x16xf32, #tpu.memory_space<vmem>> -> memref<128x16xf32, #tpu.memory_space<vmem>>
    %dma_start3A_46 = arith.constant 0 : i32
    %dma_start3A_47 = tpu.memref_slice %arg7[%add3A_37, %dma_start3A_46] : memref<112x128xi32, #tpu.memory_space<vmem>> -> memref<1x128xi32, #tpu.memory_space<vmem>>
    %dma_start3A_48 = tpu.memref_squeeze %dma_start3A_47 : memref<1x128xi32, #tpu.memory_space<vmem>> -> memref<128xi32, #tpu.memory_space<vmem>>
    %dma_start3A_49 = arith.constant 0 : i32
    %dma_start3A_50 = arith.constant 0 : i32
    %dma_start3A_51 = tpu.memref_slice %arg2[%dma_start3A_49, %dma_start3A_50] : memref<10112x16xf32, #tpu.memory_space<hbm>> -> memref<10112x16xf32, #tpu.memory_space<hbm>>
    tpu.enqueue_indirect_dma source(%dma_start3A_51 : memref<10112x16xf32, #tpu.memory_space<hbm>>) target(%dma_start3A_45 : memref<128x16xf32, #tpu.memory_space<vmem>>) offsets(%dma_start3A_48 : memref<128xi32, #tpu.memory_space<vmem>>) semaphore(%arg11 : memref<!tpu.dma_semaphore, #tpu.memory_space<semaphore_mem>>)
    %rem3A_52 = arith.constant 0 : i32
    %rem3A_53 = arith.constant 4 : i32
    %rem3A_54 = arith.remsi %rem3A_52, %rem3A_53 : i32
    %mul3A_55 = arith.constant 0 : i32
    %mul3A_56 = arith.constant 4 : i32
    %mul3A_57 = arith.muli %mul3A_55, %mul3A_56 : i32
    %add3A_58 = arith.constant 2 : i32
    %add3A_59 = arith.addi %mul3A_57, %add3A_58 : i32
    %mul3A_60 = arith.constant 4 : i32
    %mul3A_61 = arith.muli %rem3A_54, %mul3A_60 : i32
    %add3A_62 = arith.constant 2 : i32
    %add3A_63 = arith.addi %mul3A_61, %add3A_62 : i32
    %mul3A_64 = arith.constant 128 : i32
    %mul3A_65 = arith.muli %add3A_63, %mul3A_64 : i32
    %dma_start3A_66 = arith.constant 0 : i32
    %dma_start3A_67 = tpu.memref_slice %arg9[%mul3A_65, %dma_start3A_66] : memref<2048x16xf32, #tpu.memory_space<vmem>> -> memref<128x16xf32, #tpu.memory_space<vmem>>
    %dma_start3A_68 = arith.constant 0 : i32
    %dma_start3A_69 = tpu.memref_slice %arg7[%add3A_59, %dma_start3A_68] : memref<112x128xi32, #tpu.memory_space<vmem>> -> memref<1x128xi32, #tpu.memory_space<vmem>>
    %dma_start3A_70 = tpu.memref_squeeze %dma_start3A_69 : memref<1x128xi32, #tpu.memory_space<vmem>> -> memref<128xi32, #tpu.memory_space<vmem>>
    %dma_start3A_71 = arith.constant 0 : i32
    %dma_start3A_72 = arith.constant 0 : i32
    %dma_start3A_73 = tpu.memref_slice %arg2[%dma_start3A_71, %dma_start3A_72] : memref<10112x16xf32, #tpu.memory_space<hbm>> -> memref<10112x16xf32, #tpu.memory_space<hbm>>
    tpu.enqueue_indirect_dma source(%dma_start3A_73 : memref<10112x16xf32, #tpu.memory_space<hbm>>) target(%dma_start3A_67 : memref<128x16xf32, #tpu.memory_space<vmem>>) offsets(%dma_start3A_70 : memref<128xi32, #tpu.memory_space<vmem>>) semaphore(%arg11 : memref<!tpu.dma_semaphore, #tpu.memory_space<semaphore_mem>>)
    %rem3A_74 = arith.constant 0 : i32
    %rem3A_75 = arith.constant 4 : i32
    %rem3A_76 = arith.remsi %rem3A_74, %rem3A_75 : i32
    %mul3A_77 = arith.constant 0 : i32
    %mul3A_78 = arith.constant 4 : i32
    %mul3A_79 = arith.muli %mul3A_77, %mul3A_78 : i32
    %add3A_80 = arith.constant 3 : i32
    %add3A_81 = arith.addi %mul3A_79, %add3A_80 : i32
    %mul3A_82 = arith.constant 4 : i32
    %mul3A_83 = arith.muli %rem3A_76, %mul3A_82 : i32
    %add3A_84 = arith.constant 3 : i32
    %add3A_85 = arith.addi %mul3A_83, %add3A_84 : i32
    %mul3A_86 = arith.constant 128 : i32
    %mul3A_87 = arith.muli %add3A_85, %mul3A_86 : i32
    %dma_start3A_88 = arith.constant 0 : i32
    %dma_start3A_89 = tpu.memref_slice %arg9[%mul3A_87, %dma_start3A_88] : memref<2048x16xf32, #tpu.memory_space<vmem>> -> memref<128x16xf32, #tpu.memory_space<vmem>>
    %dma_start3A_90 = arith.constant 0 : i32
    %dma_start3A_91 = tpu.memref_slice %arg7[%add3A_81, %dma_start3A_90] : memref<112x128xi32, #tpu.memory_space<vmem>> -> memref<1x128xi32, #tpu.memory_space<vmem>>
    %dma_start3A_92 = tpu.memref_squeeze %dma_start3A_91 : memref<1x128xi32, #tpu.memory_space<vmem>> -> memref<128xi32, #tpu.memory_space<vmem>>
    %dma_start3A_93 = arith.constant 0 : i32
    %dma_start3A_94 = arith.constant 0 : i32
    %dma_start3A_95 = tpu.memref_slice %arg2[%dma_start3A_93, %dma_start3A_94] : memref<10112x16xf32, #tpu.memory_space<hbm>> -> memref<10112x16xf32, #tpu.memory_space<hbm>>
    tpu.enqueue_indirect_dma source(%dma_start3A_95 : memref<10112x16xf32, #tpu.memory_space<hbm>>) target(%dma_start3A_89 : memref<128x16xf32, #tpu.memory_space<vmem>>) offsets(%dma_start3A_92 : memref<128xi32, #tpu.memory_space<vmem>>) semaphore(%arg11 : memref<!tpu.dma_semaphore, #tpu.memory_space<semaphore_mem>>)
    %rem3A_96 = arith.constant 1 : i32
    %rem3A_97 = arith.constant 4 : i32
    %rem3A_98 = arith.remsi %rem3A_96, %rem3A_97 : i32
    %mul3A_99 = arith.constant 1 : i32
    %mul3A_100 = arith.constant 4 : i32
    %mul3A_101 = arith.muli %mul3A_99, %mul3A_100 : i32
    %add3A_102 = arith.constant 0 : i32
    %add3A_103 = arith.addi %mul3A_101, %add3A_102 : i32
    %mul3A_104 = arith.constant 4 : i32
    %mul3A_105 = arith.muli %rem3A_98, %mul3A_104 : i32
    %add3A_106 = arith.constant 0 : i32
    %add3A_107 = arith.addi %mul3A_105, %add3A_106 : i32
    %mul3A_108 = arith.constant 128 : i32
    %mul3A_109 = arith.muli %add3A_107, %mul3A_108 : i32
    %dma_start3A_110 = arith.constant 0 : i32
    %dma_start3A_111 = tpu.memref_slice %arg9[%mul3A_109, %dma_start3A_110] : memref<2048x16xf32, #tpu.memory_space<vmem>> -> memref<128x16xf32, #tpu.memory_space<vmem>>
    %dma_start3A_112 = arith.constant 0 : i32
    %dma_start3A_113 = tpu.memref_slice %arg7[%add3A_103, %dma_start3A_112] : memref<112x128xi32, #tpu.memory_space<vmem>> -> memref<1x128xi32, #tpu.memory_space<vmem>>
    %dma_start3A_114 = tpu.memref_squeeze %dma_start3A_113 : memref<1x128xi32, #tpu.memory_space<vmem>> -> memref<128xi32, #tpu.memory_space<vmem>>
    %dma_start3A_115 = arith.constant 0 : i32
    %dma_start3A_116 = arith.constant 0 : i32
    %dma_start3A_117 = tpu.memref_slice %arg2[%dma_start3A_115, %dma_start3A_116] : memref<10112x16xf32, #tpu.memory_space<hbm>> -> memref<10112x16xf32, #tpu.memory_space<hbm>>
    tpu.enqueue_indirect_dma source(%dma_start3A_117 : memref<10112x16xf32, #tpu.memory_space<hbm>>) target(%dma_start3A_111 : memref<128x16xf32, #tpu.memory_space<vmem>>) offsets(%dma_start3A_114 : memref<128xi32, #tpu.memory_space<vmem>>) semaphore(%arg11 : memref<!tpu.dma_semaphore, #tpu.memory_space<semaphore_mem>>)
    %rem3A_118 = arith.constant 1 : i32
    %rem3A_119 = arith.constant 4 : i32
    %rem3A_120 = arith.remsi %rem3A_118, %rem3A_119 : i32
    %mul3A_121 = arith.constant 1 : i32
    %mul3A_122 = arith.constant 4 : i32
    %mul3A_123 = arith.muli %mul3A_121, %mul3A_122 : i32
    %add3A_124 = arith.constant 1 : i32
    %add3A_125 = arith.addi %mul3A_123, %add3A_124 : i32
    %mul3A_126 = arith.constant 4 : i32
    %mul3A_127 = arith.muli %rem3A_120, %mul3A_126 : i32
    %add3A_128 = arith.constant 1 : i32
    %add3A_129 = arith.addi %mul3A_127, %add3A_128 : i32
    %mul3A_130 = arith.constant 128 : i32
    %mul3A_131 = arith.muli %add3A_129, %mul3A_130 : i32
    %dma_start3A_132 = arith.constant 0 : i32
    %dma_start3A_133 = tpu.memref_slice %arg9[%mul3A_131, %dma_start3A_132] : memref<2048x16xf32, #tpu.memory_space<vmem>> -> memref<128x16xf32, #tpu.memory_space<vmem>>
    %dma_start3A_134 = arith.constant 0 : i32
    %dma_start3A_135 = tpu.memref_slice %arg7[%add3A_125, %dma_start3A_134] : memref<112x128xi32, #tpu.memory_space<vmem>> -> memref<1x128xi32, #tpu.memory_space<vmem>>
    %dma_start3A_136 = tpu.memref_squeeze %dma_start3A_135 : memref<1x128xi32, #tpu.memory_space<vmem>> -> memref<128xi32, #tpu.memory_space<vmem>>
    %dma_start3A_137 = arith.constant 0 : i32
    %dma_start3A_138 = arith.constant 0 : i32
    %dma_start3A_139 = tpu.memref_slice %arg2[%dma_start3A_137, %dma_start3A_138] : memref<10112x16xf32, #tpu.memory_space<hbm>> -> memref<10112x16xf32, #tpu.memory_space<hbm>>
    tpu.enqueue_indirect_dma source(%dma_start3A_139 : memref<10112x16xf32, #tpu.memory_space<hbm>>) target(%dma_start3A_133 : memref<128x16xf32, #tpu.memory_space<vmem>>) offsets(%dma_start3A_136 : memref<128xi32, #tpu.memory_space<vmem>>) semaphore(%arg11 : memref<!tpu.dma_semaphore, #tpu.memory_space<semaphore_mem>>)
    %rem3A_140 = arith.constant 1 : i32
    %rem3A_141 = arith.constant 4 : i32
    %rem3A_142 = arith.remsi %rem3A_140, %rem3A_141 : i32
    %mul3A_143 = arith.constant 1 : i32
    %mul3A_144 = arith.constant 4 : i32
    %mul3A_145 = arith.muli %mul3A_143, %mul3A_144 : i32
    %add3A_146 = arith.constant 2 : i32
    %add3A_147 = arith.addi %mul3A_145, %add3A_146 : i32
    %mul3A_148 = arith.constant 4 : i32
    %mul3A_149 = arith.muli %rem3A_142, %mul3A_148 : i32
    %add3A_150 = arith.constant 2 : i32
    %add3A_151 = arith.addi %mul3A_149, %add3A_150 : i32
    %mul3A_152 = arith.constant 128 : i32
    %mul3A_153 = arith.muli %add3A_151, %mul3A_152 : i32
    %dma_start3A_154 = arith.constant 0 : i32
    %dma_start3A_155 = tpu.memref_slice %arg9[%mul3A_153, %dma_start3A_154] : memref<2048x16xf32, #tpu.memory_space<vmem>> -> memref<128x16xf32, #tpu.memory_space<vmem>>
    %dma_start3A_156 = arith.constant 0 : i32
    %dma_start3A_157 = tpu.memref_slice %arg7[%add3A_147, %dma_start3A_156] : memref<112x128xi32, #tpu.memory_space<vmem>> -> memref<1x128xi32, #tpu.memory_space<vmem>>
    %dma_start3A_158 = tpu.memref_squeeze %dma_start3A_157 : memref<1x128xi32, #tpu.memory_space<vmem>> -> memref<128xi32, #tpu.memory_space<vmem>>
    %dma_start3A_159 = arith.constant 0 : i32
    %dma_start3A_160 = arith.constant 0 : i32
    %dma_start3A_161 = tpu.memref_slice %arg2[%dma_start3A_159, %dma_start3A_160] : memref<10112x16xf32, #tpu.memory_space<hbm>> -> memref<10112x16xf32, #tpu.memory_space<hbm>>
    tpu.enqueue_indirect_dma source(%dma_start3A_161 : memref<10112x16xf32, #tpu.memory_space<hbm>>) target(%dma_start3A_155 : memref<128x16xf32, #tpu.memory_space<vmem>>) offsets(%dma_start3A_158 : memref<128xi32, #tpu.memory_space<vmem>>) semaphore(%arg11 : memref<!tpu.dma_semaphore, #tpu.memory_space<semaphore_mem>>)
    %rem3A_162 = arith.constant 1 : i32
    %rem3A_163 = arith.constant 4 : i32
    %rem3A_164 = arith.remsi %rem3A_162, %rem3A_163 : i32
    %mul3A_165 = arith.constant 1 : i32
    %mul3A_166 = arith.constant 4 : i32
    %mul3A_167 = arith.muli %mul3A_165, %mul3A_166 : i32
    %add3A_168 = arith.constant 3 : i32
    %add3A_169 = arith.addi %mul3A_167, %add3A_168 : i32
    %mul3A_170 = arith.constant 4 : i32
    %mul3A_171 = arith.muli %rem3A_164, %mul3A_170 : i32
    %add3A_172 = arith.constant 3 : i32
    %add3A_173 = arith.addi %mul3A_171, %add3A_172 : i32
    %mul3A_174 = arith.constant 128 : i32
    %mul3A_175 = arith.muli %add3A_173, %mul3A_174 : i32
    %dma_start3A_176 = arith.constant 0 : i32
    %dma_start3A_177 = tpu.memref_slice %arg9[%mul3A_175, %dma_start3A_176] : memref<2048x16xf32, #tpu.memory_space<vmem>> -> memref<128x16xf32, #tpu.memory_space<vmem>>
    %dma_start3A_178 = arith.constant 0 : i32
    %dma_start3A_179 = tpu.memref_slice %arg7[%add3A_169, %dma_start3A_178] : memref<112x128xi32, #tpu.memory_space<vmem>> -> memref<1x128xi32, #tpu.memory_space<vmem>>
    %dma_start3A_180 = tpu.memref_squeeze %dma_start3A_179 : memref<1x128xi32, #tpu.memory_space<vmem>> -> memref<128xi32, #tpu.memory_space<vmem>>
    %dma_start3A_181 = arith.constant 0 : i32
    %dma_start3A_182 = arith.constant 0 : i32
    %dma_start3A_183 = tpu.memref_slice %arg2[%dma_start3A_181, %dma_start3A_182] : memref<10112x16xf32, #tpu.memory_space<hbm>> -> memref<10112x16xf32, #tpu.memory_space<hbm>>
    tpu.enqueue_indirect_dma source(%dma_start3A_183 : memref<10112x16xf32, #tpu.memory_space<hbm>>) target(%dma_start3A_177 : memref<128x16xf32, #tpu.memory_space<vmem>>) offsets(%dma_start3A_180 : memref<128xi32, #tpu.memory_space<vmem>>) semaphore(%arg11 : memref<!tpu.dma_semaphore, #tpu.memory_space<semaphore_mem>>)
    %while3A = arith.constant 0 : i32
    %while3A_184 = arith.constant 0 : i32
    %while3A_185 = arith.subi %select_n3A, %while3A_184 : i32
    %while3A_186 = arith.addi %while3A_184, %while3A_185 : i32
    %while3A_187 = arith.constant 1 : i32
    %while3A_188 = arith.divsi %while3A_185, %while3A_187 : i32
    %while3A_189 = arith.muli %while3A_188, %while3A_187 : i32
    %while3A_190 = arith.addi %while3A_184, %while3A_189 : i32
    %while3A_191 = arith.constant 1 : i32
    scf.for %while3A_288 = %while3A_184 to %while3A_190 step %while3A_191  : i32 {
      %ge3A = arith.constant 1 : i32
      %ge3A_289 = arith.cmpi sge, %while3A_288, %ge3A : i32
      %convert_element_type3A_290 = arith.extui %ge3A_289 : i1 to i32
      %cond3A_291 = arith.constant 0 : i32
      %cond3A_292 = arith.cmpi ne, %convert_element_type3A_290, %cond3A_291 : i32
      scf.if %cond3A_292 {
        %sub3A_458 = arith.constant 1 : i32
        %sub3A_459 = arith.subi %while3A_288, %sub3A_458 : i32
        %rem3A_460 = arith.constant 4 : i32
        %rem3A_461 = arith.remsi %sub3A_459, %rem3A_460 : i32
        %mul3A_462 = arith.constant 4 : i32
        %mul3A_463 = arith.muli %rem3A_461, %mul3A_462 : i32
        %add3A_464 = arith.constant 0 : i32
        %add3A_465 = arith.addi %mul3A_463, %add3A_464 : i32
        %mul3A_466 = arith.constant 128 : i32
        %mul3A_467 = arith.muli %add3A_465, %mul3A_466 : i32
        %mul3A_468 = arith.constant 4 : i32
        %mul3A_469 = arith.muli %sub3A_459, %mul3A_468 : i32
        %add3A_470 = arith.constant 0 : i32
        %add3A_471 = arith.addi %mul3A_469, %add3A_470 : i32
        %dma_wait3A_472 = arith.constant 0 : i32
        %dma_wait3A_473 = tpu.memref_slice %arg9[%mul3A_467, %dma_wait3A_472] : memref<2048x16xf32, #tpu.memory_space<vmem>> -> memref<128x16xf32, #tpu.memory_space<vmem>>
        %dma_wait3A_474 = arith.constant 0 : i32
        %dma_wait3A_475 = tpu.memref_slice %arg8[%add3A_471, %dma_wait3A_474] : memref<112x128xi32, #tpu.memory_space<vmem>> -> memref<1x128xi32, #tpu.memory_space<vmem>>
        %dma_wait3A_476 = tpu.memref_squeeze %dma_wait3A_475 : memref<1x128xi32, #tpu.memory_space<vmem>> -> memref<128xi32, #tpu.memory_space<vmem>>
        %dma_wait3A_477 = arith.constant 0 : i32
        %dma_wait3A_478 = arith.constant 0 : i32
        %dma_wait3A_479 = tpu.memref_slice %arg10[%dma_wait3A_477, %dma_wait3A_478] : memref<10112x16xf32, #tpu.memory_space<vmem_shared>> -> memref<10112x16xf32, #tpu.memory_space<vmem_shared>>
        tpu.wait_indirect_dma semaphore(%arg12 : memref<!tpu.dma_semaphore, #tpu.memory_space<semaphore_mem>>) src(%dma_wait3A_473 : memref<128x16xf32, #tpu.memory_space<vmem>>) dst(%dma_wait3A_479 : memref<10112x16xf32, #tpu.memory_space<vmem_shared>>)
        %sub3A_480 = arith.constant 1 : i32
        %sub3A_481 = arith.subi %while3A_288, %sub3A_480 : i32
        %rem3A_482 = arith.constant 4 : i32
        %rem3A_483 = arith.remsi %sub3A_481, %rem3A_482 : i32
        %mul3A_484 = arith.constant 4 : i32
        %mul3A_485 = arith.muli %rem3A_483, %mul3A_484 : i32
        %add3A_486 = arith.constant 1 : i32
        %add3A_487 = arith.addi %mul3A_485, %add3A_486 : i32
        %mul3A_488 = arith.constant 128 : i32
        %mul3A_489 = arith.muli %add3A_487, %mul3A_488 : i32
        %mul3A_490 = arith.constant 4 : i32
        %mul3A_491 = arith.muli %sub3A_481, %mul3A_490 : i32
        %add3A_492 = arith.constant 1 : i32
        %add3A_493 = arith.addi %mul3A_491, %add3A_492 : i32
        %dma_wait3A_494 = arith.constant 0 : i32
        %dma_wait3A_495 = tpu.memref_slice %arg9[%mul3A_489, %dma_wait3A_494] : memref<2048x16xf32, #tpu.memory_space<vmem>> -> memref<128x16xf32, #tpu.memory_space<vmem>>
        %dma_wait3A_496 = arith.constant 0 : i32
        %dma_wait3A_497 = tpu.memref_slice %arg8[%add3A_493, %dma_wait3A_496] : memref<112x128xi32, #tpu.memory_space<vmem>> -> memref<1x128xi32, #tpu.memory_space<vmem>>
        %dma_wait3A_498 = tpu.memref_squeeze %dma_wait3A_497 : memref<1x128xi32, #tpu.memory_space<vmem>> -> memref<128xi32, #tpu.memory_space<vmem>>
        %dma_wait3A_499 = arith.constant 0 : i32
        %dma_wait3A_500 = arith.constant 0 : i32
        %dma_wait3A_501 = tpu.memref_slice %arg10[%dma_wait3A_499, %dma_wait3A_500] : memref<10112x16xf32, #tpu.memory_space<vmem_shared>> -> memref<10112x16xf32, #tpu.memory_space<vmem_shared>>
        tpu.wait_indirect_dma semaphore(%arg12 : memref<!tpu.dma_semaphore, #tpu.memory_space<semaphore_mem>>) src(%dma_wait3A_495 : memref<128x16xf32, #tpu.memory_space<vmem>>) dst(%dma_wait3A_501 : memref<10112x16xf32, #tpu.memory_space<vmem_shared>>)
        %sub3A_502 = arith.constant 1 : i32
        %sub3A_503 = arith.subi %while3A_288, %sub3A_502 : i32
        %rem3A_504 = arith.constant 4 : i32
        %rem3A_505 = arith.remsi %sub3A_503, %rem3A_504 : i32
        %mul3A_506 = arith.constant 4 : i32
        %mul3A_507 = arith.muli %rem3A_505, %mul3A_506 : i32
        %add3A_508 = arith.constant 2 : i32
        %add3A_509 = arith.addi %mul3A_507, %add3A_508 : i32
        %mul3A_510 = arith.constant 128 : i32
        %mul3A_511 = arith.muli %add3A_509, %mul3A_510 : i32
        %mul3A_512 = arith.constant 4 : i32
        %mul3A_513 = arith.muli %sub3A_503, %mul3A_512 : i32
        %add3A_514 = arith.constant 2 : i32
        %add3A_515 = arith.addi %mul3A_513, %add3A_514 : i32
        %dma_wait3A_516 = arith.constant 0 : i32
        %dma_wait3A_517 = tpu.memref_slice %arg9[%mul3A_511, %dma_wait3A_516] : memref<2048x16xf32, #tpu.memory_space<vmem>> -> memref<128x16xf32, #tpu.memory_space<vmem>>
        %dma_wait3A_518 = arith.constant 0 : i32
        %dma_wait3A_519 = tpu.memref_slice %arg8[%add3A_515, %dma_wait3A_518] : memref<112x128xi32, #tpu.memory_space<vmem>> -> memref<1x128xi32, #tpu.memory_space<vmem>>
        %dma_wait3A_520 = tpu.memref_squeeze %dma_wait3A_519 : memref<1x128xi32, #tpu.memory_space<vmem>> -> memref<128xi32, #tpu.memory_space<vmem>>
        %dma_wait3A_521 = arith.constant 0 : i32
        %dma_wait3A_522 = arith.constant 0 : i32
        %dma_wait3A_523 = tpu.memref_slice %arg10[%dma_wait3A_521, %dma_wait3A_522] : memref<10112x16xf32, #tpu.memory_space<vmem_shared>> -> memref<10112x16xf32, #tpu.memory_space<vmem_shared>>
        tpu.wait_indirect_dma semaphore(%arg12 : memref<!tpu.dma_semaphore, #tpu.memory_space<semaphore_mem>>) src(%dma_wait3A_517 : memref<128x16xf32, #tpu.memory_space<vmem>>) dst(%dma_wait3A_523 : memref<10112x16xf32, #tpu.memory_space<vmem_shared>>)
        %sub3A_524 = arith.constant 1 : i32
        %sub3A_525 = arith.subi %while3A_288, %sub3A_524 : i32
        %rem3A_526 = arith.constant 4 : i32
        %rem3A_527 = arith.remsi %sub3A_525, %rem3A_526 : i32
        %mul3A_528 = arith.constant 4 : i32
        %mul3A_529 = arith.muli %rem3A_527, %mul3A_528 : i32
        %add3A_530 = arith.constant 3 : i32
        %add3A_531 = arith.addi %mul3A_529, %add3A_530 : i32
        %mul3A_532 = arith.constant 128 : i32
        %mul3A_533 = arith.muli %add3A_531, %mul3A_532 : i32
        %mul3A_534 = arith.constant 4 : i32
        %mul3A_535 = arith.muli %sub3A_525, %mul3A_534 : i32
        %add3A_536 = arith.constant 3 : i32
        %add3A_537 = arith.addi %mul3A_535, %add3A_536 : i32
        %dma_wait3A_538 = arith.constant 0 : i32
        %dma_wait3A_539 = tpu.memref_slice %arg9[%mul3A_533, %dma_wait3A_538] : memref<2048x16xf32, #tpu.memory_space<vmem>> -> memref<128x16xf32, #tpu.memory_space<vmem>>
        %dma_wait3A_540 = arith.constant 0 : i32
        %dma_wait3A_541 = tpu.memref_slice %arg8[%add3A_537, %dma_wait3A_540] : memref<112x128xi32, #tpu.memory_space<vmem>> -> memref<1x128xi32, #tpu.memory_space<vmem>>
        %dma_wait3A_542 = tpu.memref_squeeze %dma_wait3A_541 : memref<1x128xi32, #tpu.memory_space<vmem>> -> memref<128xi32, #tpu.memory_space<vmem>>
        %dma_wait3A_543 = arith.constant 0 : i32
        %dma_wait3A_544 = arith.constant 0 : i32
        %dma_wait3A_545 = tpu.memref_slice %arg10[%dma_wait3A_543, %dma_wait3A_544] : memref<10112x16xf32, #tpu.memory_space<vmem_shared>> -> memref<10112x16xf32, #tpu.memory_space<vmem_shared>>
        tpu.wait_indirect_dma semaphore(%arg12 : memref<!tpu.dma_semaphore, #tpu.memory_space<semaphore_mem>>) src(%dma_wait3A_539 : memref<128x16xf32, #tpu.memory_space<vmem>>) dst(%dma_wait3A_545 : memref<10112x16xf32, #tpu.memory_space<vmem_shared>>)
      } else {
      }
      %add3A_293 = arith.constant 2 : i32
      %add3A_294 = arith.addi %while3A_288, %add3A_293 : i32
      %lt3A = arith.cmpi slt, %add3A_294, %select_n3A : i32
      %convert_element_type3A_295 = arith.extui %lt3A : i1 to i32
      %cond3A_296 = arith.constant 0 : i32
      %cond3A_297 = arith.cmpi ne, %convert_element_type3A_295, %cond3A_296 : i32
      scf.if %cond3A_297 {
        %add3A_458 = arith.constant 2 : i32
        %add3A_459 = arith.addi %while3A_288, %add3A_458 : i32
        %rem3A_460 = arith.constant 4 : i32
        %rem3A_461 = arith.remsi %add3A_459, %rem3A_460 : i32
        %mul3A_462 = arith.constant 4 : i32
        %mul3A_463 = arith.muli %add3A_459, %mul3A_462 : i32
        %add3A_464 = arith.constant 0 : i32
        %add3A_465 = arith.addi %mul3A_463, %add3A_464 : i32
        %mul3A_466 = arith.constant 4 : i32
        %mul3A_467 = arith.muli %rem3A_461, %mul3A_466 : i32
        %add3A_468 = arith.constant 0 : i32
        %add3A_469 = arith.addi %mul3A_467, %add3A_468 : i32
        %mul3A_470 = arith.constant 128 : i32
        %mul3A_471 = arith.muli %add3A_469, %mul3A_470 : i32
        %dma_start3A_472 = arith.constant 0 : i32
        %dma_start3A_473 = tpu.memref_slice %arg9[%mul3A_471, %dma_start3A_472] : memref<2048x16xf32, #tpu.memory_space<vmem>> -> memref<128x16xf32, #tpu.memory_space<vmem>>
        %dma_start3A_474 = arith.constant 0 : i32
        %dma_start3A_475 = tpu.memref_slice %arg7[%add3A_465, %dma_start3A_474] : memref<112x128xi32, #tpu.memory_space<vmem>> -> memref<1x128xi32, #tpu.memory_space<vmem>>
        %dma_start3A_476 = tpu.memref_squeeze %dma_start3A_475 : memref<1x128xi32, #tpu.memory_space<vmem>> -> memref<128xi32, #tpu.memory_space<vmem>>
        %dma_start3A_477 = arith.constant 0 : i32
        %dma_start3A_478 = arith.constant 0 : i32
        %dma_start3A_479 = tpu.memref_slice %arg2[%dma_start3A_477, %dma_start3A_478] : memref<10112x16xf32, #tpu.memory_space<hbm>> -> memref<10112x16xf32, #tpu.memory_space<hbm>>
        tpu.enqueue_indirect_dma source(%dma_start3A_479 : memref<10112x16xf32, #tpu.memory_space<hbm>>) target(%dma_start3A_473 : memref<128x16xf32, #tpu.memory_space<vmem>>) offsets(%dma_start3A_476 : memref<128xi32, #tpu.memory_space<vmem>>) semaphore(%arg11 : memref<!tpu.dma_semaphore, #tpu.memory_space<semaphore_mem>>)
        %add3A_480 = arith.constant 2 : i32
        %add3A_481 = arith.addi %while3A_288, %add3A_480 : i32
        %rem3A_482 = arith.constant 4 : i32
        %rem3A_483 = arith.remsi %add3A_481, %rem3A_482 : i32
        %mul3A_484 = arith.constant 4 : i32
        %mul3A_485 = arith.muli %add3A_481, %mul3A_484 : i32
        %add3A_486 = arith.constant 1 : i32
        %add3A_487 = arith.addi %mul3A_485, %add3A_486 : i32
        %mul3A_488 = arith.constant 4 : i32
        %mul3A_489 = arith.muli %rem3A_483, %mul3A_488 : i32
        %add3A_490 = arith.constant 1 : i32
        %add3A_491 = arith.addi %mul3A_489, %add3A_490 : i32
        %mul3A_492 = arith.constant 128 : i32
        %mul3A_493 = arith.muli %add3A_491, %mul3A_492 : i32
        %dma_start3A_494 = arith.constant 0 : i32
        %dma_start3A_495 = tpu.memref_slice %arg9[%mul3A_493, %dma_start3A_494] : memref<2048x16xf32, #tpu.memory_space<vmem>> -> memref<128x16xf32, #tpu.memory_space<vmem>>
        %dma_start3A_496 = arith.constant 0 : i32
        %dma_start3A_497 = tpu.memref_slice %arg7[%add3A_487, %dma_start3A_496] : memref<112x128xi32, #tpu.memory_space<vmem>> -> memref<1x128xi32, #tpu.memory_space<vmem>>
        %dma_start3A_498 = tpu.memref_squeeze %dma_start3A_497 : memref<1x128xi32, #tpu.memory_space<vmem>> -> memref<128xi32, #tpu.memory_space<vmem>>
        %dma_start3A_499 = arith.constant 0 : i32
        %dma_start3A_500 = arith.constant 0 : i32
        %dma_start3A_501 = tpu.memref_slice %arg2[%dma_start3A_499, %dma_start3A_500] : memref<10112x16xf32, #tpu.memory_space<hbm>> -> memref<10112x16xf32, #tpu.memory_space<hbm>>
        tpu.enqueue_indirect_dma source(%dma_start3A_501 : memref<10112x16xf32, #tpu.memory_space<hbm>>) target(%dma_start3A_495 : memref<128x16xf32, #tpu.memory_space<vmem>>) offsets(%dma_start3A_498 : memref<128xi32, #tpu.memory_space<vmem>>) semaphore(%arg11 : memref<!tpu.dma_semaphore, #tpu.memory_space<semaphore_mem>>)
        %add3A_502 = arith.constant 2 : i32
        %add3A_503 = arith.addi %while3A_288, %add3A_502 : i32
        %rem3A_504 = arith.constant 4 : i32
        %rem3A_505 = arith.remsi %add3A_503, %rem3A_504 : i32
        %mul3A_506 = arith.constant 4 : i32
        %mul3A_507 = arith.muli %add3A_503, %mul3A_506 : i32
        %add3A_508 = arith.constant 2 : i32
        %add3A_509 = arith.addi %mul3A_507, %add3A_508 : i32
        %mul3A_510 = arith.constant 4 : i32
        %mul3A_511 = arith.muli %rem3A_505, %mul3A_510 : i32
        %add3A_512 = arith.constant 2 : i32
        %add3A_513 = arith.addi %mul3A_511, %add3A_512 : i32
        %mul3A_514 = arith.constant 128 : i32
        %mul3A_515 = arith.muli %add3A_513, %mul3A_514 : i32
        %dma_start3A_516 = arith.constant 0 : i32
        %dma_start3A_517 = tpu.memref_slice %arg9[%mul3A_515, %dma_start3A_516] : memref<2048x16xf32, #tpu.memory_space<vmem>> -> memref<128x16xf32, #tpu.memory_space<vmem>>
        %dma_start3A_518 = arith.constant 0 : i32
        %dma_start3A_519 = tpu.memref_slice %arg7[%add3A_509, %dma_start3A_518] : memref<112x128xi32, #tpu.memory_space<vmem>> -> memref<1x128xi32, #tpu.memory_space<vmem>>
        %dma_start3A_520 = tpu.memref_squeeze %dma_start3A_519 : memref<1x128xi32, #tpu.memory_space<vmem>> -> memref<128xi32, #tpu.memory_space<vmem>>
        %dma_start3A_521 = arith.constant 0 : i32
        %dma_start3A_522 = arith.constant 0 : i32
        %dma_start3A_523 = tpu.memref_slice %arg2[%dma_start3A_521, %dma_start3A_522] : memref<10112x16xf32, #tpu.memory_space<hbm>> -> memref<10112x16xf32, #tpu.memory_space<hbm>>
        tpu.enqueue_indirect_dma source(%dma_start3A_523 : memref<10112x16xf32, #tpu.memory_space<hbm>>) target(%dma_start3A_517 : memref<128x16xf32, #tpu.memory_space<vmem>>) offsets(%dma_start3A_520 : memref<128xi32, #tpu.memory_space<vmem>>) semaphore(%arg11 : memref<!tpu.dma_semaphore, #tpu.memory_space<semaphore_mem>>)
        %add3A_524 = arith.constant 2 : i32
        %add3A_525 = arith.addi %while3A_288, %add3A_524 : i32
        %rem3A_526 = arith.constant 4 : i32
        %rem3A_527 = arith.remsi %add3A_525, %rem3A_526 : i32
        %mul3A_528 = arith.constant 4 : i32
        %mul3A_529 = arith.muli %add3A_525, %mul3A_528 : i32
        %add3A_530 = arith.constant 3 : i32
        %add3A_531 = arith.addi %mul3A_529, %add3A_530 : i32
        %mul3A_532 = arith.constant 4 : i32
        %mul3A_533 = arith.muli %rem3A_527, %mul3A_532 : i32
        %add3A_534 = arith.constant 3 : i32
        %add3A_535 = arith.addi %mul3A_533, %add3A_534 : i32
        %mul3A_536 = arith.constant 128 : i32
        %mul3A_537 = arith.muli %add3A_535, %mul3A_536 : i32
        %dma_start3A_538 = arith.constant 0 : i32
        %dma_start3A_539 = tpu.memref_slice %arg9[%mul3A_537, %dma_start3A_538] : memref<2048x16xf32, #tpu.memory_space<vmem>> -> memref<128x16xf32, #tpu.memory_space<vmem>>
        %dma_start3A_540 = arith.constant 0 : i32
        %dma_start3A_541 = tpu.memref_slice %arg7[%add3A_531, %dma_start3A_540] : memref<112x128xi32, #tpu.memory_space<vmem>> -> memref<1x128xi32, #tpu.memory_space<vmem>>
        %dma_start3A_542 = tpu.memref_squeeze %dma_start3A_541 : memref<1x128xi32, #tpu.memory_space<vmem>> -> memref<128xi32, #tpu.memory_space<vmem>>
        %dma_start3A_543 = arith.constant 0 : i32
        %dma_start3A_544 = arith.constant 0 : i32
        %dma_start3A_545 = tpu.memref_slice %arg2[%dma_start3A_543, %dma_start3A_544] : memref<10112x16xf32, #tpu.memory_space<hbm>> -> memref<10112x16xf32, #tpu.memory_space<hbm>>
        tpu.enqueue_indirect_dma source(%dma_start3A_545 : memref<10112x16xf32, #tpu.memory_space<hbm>>) target(%dma_start3A_539 : memref<128x16xf32, #tpu.memory_space<vmem>>) offsets(%dma_start3A_542 : memref<128xi32, #tpu.memory_space<vmem>>) semaphore(%arg11 : memref<!tpu.dma_semaphore, #tpu.memory_space<semaphore_mem>>)
      } else {
      }
      %rem3A_298 = arith.constant 4 : i32
      %rem3A_299 = arith.remsi %while3A_288, %rem3A_298 : i32
      %mul3A_300 = arith.constant 4 : i32
      %mul3A_301 = arith.muli %while3A_288, %mul3A_300 : i32
      %add3A_302 = arith.constant 0 : i32
      %add3A_303 = arith.addi %mul3A_301, %add3A_302 : i32
      %mul3A_304 = arith.constant 4 : i32
      %mul3A_305 = arith.muli %rem3A_299, %mul3A_304 : i32
      %add3A_306 = arith.constant 0 : i32
      %add3A_307 = arith.addi %mul3A_305, %add3A_306 : i32
      %mul3A_308 = arith.constant 128 : i32
      %mul3A_309 = arith.muli %add3A_307, %mul3A_308 : i32
      %dma_wait3A_310 = arith.constant 0 : i32
      %dma_wait3A_311 = tpu.memref_slice %arg9[%mul3A_309, %dma_wait3A_310] : memref<2048x16xf32, #tpu.memory_space<vmem>> -> memref<128x16xf32, #tpu.memory_space<vmem>>
      %dma_wait3A_312 = arith.constant 0 : i32
      %dma_wait3A_313 = tpu.memref_slice %arg7[%add3A_303, %dma_wait3A_312] : memref<112x128xi32, #tpu.memory_space<vmem>> -> memref<1x128xi32, #tpu.memory_space<vmem>>
      %dma_wait3A_314 = tpu.memref_squeeze %dma_wait3A_313 : memref<1x128xi32, #tpu.memory_space<vmem>> -> memref<128xi32, #tpu.memory_space<vmem>>
      %dma_wait3A_315 = arith.constant 0 : i32
      %dma_wait3A_316 = arith.constant 0 : i32
      %dma_wait3A_317 = tpu.memref_slice %arg2[%dma_wait3A_315, %dma_wait3A_316] : memref<10112x16xf32, #tpu.memory_space<hbm>> -> memref<10112x16xf32, #tpu.memory_space<hbm>>
      tpu.wait_indirect_dma semaphore(%arg11 : memref<!tpu.dma_semaphore, #tpu.memory_space<semaphore_mem>>) src(%dma_wait3A_317 : memref<10112x16xf32, #tpu.memory_space<hbm>>) dst(%dma_wait3A_311 : memref<128x16xf32, #tpu.memory_space<vmem>>)
      %rem3A_318 = arith.constant 4 : i32
      %rem3A_319 = arith.remsi %while3A_288, %rem3A_318 : i32
      %mul3A_320 = arith.constant 4 : i32
      %mul3A_321 = arith.muli %while3A_288, %mul3A_320 : i32
      %add3A_322 = arith.constant 1 : i32
      %add3A_323 = arith.addi %mul3A_321, %add3A_322 : i32
      %mul3A_324 = arith.constant 4 : i32
      %mul3A_325 = arith.muli %rem3A_319, %mul3A_324 : i32
      %add3A_326 = arith.constant 1 : i32
      %add3A_327 = arith.addi %mul3A_325, %add3A_326 : i32
      %mul3A_328 = arith.constant 128 : i32
      %mul3A_329 = arith.muli %add3A_327, %mul3A_328 : i32
      %dma_wait3A_330 = arith.constant 0 : i32
      %dma_wait3A_331 = tpu.memref_slice %arg9[%mul3A_329, %dma_wait3A_330] : memref<2048x16xf32, #tpu.memory_space<vmem>> -> memref<128x16xf32, #tpu.memory_space<vmem>>
      %dma_wait3A_332 = arith.constant 0 : i32
      %dma_wait3A_333 = tpu.memref_slice %arg7[%add3A_323, %dma_wait3A_332] : memref<112x128xi32, #tpu.memory_space<vmem>> -> memref<1x128xi32, #tpu.memory_space<vmem>>
      %dma_wait3A_334 = tpu.memref_squeeze %dma_wait3A_333 : memref<1x128xi32, #tpu.memory_space<vmem>> -> memref<128xi32, #tpu.memory_space<vmem>>
      %dma_wait3A_335 = arith.constant 0 : i32
      %dma_wait3A_336 = arith.constant 0 : i32
      %dma_wait3A_337 = tpu.memref_slice %arg2[%dma_wait3A_335, %dma_wait3A_336] : memref<10112x16xf32, #tpu.memory_space<hbm>> -> memref<10112x16xf32, #tpu.memory_space<hbm>>
      tpu.wait_indirect_dma semaphore(%arg11 : memref<!tpu.dma_semaphore, #tpu.memory_space<semaphore_mem>>) src(%dma_wait3A_337 : memref<10112x16xf32, #tpu.memory_space<hbm>>) dst(%dma_wait3A_331 : memref<128x16xf32, #tpu.memory_space<vmem>>)
      %rem3A_338 = arith.constant 4 : i32
      %rem3A_339 = arith.remsi %while3A_288, %rem3A_338 : i32
      %mul3A_340 = arith.constant 4 : i32
      %mul3A_341 = arith.muli %while3A_288, %mul3A_340 : i32
      %add3A_342 = arith.constant 2 : i32
      %add3A_343 = arith.addi %mul3A_341, %add3A_342 : i32
      %mul3A_344 = arith.constant 4 : i32
      %mul3A_345 = arith.muli %rem3A_339, %mul3A_344 : i32
      %add3A_346 = arith.constant 2 : i32
      %add3A_347 = arith.addi %mul3A_345, %add3A_346 : i32
      %mul3A_348 = arith.constant 128 : i32
      %mul3A_349 = arith.muli %add3A_347, %mul3A_348 : i32
      %dma_wait3A_350 = arith.constant 0 : i32
      %dma_wait3A_351 = tpu.memref_slice %arg9[%mul3A_349, %dma_wait3A_350] : memref<2048x16xf32, #tpu.memory_space<vmem>> -> memref<128x16xf32, #tpu.memory_space<vmem>>
      %dma_wait3A_352 = arith.constant 0 : i32
      %dma_wait3A_353 = tpu.memref_slice %arg7[%add3A_343, %dma_wait3A_352] : memref<112x128xi32, #tpu.memory_space<vmem>> -> memref<1x128xi32, #tpu.memory_space<vmem>>
      %dma_wait3A_354 = tpu.memref_squeeze %dma_wait3A_353 : memref<1x128xi32, #tpu.memory_space<vmem>> -> memref<128xi32, #tpu.memory_space<vmem>>
      %dma_wait3A_355 = arith.constant 0 : i32
      %dma_wait3A_356 = arith.constant 0 : i32
      %dma_wait3A_357 = tpu.memref_slice %arg2[%dma_wait3A_355, %dma_wait3A_356] : memref<10112x16xf32, #tpu.memory_space<hbm>> -> memref<10112x16xf32, #tpu.memory_space<hbm>>
      tpu.wait_indirect_dma semaphore(%arg11 : memref<!tpu.dma_semaphore, #tpu.memory_space<semaphore_mem>>) src(%dma_wait3A_357 : memref<10112x16xf32, #tpu.memory_space<hbm>>) dst(%dma_wait3A_351 : memref<128x16xf32, #tpu.memory_space<vmem>>)
      %rem3A_358 = arith.constant 4 : i32
      %rem3A_359 = arith.remsi %while3A_288, %rem3A_358 : i32
      %mul3A_360 = arith.constant 4 : i32
      %mul3A_361 = arith.muli %while3A_288, %mul3A_360 : i32
      %add3A_362 = arith.constant 3 : i32
      %add3A_363 = arith.addi %mul3A_361, %add3A_362 : i32
      %mul3A_364 = arith.constant 4 : i32
      %mul3A_365 = arith.muli %rem3A_359, %mul3A_364 : i32
      %add3A_366 = arith.constant 3 : i32
      %add3A_367 = arith.addi %mul3A_365, %add3A_366 : i32
      %mul3A_368 = arith.constant 128 : i32
      %mul3A_369 = arith.muli %add3A_367, %mul3A_368 : i32
      %dma_wait3A_370 = arith.constant 0 : i32
      %dma_wait3A_371 = tpu.memref_slice %arg9[%mul3A_369, %dma_wait3A_370] : memref<2048x16xf32, #tpu.memory_space<vmem>> -> memref<128x16xf32, #tpu.memory_space<vmem>>
      %dma_wait3A_372 = arith.constant 0 : i32
      %dma_wait3A_373 = tpu.memref_slice %arg7[%add3A_363, %dma_wait3A_372] : memref<112x128xi32, #tpu.memory_space<vmem>> -> memref<1x128xi32, #tpu.memory_space<vmem>>
      %dma_wait3A_374 = tpu.memref_squeeze %dma_wait3A_373 : memref<1x128xi32, #tpu.memory_space<vmem>> -> memref<128xi32, #tpu.memory_space<vmem>>
      %dma_wait3A_375 = arith.constant 0 : i32
      %dma_wait3A_376 = arith.constant 0 : i32
      %dma_wait3A_377 = tpu.memref_slice %arg2[%dma_wait3A_375, %dma_wait3A_376] : memref<10112x16xf32, #tpu.memory_space<hbm>> -> memref<10112x16xf32, #tpu.memory_space<hbm>>
      tpu.wait_indirect_dma semaphore(%arg11 : memref<!tpu.dma_semaphore, #tpu.memory_space<semaphore_mem>>) src(%dma_wait3A_377 : memref<10112x16xf32, #tpu.memory_space<hbm>>) dst(%dma_wait3A_371 : memref<128x16xf32, #tpu.memory_space<vmem>>)
      %rem3A_378 = arith.constant 4 : i32
      %rem3A_379 = arith.remsi %while3A_288, %rem3A_378 : i32
      %mul3A_380 = arith.constant 4 : i32
      %mul3A_381 = arith.muli %rem3A_379, %mul3A_380 : i32
      %add3A_382 = arith.constant 0 : i32
      %add3A_383 = arith.addi %mul3A_381, %add3A_382 : i32
      %mul3A_384 = arith.constant 128 : i32
      %mul3A_385 = arith.muli %add3A_383, %mul3A_384 : i32
      %mul3A_386 = arith.constant 4 : i32
      %mul3A_387 = arith.muli %while3A_288, %mul3A_386 : i32
      %add3A_388 = arith.constant 0 : i32
      %add3A_389 = arith.addi %mul3A_387, %add3A_388 : i32
      %dma_start3A_390 = arith.constant 0 : i32
      %dma_start3A_391 = tpu.memref_slice %arg9[%mul3A_385, %dma_start3A_390] : memref<2048x16xf32, #tpu.memory_space<vmem>> -> memref<128x16xf32, #tpu.memory_space<vmem>>
      %dma_start3A_392 = arith.constant 0 : i32
      %dma_start3A_393 = tpu.memref_slice %arg8[%add3A_389, %dma_start3A_392] : memref<112x128xi32, #tpu.memory_space<vmem>> -> memref<1x128xi32, #tpu.memory_space<vmem>>
      %dma_start3A_394 = tpu.memref_squeeze %dma_start3A_393 : memref<1x128xi32, #tpu.memory_space<vmem>> -> memref<128xi32, #tpu.memory_space<vmem>>
      %dma_start3A_395 = arith.constant 0 : i32
      %dma_start3A_396 = arith.constant 0 : i32
      %dma_start3A_397 = tpu.memref_slice %arg10[%dma_start3A_395, %dma_start3A_396] : memref<10112x16xf32, #tpu.memory_space<vmem_shared>> -> memref<10112x16xf32, #tpu.memory_space<vmem_shared>>
      tpu.enqueue_indirect_dma source(%dma_start3A_391 : memref<128x16xf32, #tpu.memory_space<vmem>>) target(%dma_start3A_397 : memref<10112x16xf32, #tpu.memory_space<vmem_shared>>) offsets(%dma_start3A_394 : memref<128xi32, #tpu.memory_space<vmem>>) semaphore(%arg12 : memref<!tpu.dma_semaphore, #tpu.memory_space<semaphore_mem>>) {add = true}
      %rem3A_398 = arith.constant 4 : i32
      %rem3A_399 = arith.remsi %while3A_288, %rem3A_398 : i32
      %mul3A_400 = arith.constant 4 : i32
      %mul3A_401 = arith.muli %rem3A_399, %mul3A_400 : i32
      %add3A_402 = arith.constant 1 : i32
      %add3A_403 = arith.addi %mul3A_401, %add3A_402 : i32
      %mul3A_404 = arith.constant 128 : i32
      %mul3A_405 = arith.muli %add3A_403, %mul3A_404 : i32
      %mul3A_406 = arith.constant 4 : i32
      %mul3A_407 = arith.muli %while3A_288, %mul3A_406 : i32
      %add3A_408 = arith.constant 1 : i32
      %add3A_409 = arith.addi %mul3A_407, %add3A_408 : i32
      %dma_start3A_410 = arith.constant 0 : i32
      %dma_start3A_411 = tpu.memref_slice %arg9[%mul3A_405, %dma_start3A_410] : memref<2048x16xf32, #tpu.memory_space<vmem>> -> memref<128x16xf32, #tpu.memory_space<vmem>>
      %dma_start3A_412 = arith.constant 0 : i32
      %dma_start3A_413 = tpu.memref_slice %arg8[%add3A_409, %dma_start3A_412] : memref<112x128xi32, #tpu.memory_space<vmem>> -> memref<1x128xi32, #tpu.memory_space<vmem>>
      %dma_start3A_414 = tpu.memref_squeeze %dma_start3A_413 : memref<1x128xi32, #tpu.memory_space<vmem>> -> memref<128xi32, #tpu.memory_space<vmem>>
      %dma_start3A_415 = arith.constant 0 : i32
      %dma_start3A_416 = arith.constant 0 : i32
      %dma_start3A_417 = tpu.memref_slice %arg10[%dma_start3A_415, %dma_start3A_416] : memref<10112x16xf32, #tpu.memory_space<vmem_shared>> -> memref<10112x16xf32, #tpu.memory_space<vmem_shared>>
      tpu.enqueue_indirect_dma source(%dma_start3A_411 : memref<128x16xf32, #tpu.memory_space<vmem>>) target(%dma_start3A_417 : memref<10112x16xf32, #tpu.memory_space<vmem_shared>>) offsets(%dma_start3A_414 : memref<128xi32, #tpu.memory_space<vmem>>) semaphore(%arg12 : memref<!tpu.dma_semaphore, #tpu.memory_space<semaphore_mem>>) {add = true}
      %rem3A_418 = arith.constant 4 : i32
      %rem3A_419 = arith.remsi %while3A_288, %rem3A_418 : i32
      %mul3A_420 = arith.constant 4 : i32
      %mul3A_421 = arith.muli %rem3A_419, %mul3A_420 : i32
      %add3A_422 = arith.constant 2 : i32
      %add3A_423 = arith.addi %mul3A_421, %add3A_422 : i32
      %mul3A_424 = arith.constant 128 : i32
      %mul3A_425 = arith.muli %add3A_423, %mul3A_424 : i32
      %mul3A_426 = arith.constant 4 : i32
      %mul3A_427 = arith.muli %while3A_288, %mul3A_426 : i32
      %add3A_428 = arith.constant 2 : i32
      %add3A_429 = arith.addi %mul3A_427, %add3A_428 : i32
      %dma_start3A_430 = arith.constant 0 : i32
      %dma_start3A_431 = tpu.memref_slice %arg9[%mul3A_425, %dma_start3A_430] : memref<2048x16xf32, #tpu.memory_space<vmem>> -> memref<128x16xf32, #tpu.memory_space<vmem>>
      %dma_start3A_432 = arith.constant 0 : i32
      %dma_start3A_433 = tpu.memref_slice %arg8[%add3A_429, %dma_start3A_432] : memref<112x128xi32, #tpu.memory_space<vmem>> -> memref<1x128xi32, #tpu.memory_space<vmem>>
      %dma_start3A_434 = tpu.memref_squeeze %dma_start3A_433 : memref<1x128xi32, #tpu.memory_space<vmem>> -> memref<128xi32, #tpu.memory_space<vmem>>
      %dma_start3A_435 = arith.constant 0 : i32
      %dma_start3A_436 = arith.constant 0 : i32
      %dma_start3A_437 = tpu.memref_slice %arg10[%dma_start3A_435, %dma_start3A_436] : memref<10112x16xf32, #tpu.memory_space<vmem_shared>> -> memref<10112x16xf32, #tpu.memory_space<vmem_shared>>
      tpu.enqueue_indirect_dma source(%dma_start3A_431 : memref<128x16xf32, #tpu.memory_space<vmem>>) target(%dma_start3A_437 : memref<10112x16xf32, #tpu.memory_space<vmem_shared>>) offsets(%dma_start3A_434 : memref<128xi32, #tpu.memory_space<vmem>>) semaphore(%arg12 : memref<!tpu.dma_semaphore, #tpu.memory_space<semaphore_mem>>) {add = true}
      %rem3A_438 = arith.constant 4 : i32
      %rem3A_439 = arith.remsi %while3A_288, %rem3A_438 : i32
      %mul3A_440 = arith.constant 4 : i32
      %mul3A_441 = arith.muli %rem3A_439, %mul3A_440 : i32
      %add3A_442 = arith.constant 3 : i32
      %add3A_443 = arith.addi %mul3A_441, %add3A_442 : i32
      %mul3A_444 = arith.constant 128 : i32
      %mul3A_445 = arith.muli %add3A_443, %mul3A_444 : i32
      %mul3A_446 = arith.constant 4 : i32
      %mul3A_447 = arith.muli %while3A_288, %mul3A_446 : i32
      %add3A_448 = arith.constant 3 : i32
      %add3A_449 = arith.addi %mul3A_447, %add3A_448 : i32
      %dma_start3A_450 = arith.constant 0 : i32
      %dma_start3A_451 = tpu.memref_slice %arg9[%mul3A_445, %dma_start3A_450] : memref<2048x16xf32, #tpu.memory_space<vmem>> -> memref<128x16xf32, #tpu.memory_space<vmem>>
      %dma_start3A_452 = arith.constant 0 : i32
      %dma_start3A_453 = tpu.memref_slice %arg8[%add3A_449, %dma_start3A_452] : memref<112x128xi32, #tpu.memory_space<vmem>> -> memref<1x128xi32, #tpu.memory_space<vmem>>
      %dma_start3A_454 = tpu.memref_squeeze %dma_start3A_453 : memref<1x128xi32, #tpu.memory_space<vmem>> -> memref<128xi32, #tpu.memory_space<vmem>>
      %dma_start3A_455 = arith.constant 0 : i32
      %dma_start3A_456 = arith.constant 0 : i32
      %dma_start3A_457 = tpu.memref_slice %arg10[%dma_start3A_455, %dma_start3A_456] : memref<10112x16xf32, #tpu.memory_space<vmem_shared>> -> memref<10112x16xf32, #tpu.memory_space<vmem_shared>>
      tpu.enqueue_indirect_dma source(%dma_start3A_451 : memref<128x16xf32, #tpu.memory_space<vmem>>) target(%dma_start3A_457 : memref<10112x16xf32, #tpu.memory_space<vmem_shared>>) offsets(%dma_start3A_454 : memref<128xi32, #tpu.memory_space<vmem>>) semaphore(%arg12 : memref<!tpu.dma_semaphore, #tpu.memory_space<semaphore_mem>>) {add = true}
    }
    %while3A_192 = arith.constant 1 : i32
    scf.for %while3A_288 = %while3A_190 to %while3A_186 step %while3A_192  : i32 {
      %ge3A = arith.constant 1 : i32
      %ge3A_289 = arith.cmpi sge, %while3A_288, %ge3A : i32
      %convert_element_type3A_290 = arith.extui %ge3A_289 : i1 to i32
      %cond3A_291 = arith.constant 0 : i32
      %cond3A_292 = arith.cmpi ne, %convert_element_type3A_290, %cond3A_291 : i32
      scf.if %cond3A_292 {
        %sub3A_458 = arith.constant 1 : i32
        %sub3A_459 = arith.subi %while3A_288, %sub3A_458 : i32
        %rem3A_460 = arith.constant 4 : i32
        %rem3A_461 = arith.remsi %sub3A_459, %rem3A_460 : i32
        %mul3A_462 = arith.constant 4 : i32
        %mul3A_463 = arith.muli %rem3A_461, %mul3A_462 : i32
        %add3A_464 = arith.constant 0 : i32
        %add3A_465 = arith.addi %mul3A_463, %add3A_464 : i32
        %mul3A_466 = arith.constant 128 : i32
        %mul3A_467 = arith.muli %add3A_465, %mul3A_466 : i32
        %mul3A_468 = arith.constant 4 : i32
        %mul3A_469 = arith.muli %sub3A_459, %mul3A_468 : i32
        %add3A_470 = arith.constant 0 : i32
        %add3A_471 = arith.addi %mul3A_469, %add3A_470 : i32
        %dma_wait3A_472 = arith.constant 0 : i32
        %dma_wait3A_473 = tpu.memref_slice %arg9[%mul3A_467, %dma_wait3A_472] : memref<2048x16xf32, #tpu.memory_space<vmem>> -> memref<128x16xf32, #tpu.memory_space<vmem>>
        %dma_wait3A_474 = arith.constant 0 : i32
        %dma_wait3A_475 = tpu.memref_slice %arg8[%add3A_471, %dma_wait3A_474] : memref<112x128xi32, #tpu.memory_space<vmem>> -> memref<1x128xi32, #tpu.memory_space<vmem>>
        %dma_wait3A_476 = tpu.memref_squeeze %dma_wait3A_475 : memref<1x128xi32, #tpu.memory_space<vmem>> -> memref<128xi32, #tpu.memory_space<vmem>>
        %dma_wait3A_477 = arith.constant 0 : i32
        %dma_wait3A_478 = arith.constant 0 : i32
        %dma_wait3A_479 = tpu.memref_slice %arg10[%dma_wait3A_477, %dma_wait3A_478] : memref<10112x16xf32, #tpu.memory_space<vmem_shared>> -> memref<10112x16xf32, #tpu.memory_space<vmem_shared>>
        tpu.wait_indirect_dma semaphore(%arg12 : memref<!tpu.dma_semaphore, #tpu.memory_space<semaphore_mem>>) src(%dma_wait3A_473 : memref<128x16xf32, #tpu.memory_space<vmem>>) dst(%dma_wait3A_479 : memref<10112x16xf32, #tpu.memory_space<vmem_shared>>)
        %sub3A_480 = arith.constant 1 : i32
        %sub3A_481 = arith.subi %while3A_288, %sub3A_480 : i32
        %rem3A_482 = arith.constant 4 : i32
        %rem3A_483 = arith.remsi %sub3A_481, %rem3A_482 : i32
        %mul3A_484 = arith.constant 4 : i32
        %mul3A_485 = arith.muli %rem3A_483, %mul3A_484 : i32
        %add3A_486 = arith.constant 1 : i32
        %add3A_487 = arith.addi %mul3A_485, %add3A_486 : i32
        %mul3A_488 = arith.constant 128 : i32
        %mul3A_489 = arith.muli %add3A_487, %mul3A_488 : i32
        %mul3A_490 = arith.constant 4 : i32
        %mul3A_491 = arith.muli %sub3A_481, %mul3A_490 : i32
        %add3A_492 = arith.constant 1 : i32
        %add3A_493 = arith.addi %mul3A_491, %add3A_492 : i32
        %dma_wait3A_494 = arith.constant 0 : i32
        %dma_wait3A_495 = tpu.memref_slice %arg9[%mul3A_489, %dma_wait3A_494] : memref<2048x16xf32, #tpu.memory_space<vmem>> -> memref<128x16xf32, #tpu.memory_space<vmem>>
        %dma_wait3A_496 = arith.constant 0 : i32
        %dma_wait3A_497 = tpu.memref_slice %arg8[%add3A_493, %dma_wait3A_496] : memref<112x128xi32, #tpu.memory_space<vmem>> -> memref<1x128xi32, #tpu.memory_space<vmem>>
        %dma_wait3A_498 = tpu.memref_squeeze %dma_wait3A_497 : memref<1x128xi32, #tpu.memory_space<vmem>> -> memref<128xi32, #tpu.memory_space<vmem>>
        %dma_wait3A_499 = arith.constant 0 : i32
        %dma_wait3A_500 = arith.constant 0 : i32
        %dma_wait3A_501 = tpu.memref_slice %arg10[%dma_wait3A_499, %dma_wait3A_500] : memref<10112x16xf32, #tpu.memory_space<vmem_shared>> -> memref<10112x16xf32, #tpu.memory_space<vmem_shared>>
        tpu.wait_indirect_dma semaphore(%arg12 : memref<!tpu.dma_semaphore, #tpu.memory_space<semaphore_mem>>) src(%dma_wait3A_495 : memref<128x16xf32, #tpu.memory_space<vmem>>) dst(%dma_wait3A_501 : memref<10112x16xf32, #tpu.memory_space<vmem_shared>>)
        %sub3A_502 = arith.constant 1 : i32
        %sub3A_503 = arith.subi %while3A_288, %sub3A_502 : i32
        %rem3A_504 = arith.constant 4 : i32
        %rem3A_505 = arith.remsi %sub3A_503, %rem3A_504 : i32
        %mul3A_506 = arith.constant 4 : i32
        %mul3A_507 = arith.muli %rem3A_505, %mul3A_506 : i32
        %add3A_508 = arith.constant 2 : i32
        %add3A_509 = arith.addi %mul3A_507, %add3A_508 : i32
        %mul3A_510 = arith.constant 128 : i32
        %mul3A_511 = arith.muli %add3A_509, %mul3A_510 : i32
        %mul3A_512 = arith.constant 4 : i32
        %mul3A_513 = arith.muli %sub3A_503, %mul3A_512 : i32
        %add3A_514 = arith.constant 2 : i32
        %add3A_515 = arith.addi %mul3A_513, %add3A_514 : i32
        %dma_wait3A_516 = arith.constant 0 : i32
        %dma_wait3A_517 = tpu.memref_slice %arg9[%mul3A_511, %dma_wait3A_516] : memref<2048x16xf32, #tpu.memory_space<vmem>> -> memref<128x16xf32, #tpu.memory_space<vmem>>
        %dma_wait3A_518 = arith.constant 0 : i32
        %dma_wait3A_519 = tpu.memref_slice %arg8[%add3A_515, %dma_wait3A_518] : memref<112x128xi32, #tpu.memory_space<vmem>> -> memref<1x128xi32, #tpu.memory_space<vmem>>
        %dma_wait3A_520 = tpu.memref_squeeze %dma_wait3A_519 : memref<1x128xi32, #tpu.memory_space<vmem>> -> memref<128xi32, #tpu.memory_space<vmem>>
        %dma_wait3A_521 = arith.constant 0 : i32
        %dma_wait3A_522 = arith.constant 0 : i32
        %dma_wait3A_523 = tpu.memref_slice %arg10[%dma_wait3A_521, %dma_wait3A_522] : memref<10112x16xf32, #tpu.memory_space<vmem_shared>> -> memref<10112x16xf32, #tpu.memory_space<vmem_shared>>
        tpu.wait_indirect_dma semaphore(%arg12 : memref<!tpu.dma_semaphore, #tpu.memory_space<semaphore_mem>>) src(%dma_wait3A_517 : memref<128x16xf32, #tpu.memory_space<vmem>>) dst(%dma_wait3A_523 : memref<10112x16xf32, #tpu.memory_space<vmem_shared>>)
        %sub3A_524 = arith.constant 1 : i32
        %sub3A_525 = arith.subi %while3A_288, %sub3A_524 : i32
        %rem3A_526 = arith.constant 4 : i32
        %rem3A_527 = arith.remsi %sub3A_525, %rem3A_526 : i32
        %mul3A_528 = arith.constant 4 : i32
        %mul3A_529 = arith.muli %rem3A_527, %mul3A_528 : i32
        %add3A_530 = arith.constant 3 : i32
        %add3A_531 = arith.addi %mul3A_529, %add3A_530 : i32
        %mul3A_532 = arith.constant 128 : i32
        %mul3A_533 = arith.muli %add3A_531, %mul3A_532 : i32
        %mul3A_534 = arith.constant 4 : i32
        %mul3A_535 = arith.muli %sub3A_525, %mul3A_534 : i32
        %add3A_536 = arith.constant 3 : i32
        %add3A_537 = arith.addi %mul3A_535, %add3A_536 : i32
        %dma_wait3A_538 = arith.constant 0 : i32
        %dma_wait3A_539 = tpu.memref_slice %arg9[%mul3A_533, %dma_wait3A_538] : memref<2048x16xf32, #tpu.memory_space<vmem>> -> memref<128x16xf32, #tpu.memory_space<vmem>>
        %dma_wait3A_540 = arith.constant 0 : i32
        %dma_wait3A_541 = tpu.memref_slice %arg8[%add3A_537, %dma_wait3A_540] : memref<112x128xi32, #tpu.memory_space<vmem>> -> memref<1x128xi32, #tpu.memory_space<vmem>>
        %dma_wait3A_542 = tpu.memref_squeeze %dma_wait3A_541 : memref<1x128xi32, #tpu.memory_space<vmem>> -> memref<128xi32, #tpu.memory_space<vmem>>
        %dma_wait3A_543 = arith.constant 0 : i32
        %dma_wait3A_544 = arith.constant 0 : i32
        %dma_wait3A_545 = tpu.memref_slice %arg10[%dma_wait3A_543, %dma_wait3A_544] : memref<10112x16xf32, #tpu.memory_space<vmem_shared>> -> memref<10112x16xf32, #tpu.memory_space<vmem_shared>>
        tpu.wait_indirect_dma semaphore(%arg12 : memref<!tpu.dma_semaphore, #tpu.memory_space<semaphore_mem>>) src(%dma_wait3A_539 : memref<128x16xf32, #tpu.memory_space<vmem>>) dst(%dma_wait3A_545 : memref<10112x16xf32, #tpu.memory_space<vmem_shared>>)
      } else {
      }
      %add3A_293 = arith.constant 2 : i32
      %add3A_294 = arith.addi %while3A_288, %add3A_293 : i32
      %lt3A = arith.cmpi slt, %add3A_294, %select_n3A : i32
      %convert_element_type3A_295 = arith.extui %lt3A : i1 to i32
      %cond3A_296 = arith.constant 0 : i32
      %cond3A_297 = arith.cmpi ne, %convert_element_type3A_295, %cond3A_296 : i32
      scf.if %cond3A_297 {
        %add3A_458 = arith.constant 2 : i32
        %add3A_459 = arith.addi %while3A_288, %add3A_458 : i32
        %rem3A_460 = arith.constant 4 : i32
        %rem3A_461 = arith.remsi %add3A_459, %rem3A_460 : i32
        %mul3A_462 = arith.constant 4 : i32
        %mul3A_463 = arith.muli %add3A_459, %mul3A_462 : i32
        %add3A_464 = arith.constant 0 : i32
        %add3A_465 = arith.addi %mul3A_463, %add3A_464 : i32
        %mul3A_466 = arith.constant 4 : i32
        %mul3A_467 = arith.muli %rem3A_461, %mul3A_466 : i32
        %add3A_468 = arith.constant 0 : i32
        %add3A_469 = arith.addi %mul3A_467, %add3A_468 : i32
        %mul3A_470 = arith.constant 128 : i32
        %mul3A_471 = arith.muli %add3A_469, %mul3A_470 : i32
        %dma_start3A_472 = arith.constant 0 : i32
        %dma_start3A_473 = tpu.memref_slice %arg9[%mul3A_471, %dma_start3A_472] : memref<2048x16xf32, #tpu.memory_space<vmem>> -> memref<128x16xf32, #tpu.memory_space<vmem>>
        %dma_start3A_474 = arith.constant 0 : i32
        %dma_start3A_475 = tpu.memref_slice %arg7[%add3A_465, %dma_start3A_474] : memref<112x128xi32, #tpu.memory_space<vmem>> -> memref<1x128xi32, #tpu.memory_space<vmem>>
        %dma_start3A_476 = tpu.memref_squeeze %dma_start3A_475 : memref<1x128xi32, #tpu.memory_space<vmem>> -> memref<128xi32, #tpu.memory_space<vmem>>
        %dma_start3A_477 = arith.constant 0 : i32
        %dma_start3A_478 = arith.constant 0 : i32
        %dma_start3A_479 = tpu.memref_slice %arg2[%dma_start3A_477, %dma_start3A_478] : memref<10112x16xf32, #tpu.memory_space<hbm>> -> memref<10112x16xf32, #tpu.memory_space<hbm>>
        tpu.enqueue_indirect_dma source(%dma_start3A_479 : memref<10112x16xf32, #tpu.memory_space<hbm>>) target(%dma_start3A_473 : memref<128x16xf32, #tpu.memory_space<vmem>>) offsets(%dma_start3A_476 : memref<128xi32, #tpu.memory_space<vmem>>) semaphore(%arg11 : memref<!tpu.dma_semaphore, #tpu.memory_space<semaphore_mem>>)
        %add3A_480 = arith.constant 2 : i32
        %add3A_481 = arith.addi %while3A_288, %add3A_480 : i32
        %rem3A_482 = arith.constant 4 : i32
        %rem3A_483 = arith.remsi %add3A_481, %rem3A_482 : i32
        %mul3A_484 = arith.constant 4 : i32
        %mul3A_485 = arith.muli %add3A_481, %mul3A_484 : i32
        %add3A_486 = arith.constant 1 : i32
        %add3A_487 = arith.addi %mul3A_485, %add3A_486 : i32
        %mul3A_488 = arith.constant 4 : i32
        %mul3A_489 = arith.muli %rem3A_483, %mul3A_488 : i32
        %add3A_490 = arith.constant 1 : i32
        %add3A_491 = arith.addi %mul3A_489, %add3A_490 : i32
        %mul3A_492 = arith.constant 128 : i32
        %mul3A_493 = arith.muli %add3A_491, %mul3A_492 : i32
        %dma_start3A_494 = arith.constant 0 : i32
        %dma_start3A_495 = tpu.memref_slice %arg9[%mul3A_493, %dma_start3A_494] : memref<2048x16xf32, #tpu.memory_space<vmem>> -> memref<128x16xf32, #tpu.memory_space<vmem>>
        %dma_start3A_496 = arith.constant 0 : i32
        %dma_start3A_497 = tpu.memref_slice %arg7[%add3A_487, %dma_start3A_496] : memref<112x128xi32, #tpu.memory_space<vmem>> -> memref<1x128xi32, #tpu.memory_space<vmem>>
        %dma_start3A_498 = tpu.memref_squeeze %dma_start3A_497 : memref<1x128xi32, #tpu.memory_space<vmem>> -> memref<128xi32, #tpu.memory_space<vmem>>
        %dma_start3A_499 = arith.constant 0 : i32
        %dma_start3A_500 = arith.constant 0 : i32
        %dma_start3A_501 = tpu.memref_slice %arg2[%dma_start3A_499, %dma_start3A_500] : memref<10112x16xf32, #tpu.memory_space<hbm>> -> memref<10112x16xf32, #tpu.memory_space<hbm>>
        tpu.enqueue_indirect_dma source(%dma_start3A_501 : memref<10112x16xf32, #tpu.memory_space<hbm>>) target(%dma_start3A_495 : memref<128x16xf32, #tpu.memory_space<vmem>>) offsets(%dma_start3A_498 : memref<128xi32, #tpu.memory_space<vmem>>) semaphore(%arg11 : memref<!tpu.dma_semaphore, #tpu.memory_space<semaphore_mem>>)
        %add3A_502 = arith.constant 2 : i32
        %add3A_503 = arith.addi %while3A_288, %add3A_502 : i32
        %rem3A_504 = arith.constant 4 : i32
        %rem3A_505 = arith.remsi %add3A_503, %rem3A_504 : i32
        %mul3A_506 = arith.constant 4 : i32
        %mul3A_507 = arith.muli %add3A_503, %mul3A_506 : i32
        %add3A_508 = arith.constant 2 : i32
        %add3A_509 = arith.addi %mul3A_507, %add3A_508 : i32
        %mul3A_510 = arith.constant 4 : i32
        %mul3A_511 = arith.muli %rem3A_505, %mul3A_510 : i32
        %add3A_512 = arith.constant 2 : i32
        %add3A_513 = arith.addi %mul3A_511, %add3A_512 : i32
        %mul3A_514 = arith.constant 128 : i32
        %mul3A_515 = arith.muli %add3A_513, %mul3A_514 : i32
        %dma_start3A_516 = arith.constant 0 : i32
        %dma_start3A_517 = tpu.memref_slice %arg9[%mul3A_515, %dma_start3A_516] : memref<2048x16xf32, #tpu.memory_space<vmem>> -> memref<128x16xf32, #tpu.memory_space<vmem>>
        %dma_start3A_518 = arith.constant 0 : i32
        %dma_start3A_519 = tpu.memref_slice %arg7[%add3A_509, %dma_start3A_518] : memref<112x128xi32, #tpu.memory_space<vmem>> -> memref<1x128xi32, #tpu.memory_space<vmem>>
        %dma_start3A_520 = tpu.memref_squeeze %dma_start3A_519 : memref<1x128xi32, #tpu.memory_space<vmem>> -> memref<128xi32, #tpu.memory_space<vmem>>
        %dma_start3A_521 = arith.constant 0 : i32
        %dma_start3A_522 = arith.constant 0 : i32
        %dma_start3A_523 = tpu.memref_slice %arg2[%dma_start3A_521, %dma_start3A_522] : memref<10112x16xf32, #tpu.memory_space<hbm>> -> memref<10112x16xf32, #tpu.memory_space<hbm>>
        tpu.enqueue_indirect_dma source(%dma_start3A_523 : memref<10112x16xf32, #tpu.memory_space<hbm>>) target(%dma_start3A_517 : memref<128x16xf32, #tpu.memory_space<vmem>>) offsets(%dma_start3A_520 : memref<128xi32, #tpu.memory_space<vmem>>) semaphore(%arg11 : memref<!tpu.dma_semaphore, #tpu.memory_space<semaphore_mem>>)
        %add3A_524 = arith.constant 2 : i32
        %add3A_525 = arith.addi %while3A_288, %add3A_524 : i32
        %rem3A_526 = arith.constant 4 : i32
        %rem3A_527 = arith.remsi %add3A_525, %rem3A_526 : i32
        %mul3A_528 = arith.constant 4 : i32
        %mul3A_529 = arith.muli %add3A_525, %mul3A_528 : i32
        %add3A_530 = arith.constant 3 : i32
        %add3A_531 = arith.addi %mul3A_529, %add3A_530 : i32
        %mul3A_532 = arith.constant 4 : i32
        %mul3A_533 = arith.muli %rem3A_527, %mul3A_532 : i32
        %add3A_534 = arith.constant 3 : i32
        %add3A_535 = arith.addi %mul3A_533, %add3A_534 : i32
        %mul3A_536 = arith.constant 128 : i32
        %mul3A_537 = arith.muli %add3A_535, %mul3A_536 : i32
        %dma_start3A_538 = arith.constant 0 : i32
        %dma_start3A_539 = tpu.memref_slice %arg9[%mul3A_537, %dma_start3A_538] : memref<2048x16xf32, #tpu.memory_space<vmem>> -> memref<128x16xf32, #tpu.memory_space<vmem>>
        %dma_start3A_540 = arith.constant 0 : i32
        %dma_start3A_541 = tpu.memref_slice %arg7[%add3A_531, %dma_start3A_540] : memref<112x128xi32, #tpu.memory_space<vmem>> -> memref<1x128xi32, #tpu.memory_space<vmem>>
        %dma_start3A_542 = tpu.memref_squeeze %dma_start3A_541 : memref<1x128xi32, #tpu.memory_space<vmem>> -> memref<128xi32, #tpu.memory_space<vmem>>
        %dma_start3A_543 = arith.constant 0 : i32
        %dma_start3A_544 = arith.constant 0 : i32
        %dma_start3A_545 = tpu.memref_slice %arg2[%dma_start3A_543, %dma_start3A_544] : memref<10112x16xf32, #tpu.memory_space<hbm>> -> memref<10112x16xf32, #tpu.memory_space<hbm>>
        tpu.enqueue_indirect_dma source(%dma_start3A_545 : memref<10112x16xf32, #tpu.memory_space<hbm>>) target(%dma_start3A_539 : memref<128x16xf32, #tpu.memory_space<vmem>>) offsets(%dma_start3A_542 : memref<128xi32, #tpu.memory_space<vmem>>) semaphore(%arg11 : memref<!tpu.dma_semaphore, #tpu.memory_space<semaphore_mem>>)
      } else {
      }
      %rem3A_298 = arith.constant 4 : i32
      %rem3A_299 = arith.remsi %while3A_288, %rem3A_298 : i32
      %mul3A_300 = arith.constant 4 : i32
      %mul3A_301 = arith.muli %while3A_288, %mul3A_300 : i32
      %add3A_302 = arith.constant 0 : i32
      %add3A_303 = arith.addi %mul3A_301, %add3A_302 : i32
      %mul3A_304 = arith.constant 4 : i32
      %mul3A_305 = arith.muli %rem3A_299, %mul3A_304 : i32
      %add3A_306 = arith.constant 0 : i32
      %add3A_307 = arith.addi %mul3A_305, %add3A_306 : i32
      %mul3A_308 = arith.constant 128 : i32
      %mul3A_309 = arith.muli %add3A_307, %mul3A_308 : i32
      %dma_wait3A_310 = arith.constant 0 : i32
      %dma_wait3A_311 = tpu.memref_slice %arg9[%mul3A_309, %dma_wait3A_310] : memref<2048x16xf32, #tpu.memory_space<vmem>> -> memref<128x16xf32, #tpu.memory_space<vmem>>
      %dma_wait3A_312 = arith.constant 0 : i32
      %dma_wait3A_313 = tpu.memref_slice %arg7[%add3A_303, %dma_wait3A_312] : memref<112x128xi32, #tpu.memory_space<vmem>> -> memref<1x128xi32, #tpu.memory_space<vmem>>
      %dma_wait3A_314 = tpu.memref_squeeze %dma_wait3A_313 : memref<1x128xi32, #tpu.memory_space<vmem>> -> memref<128xi32, #tpu.memory_space<vmem>>
      %dma_wait3A_315 = arith.constant 0 : i32
      %dma_wait3A_316 = arith.constant 0 : i32
      %dma_wait3A_317 = tpu.memref_slice %arg2[%dma_wait3A_315, %dma_wait3A_316] : memref<10112x16xf32, #tpu.memory_space<hbm>> -> memref<10112x16xf32, #tpu.memory_space<hbm>>
      tpu.wait_indirect_dma semaphore(%arg11 : memref<!tpu.dma_semaphore, #tpu.memory_space<semaphore_mem>>) src(%dma_wait3A_317 : memref<10112x16xf32, #tpu.memory_space<hbm>>) dst(%dma_wait3A_311 : memref<128x16xf32, #tpu.memory_space<vmem>>)
      %rem3A_318 = arith.constant 4 : i32
      %rem3A_319 = arith.remsi %while3A_288, %rem3A_318 : i32
      %mul3A_320 = arith.constant 4 : i32
      %mul3A_321 = arith.muli %while3A_288, %mul3A_320 : i32
      %add3A_322 = arith.constant 1 : i32
      %add3A_323 = arith.addi %mul3A_321, %add3A_322 : i32
      %mul3A_324 = arith.constant 4 : i32
      %mul3A_325 = arith.muli %rem3A_319, %mul3A_324 : i32
      %add3A_326 = arith.constant 1 : i32
      %add3A_327 = arith.addi %mul3A_325, %add3A_326 : i32
      %mul3A_328 = arith.constant 128 : i32
      %mul3A_329 = arith.muli %add3A_327, %mul3A_328 : i32
      %dma_wait3A_330 = arith.constant 0 : i32
      %dma_wait3A_331 = tpu.memref_slice %arg9[%mul3A_329, %dma_wait3A_330] : memref<2048x16xf32, #tpu.memory_space<vmem>> -> memref<128x16xf32, #tpu.memory_space<vmem>>
      %dma_wait3A_332 = arith.constant 0 : i32
      %dma_wait3A_333 = tpu.memref_slice %arg7[%add3A_323, %dma_wait3A_332] : memref<112x128xi32, #tpu.memory_space<vmem>> -> memref<1x128xi32, #tpu.memory_space<vmem>>
      %dma_wait3A_334 = tpu.memref_squeeze %dma_wait3A_333 : memref<1x128xi32, #tpu.memory_space<vmem>> -> memref<128xi32, #tpu.memory_space<vmem>>
      %dma_wait3A_335 = arith.constant 0 : i32
      %dma_wait3A_336 = arith.constant 0 : i32
      %dma_wait3A_337 = tpu.memref_slice %arg2[%dma_wait3A_335, %dma_wait3A_336] : memref<10112x16xf32, #tpu.memory_space<hbm>> -> memref<10112x16xf32, #tpu.memory_space<hbm>>
      tpu.wait_indirect_dma semaphore(%arg11 : memref<!tpu.dma_semaphore, #tpu.memory_space<semaphore_mem>>) src(%dma_wait3A_337 : memref<10112x16xf32, #tpu.memory_space<hbm>>) dst(%dma_wait3A_331 : memref<128x16xf32, #tpu.memory_space<vmem>>)
      %rem3A_338 = arith.constant 4 : i32
      %rem3A_339 = arith.remsi %while3A_288, %rem3A_338 : i32
      %mul3A_340 = arith.constant 4 : i32
      %mul3A_341 = arith.muli %while3A_288, %mul3A_340 : i32
      %add3A_342 = arith.constant 2 : i32
      %add3A_343 = arith.addi %mul3A_341, %add3A_342 : i32
      %mul3A_344 = arith.constant 4 : i32
      %mul3A_345 = arith.muli %rem3A_339, %mul3A_344 : i32
      %add3A_346 = arith.constant 2 : i32
      %add3A_347 = arith.addi %mul3A_345, %add3A_346 : i32
      %mul3A_348 = arith.constant 128 : i32
      %mul3A_349 = arith.muli %add3A_347, %mul3A_348 : i32
      %dma_wait3A_350 = arith.constant 0 : i32
      %dma_wait3A_351 = tpu.memref_slice %arg9[%mul3A_349, %dma_wait3A_350] : memref<2048x16xf32, #tpu.memory_space<vmem>> -> memref<128x16xf32, #tpu.memory_space<vmem>>
      %dma_wait3A_352 = arith.constant 0 : i32
      %dma_wait3A_353 = tpu.memref_slice %arg7[%add3A_343, %dma_wait3A_352] : memref<112x128xi32, #tpu.memory_space<vmem>> -> memref<1x128xi32, #tpu.memory_space<vmem>>
      %dma_wait3A_354 = tpu.memref_squeeze %dma_wait3A_353 : memref<1x128xi32, #tpu.memory_space<vmem>> -> memref<128xi32, #tpu.memory_space<vmem>>
      %dma_wait3A_355 = arith.constant 0 : i32
      %dma_wait3A_356 = arith.constant 0 : i32
      %dma_wait3A_357 = tpu.memref_slice %arg2[%dma_wait3A_355, %dma_wait3A_356] : memref<10112x16xf32, #tpu.memory_space<hbm>> -> memref<10112x16xf32, #tpu.memory_space<hbm>>
      tpu.wait_indirect_dma semaphore(%arg11 : memref<!tpu.dma_semaphore, #tpu.memory_space<semaphore_mem>>) src(%dma_wait3A_357 : memref<10112x16xf32, #tpu.memory_space<hbm>>) dst(%dma_wait3A_351 : memref<128x16xf32, #tpu.memory_space<vmem>>)
      %rem3A_358 = arith.constant 4 : i32
      %rem3A_359 = arith.remsi %while3A_288, %rem3A_358 : i32
      %mul3A_360 = arith.constant 4 : i32
      %mul3A_361 = arith.muli %while3A_288, %mul3A_360 : i32
      %add3A_362 = arith.constant 3 : i32
      %add3A_363 = arith.addi %mul3A_361, %add3A_362 : i32
      %mul3A_364 = arith.constant 4 : i32
      %mul3A_365 = arith.muli %rem3A_359, %mul3A_364 : i32
      %add3A_366 = arith.constant 3 : i32
      %add3A_367 = arith.addi %mul3A_365, %add3A_366 : i32
      %mul3A_368 = arith.constant 128 : i32
      %mul3A_369 = arith.muli %add3A_367, %mul3A_368 : i32
      %dma_wait3A_370 = arith.constant 0 : i32
      %dma_wait3A_371 = tpu.memref_slice %arg9[%mul3A_369, %dma_wait3A_370] : memref<2048x16xf32, #tpu.memory_space<vmem>> -> memref<128x16xf32, #tpu.memory_space<vmem>>
      %dma_wait3A_372 = arith.constant 0 : i32
      %dma_wait3A_373 = tpu.memref_slice %arg7[%add3A_363, %dma_wait3A_372] : memref<112x128xi32, #tpu.memory_space<vmem>> -> memref<1x128xi32, #tpu.memory_space<vmem>>
      %dma_wait3A_374 = tpu.memref_squeeze %dma_wait3A_373 : memref<1x128xi32, #tpu.memory_space<vmem>> -> memref<128xi32, #tpu.memory_space<vmem>>
      %dma_wait3A_375 = arith.constant 0 : i32
      %dma_wait3A_376 = arith.constant 0 : i32
      %dma_wait3A_377 = tpu.memref_slice %arg2[%dma_wait3A_375, %dma_wait3A_376] : memref<10112x16xf32, #tpu.memory_space<hbm>> -> memref<10112x16xf32, #tpu.memory_space<hbm>>
      tpu.wait_indirect_dma semaphore(%arg11 : memref<!tpu.dma_semaphore, #tpu.memory_space<semaphore_mem>>) src(%dma_wait3A_377 : memref<10112x16xf32, #tpu.memory_space<hbm>>) dst(%dma_wait3A_371 : memref<128x16xf32, #tpu.memory_space<vmem>>)
      %rem3A_378 = arith.constant 4 : i32
      %rem3A_379 = arith.remsi %while3A_288, %rem3A_378 : i32
      %mul3A_380 = arith.constant 4 : i32
      %mul3A_381 = arith.muli %rem3A_379, %mul3A_380 : i32
      %add3A_382 = arith.constant 0 : i32
      %add3A_383 = arith.addi %mul3A_381, %add3A_382 : i32
      %mul3A_384 = arith.constant 128 : i32
      %mul3A_385 = arith.muli %add3A_383, %mul3A_384 : i32
      %mul3A_386 = arith.constant 4 : i32
      %mul3A_387 = arith.muli %while3A_288, %mul3A_386 : i32
      %add3A_388 = arith.constant 0 : i32
      %add3A_389 = arith.addi %mul3A_387, %add3A_388 : i32
      %dma_start3A_390 = arith.constant 0 : i32
      %dma_start3A_391 = tpu.memref_slice %arg9[%mul3A_385, %dma_start3A_390] : memref<2048x16xf32, #tpu.memory_space<vmem>> -> memref<128x16xf32, #tpu.memory_space<vmem>>
      %dma_start3A_392 = arith.constant 0 : i32
      %dma_start3A_393 = tpu.memref_slice %arg8[%add3A_389, %dma_start3A_392] : memref<112x128xi32, #tpu.memory_space<vmem>> -> memref<1x128xi32, #tpu.memory_space<vmem>>
      %dma_start3A_394 = tpu.memref_squeeze %dma_start3A_393 : memref<1x128xi32, #tpu.memory_space<vmem>> -> memref<128xi32, #tpu.memory_space<vmem>>
      %dma_start3A_395 = arith.constant 0 : i32
      %dma_start3A_396 = arith.constant 0 : i32
      %dma_start3A_397 = tpu.memref_slice %arg10[%dma_start3A_395, %dma_start3A_396] : memref<10112x16xf32, #tpu.memory_space<vmem_shared>> -> memref<10112x16xf32, #tpu.memory_space<vmem_shared>>
      tpu.enqueue_indirect_dma source(%dma_start3A_391 : memref<128x16xf32, #tpu.memory_space<vmem>>) target(%dma_start3A_397 : memref<10112x16xf32, #tpu.memory_space<vmem_shared>>) offsets(%dma_start3A_394 : memref<128xi32, #tpu.memory_space<vmem>>) semaphore(%arg12 : memref<!tpu.dma_semaphore, #tpu.memory_space<semaphore_mem>>) {add = true}
      %rem3A_398 = arith.constant 4 : i32
      %rem3A_399 = arith.remsi %while3A_288, %rem3A_398 : i32
      %mul3A_400 = arith.constant 4 : i32
      %mul3A_401 = arith.muli %rem3A_399, %mul3A_400 : i32
      %add3A_402 = arith.constant 1 : i32
      %add3A_403 = arith.addi %mul3A_401, %add3A_402 : i32
      %mul3A_404 = arith.constant 128 : i32
      %mul3A_405 = arith.muli %add3A_403, %mul3A_404 : i32
      %mul3A_406 = arith.constant 4 : i32
      %mul3A_407 = arith.muli %while3A_288, %mul3A_406 : i32
      %add3A_408 = arith.constant 1 : i32
      %add3A_409 = arith.addi %mul3A_407, %add3A_408 : i32
      %dma_start3A_410 = arith.constant 0 : i32
      %dma_start3A_411 = tpu.memref_slice %arg9[%mul3A_405, %dma_start3A_410] : memref<2048x16xf32, #tpu.memory_space<vmem>> -> memref<128x16xf32, #tpu.memory_space<vmem>>
      %dma_start3A_412 = arith.constant 0 : i32
      %dma_start3A_413 = tpu.memref_slice %arg8[%add3A_409, %dma_start3A_412] : memref<112x128xi32, #tpu.memory_space<vmem>> -> memref<1x128xi32, #tpu.memory_space<vmem>>
      %dma_start3A_414 = tpu.memref_squeeze %dma_start3A_413 : memref<1x128xi32, #tpu.memory_space<vmem>> -> memref<128xi32, #tpu.memory_space<vmem>>
      %dma_start3A_415 = arith.constant 0 : i32
      %dma_start3A_416 = arith.constant 0 : i32
      %dma_start3A_417 = tpu.memref_slice %arg10[%dma_start3A_415, %dma_start3A_416] : memref<10112x16xf32, #tpu.memory_space<vmem_shared>> -> memref<10112x16xf32, #tpu.memory_space<vmem_shared>>
      tpu.enqueue_indirect_dma source(%dma_start3A_411 : memref<128x16xf32, #tpu.memory_space<vmem>>) target(%dma_start3A_417 : memref<10112x16xf32, #tpu.memory_space<vmem_shared>>) offsets(%dma_start3A_414 : memref<128xi32, #tpu.memory_space<vmem>>) semaphore(%arg12 : memref<!tpu.dma_semaphore, #tpu.memory_space<semaphore_mem>>) {add = true}
      %rem3A_418 = arith.constant 4 : i32
      %rem3A_419 = arith.remsi %while3A_288, %rem3A_418 : i32
      %mul3A_420 = arith.constant 4 : i32
      %mul3A_421 = arith.muli %rem3A_419, %mul3A_420 : i32
      %add3A_422 = arith.constant 2 : i32
      %add3A_423 = arith.addi %mul3A_421, %add3A_422 : i32
      %mul3A_424 = arith.constant 128 : i32
      %mul3A_425 = arith.muli %add3A_423, %mul3A_424 : i32
      %mul3A_426 = arith.constant 4 : i32
      %mul3A_427 = arith.muli %while3A_288, %mul3A_426 : i32
      %add3A_428 = arith.constant 2 : i32
      %add3A_429 = arith.addi %mul3A_427, %add3A_428 : i32
      %dma_start3A_430 = arith.constant 0 : i32
      %dma_start3A_431 = tpu.memref_slice %arg9[%mul3A_425, %dma_start3A_430] : memref<2048x16xf32, #tpu.memory_space<vmem>> -> memref<128x16xf32, #tpu.memory_space<vmem>>
      %dma_start3A_432 = arith.constant 0 : i32
      %dma_start3A_433 = tpu.memref_slice %arg8[%add3A_429, %dma_start3A_432] : memref<112x128xi32, #tpu.memory_space<vmem>> -> memref<1x128xi32, #tpu.memory_space<vmem>>
      %dma_start3A_434 = tpu.memref_squeeze %dma_start3A_433 : memref<1x128xi32, #tpu.memory_space<vmem>> -> memref<128xi32, #tpu.memory_space<vmem>>
      %dma_start3A_435 = arith.constant 0 : i32
      %dma_start3A_436 = arith.constant 0 : i32
      %dma_start3A_437 = tpu.memref_slice %arg10[%dma_start3A_435, %dma_start3A_436] : memref<10112x16xf32, #tpu.memory_space<vmem_shared>> -> memref<10112x16xf32, #tpu.memory_space<vmem_shared>>
      tpu.enqueue_indirect_dma source(%dma_start3A_431 : memref<128x16xf32, #tpu.memory_space<vmem>>) target(%dma_start3A_437 : memref<10112x16xf32, #tpu.memory_space<vmem_shared>>) offsets(%dma_start3A_434 : memref<128xi32, #tpu.memory_space<vmem>>) semaphore(%arg12 : memref<!tpu.dma_semaphore, #tpu.memory_space<semaphore_mem>>) {add = true}
      %rem3A_438 = arith.constant 4 : i32
      %rem3A_439 = arith.remsi %while3A_288, %rem3A_438 : i32
      %mul3A_440 = arith.constant 4 : i32
      %mul3A_441 = arith.muli %rem3A_439, %mul3A_440 : i32
      %add3A_442 = arith.constant 3 : i32
      %add3A_443 = arith.addi %mul3A_441, %add3A_442 : i32
      %mul3A_444 = arith.constant 128 : i32
      %mul3A_445 = arith.muli %add3A_443, %mul3A_444 : i32
      %mul3A_446 = arith.constant 4 : i32
      %mul3A_447 = arith.muli %while3A_288, %mul3A_446 : i32
      %add3A_448 = arith.constant 3 : i32
      %add3A_449 = arith.addi %mul3A_447, %add3A_448 : i32
      %dma_start3A_450 = arith.constant 0 : i32
      %dma_start3A_451 = tpu.memref_slice %arg9[%mul3A_445, %dma_start3A_450] : memref<2048x16xf32, #tpu.memory_space<vmem>> -> memref<128x16xf32, #tpu.memory_space<vmem>>
      %dma_start3A_452 = arith.constant 0 : i32
      %dma_start3A_453 = tpu.memref_slice %arg8[%add3A_449, %dma_start3A_452] : memref<112x128xi32, #tpu.memory_space<vmem>> -> memref<1x128xi32, #tpu.memory_space<vmem>>
      %dma_start3A_454 = tpu.memref_squeeze %dma_start3A_453 : memref<1x128xi32, #tpu.memory_space<vmem>> -> memref<128xi32, #tpu.memory_space<vmem>>
      %dma_start3A_455 = arith.constant 0 : i32
      %dma_start3A_456 = arith.constant 0 : i32
      %dma_start3A_457 = tpu.memref_slice %arg10[%dma_start3A_455, %dma_start3A_456] : memref<10112x16xf32, #tpu.memory_space<vmem_shared>> -> memref<10112x16xf32, #tpu.memory_space<vmem_shared>>
      tpu.enqueue_indirect_dma source(%dma_start3A_451 : memref<128x16xf32, #tpu.memory_space<vmem>>) target(%dma_start3A_457 : memref<10112x16xf32, #tpu.memory_space<vmem_shared>>) offsets(%dma_start3A_454 : memref<128xi32, #tpu.memory_space<vmem>>) semaphore(%arg12 : memref<!tpu.dma_semaphore, #tpu.memory_space<semaphore_mem>>) {add = true}
    }
    %sub3A = arith.constant 1 : i32
    %sub3A_193 = arith.subi %select_n3A, %sub3A : i32
    %add3A_194 = arith.constant 0 : i32
    %add3A_195 = arith.addi %sub3A_193, %add3A_194 : i32
    %rem3A_196 = arith.constant 4 : i32
    %rem3A_197 = arith.remsi %add3A_195, %rem3A_196 : i32
    %mul3A_198 = arith.constant 4 : i32
    %mul3A_199 = arith.muli %rem3A_197, %mul3A_198 : i32
    %add3A_200 = arith.constant 0 : i32
    %add3A_201 = arith.addi %mul3A_199, %add3A_200 : i32
    %mul3A_202 = arith.constant 128 : i32
    %mul3A_203 = arith.muli %add3A_201, %mul3A_202 : i32
    %mul3A_204 = arith.constant 4 : i32
    %mul3A_205 = arith.muli %add3A_195, %mul3A_204 : i32
    %add3A_206 = arith.constant 0 : i32
    %add3A_207 = arith.addi %mul3A_205, %add3A_206 : i32
    %dma_wait3A = arith.constant 0 : i32
    %dma_wait3A_208 = tpu.memref_slice %arg9[%mul3A_203, %dma_wait3A] : memref<2048x16xf32, #tpu.memory_space<vmem>> -> memref<128x16xf32, #tpu.memory_space<vmem>>
    %dma_wait3A_209 = arith.constant 0 : i32
    %dma_wait3A_210 = tpu.memref_slice %arg8[%add3A_207, %dma_wait3A_209] : memref<112x128xi32, #tpu.memory_space<vmem>> -> memref<1x128xi32, #tpu.memory_space<vmem>>
    %dma_wait3A_211 = tpu.memref_squeeze %dma_wait3A_210 : memref<1x128xi32, #tpu.memory_space<vmem>> -> memref<128xi32, #tpu.memory_space<vmem>>
    %dma_wait3A_212 = arith.constant 0 : i32
    %dma_wait3A_213 = arith.constant 0 : i32
    %dma_wait3A_214 = tpu.memref_slice %arg10[%dma_wait3A_212, %dma_wait3A_213] : memref<10112x16xf32, #tpu.memory_space<vmem_shared>> -> memref<10112x16xf32, #tpu.memory_space<vmem_shared>>
    tpu.wait_indirect_dma semaphore(%arg12 : memref<!tpu.dma_semaphore, #tpu.memory_space<semaphore_mem>>) src(%dma_wait3A_208 : memref<128x16xf32, #tpu.memory_space<vmem>>) dst(%dma_wait3A_214 : memref<10112x16xf32, #tpu.memory_space<vmem_shared>>)
    %sub3A_215 = arith.constant 1 : i32
    %sub3A_216 = arith.subi %select_n3A, %sub3A_215 : i32
    %add3A_217 = arith.constant 0 : i32
    %add3A_218 = arith.addi %sub3A_216, %add3A_217 : i32
    %rem3A_219 = arith.constant 4 : i32
    %rem3A_220 = arith.remsi %add3A_218, %rem3A_219 : i32
    %mul3A_221 = arith.constant 4 : i32
    %mul3A_222 = arith.muli %rem3A_220, %mul3A_221 : i32
    %add3A_223 = arith.constant 1 : i32
    %add3A_224 = arith.addi %mul3A_222, %add3A_223 : i32
    %mul3A_225 = arith.constant 128 : i32
    %mul3A_226 = arith.muli %add3A_224, %mul3A_225 : i32
    %mul3A_227 = arith.constant 4 : i32
    %mul3A_228 = arith.muli %add3A_218, %mul3A_227 : i32
    %add3A_229 = arith.constant 1 : i32
    %add3A_230 = arith.addi %mul3A_228, %add3A_229 : i32
    %dma_wait3A_231 = arith.constant 0 : i32
    %dma_wait3A_232 = tpu.memref_slice %arg9[%mul3A_226, %dma_wait3A_231] : memref<2048x16xf32, #tpu.memory_space<vmem>> -> memref<128x16xf32, #tpu.memory_space<vmem>>
    %dma_wait3A_233 = arith.constant 0 : i32
    %dma_wait3A_234 = tpu.memref_slice %arg8[%add3A_230, %dma_wait3A_233] : memref<112x128xi32, #tpu.memory_space<vmem>> -> memref<1x128xi32, #tpu.memory_space<vmem>>
    %dma_wait3A_235 = tpu.memref_squeeze %dma_wait3A_234 : memref<1x128xi32, #tpu.memory_space<vmem>> -> memref<128xi32, #tpu.memory_space<vmem>>
    %dma_wait3A_236 = arith.constant 0 : i32
    %dma_wait3A_237 = arith.constant 0 : i32
    %dma_wait3A_238 = tpu.memref_slice %arg10[%dma_wait3A_236, %dma_wait3A_237] : memref<10112x16xf32, #tpu.memory_space<vmem_shared>> -> memref<10112x16xf32, #tpu.memory_space<vmem_shared>>
    tpu.wait_indirect_dma semaphore(%arg12 : memref<!tpu.dma_semaphore, #tpu.memory_space<semaphore_mem>>) src(%dma_wait3A_232 : memref<128x16xf32, #tpu.memory_space<vmem>>) dst(%dma_wait3A_238 : memref<10112x16xf32, #tpu.memory_space<vmem_shared>>)
    %sub3A_239 = arith.constant 1 : i32
    %sub3A_240 = arith.subi %select_n3A, %sub3A_239 : i32
    %add3A_241 = arith.constant 0 : i32
    %add3A_242 = arith.addi %sub3A_240, %add3A_241 : i32
    %rem3A_243 = arith.constant 4 : i32
    %rem3A_244 = arith.remsi %add3A_242, %rem3A_243 : i32
    %mul3A_245 = arith.constant 4 : i32
    %mul3A_246 = arith.muli %rem3A_244, %mul3A_245 : i32
    %add3A_247 = arith.constant 2 : i32
    %add3A_248 = arith.addi %mul3A_246, %add3A_247 : i32
    %mul3A_249 = arith.constant 128 : i32
    %mul3A_250 = arith.muli %add3A_248, %mul3A_249 : i32
    %mul3A_251 = arith.constant 4 : i32
    %mul3A_252 = arith.muli %add3A_242, %mul3A_251 : i32
    %add3A_253 = arith.constant 2 : i32
    %add3A_254 = arith.addi %mul3A_252, %add3A_253 : i32
    %dma_wait3A_255 = arith.constant 0 : i32
    %dma_wait3A_256 = tpu.memref_slice %arg9[%mul3A_250, %dma_wait3A_255] : memref<2048x16xf32, #tpu.memory_space<vmem>> -> memref<128x16xf32, #tpu.memory_space<vmem>>
    %dma_wait3A_257 = arith.constant 0 : i32
    %dma_wait3A_258 = tpu.memref_slice %arg8[%add3A_254, %dma_wait3A_257] : memref<112x128xi32, #tpu.memory_space<vmem>> -> memref<1x128xi32, #tpu.memory_space<vmem>>
    %dma_wait3A_259 = tpu.memref_squeeze %dma_wait3A_258 : memref<1x128xi32, #tpu.memory_space<vmem>> -> memref<128xi32, #tpu.memory_space<vmem>>
    %dma_wait3A_260 = arith.constant 0 : i32
    %dma_wait3A_261 = arith.constant 0 : i32
    %dma_wait3A_262 = tpu.memref_slice %arg10[%dma_wait3A_260, %dma_wait3A_261] : memref<10112x16xf32, #tpu.memory_space<vmem_shared>> -> memref<10112x16xf32, #tpu.memory_space<vmem_shared>>
    tpu.wait_indirect_dma semaphore(%arg12 : memref<!tpu.dma_semaphore, #tpu.memory_space<semaphore_mem>>) src(%dma_wait3A_256 : memref<128x16xf32, #tpu.memory_space<vmem>>) dst(%dma_wait3A_262 : memref<10112x16xf32, #tpu.memory_space<vmem_shared>>)
    %sub3A_263 = arith.constant 1 : i32
    %sub3A_264 = arith.subi %select_n3A, %sub3A_263 : i32
    %add3A_265 = arith.constant 0 : i32
    %add3A_266 = arith.addi %sub3A_264, %add3A_265 : i32
    %rem3A_267 = arith.constant 4 : i32
    %rem3A_268 = arith.remsi %add3A_266, %rem3A_267 : i32
    %mul3A_269 = arith.constant 4 : i32
    %mul3A_270 = arith.muli %rem3A_268, %mul3A_269 : i32
    %add3A_271 = arith.constant 3 : i32
    %add3A_272 = arith.addi %mul3A_270, %add3A_271 : i32
    %mul3A_273 = arith.constant 128 : i32
    %mul3A_274 = arith.muli %add3A_272, %mul3A_273 : i32
    %mul3A_275 = arith.constant 4 : i32
    %mul3A_276 = arith.muli %add3A_266, %mul3A_275 : i32
    %add3A_277 = arith.constant 3 : i32
    %add3A_278 = arith.addi %mul3A_276, %add3A_277 : i32
    %dma_wait3A_279 = arith.constant 0 : i32
    %dma_wait3A_280 = tpu.memref_slice %arg9[%mul3A_274, %dma_wait3A_279] : memref<2048x16xf32, #tpu.memory_space<vmem>> -> memref<128x16xf32, #tpu.memory_space<vmem>>
    %dma_wait3A_281 = arith.constant 0 : i32
    %dma_wait3A_282 = tpu.memref_slice %arg8[%add3A_278, %dma_wait3A_281] : memref<112x128xi32, #tpu.memory_space<vmem>> -> memref<1x128xi32, #tpu.memory_space<vmem>>
    %dma_wait3A_283 = tpu.memref_squeeze %dma_wait3A_282 : memref<1x128xi32, #tpu.memory_space<vmem>> -> memref<128xi32, #tpu.memory_space<vmem>>
    %dma_wait3A_284 = arith.constant 0 : i32
    %dma_wait3A_285 = arith.constant 0 : i32
    %dma_wait3A_286 = tpu.memref_slice %arg10[%dma_wait3A_284, %dma_wait3A_285] : memref<10112x16xf32, #tpu.memory_space<vmem_shared>> -> memref<10112x16xf32, #tpu.memory_space<vmem_shared>>
    tpu.wait_indirect_dma semaphore(%arg12 : memref<!tpu.dma_semaphore, #tpu.memory_space<semaphore_mem>>) src(%dma_wait3A_280 : memref<128x16xf32, #tpu.memory_space<vmem>>) dst(%dma_wait3A_286 : memref<10112x16xf32, #tpu.memory_space<vmem_shared>>)
    %barrier3A_287 = arith.constant 0 : index
    tpu.barrier barrier_id(%barrier3A_287)
    "tpu.region"() ({
      %run_scoped3A = tpu.sem_alloc : memref<!tpu.dma_semaphore, #tpu.memory_space<semaphore_mem>>
      %dma_start3A_288 = arith.constant 0 : i32
      %dma_start3A_289 = tpu.memref_slice %arg6[%arg0, %mul3A_0, %dma_start3A_288] : memref<2x10112x16xf32, #tpu.memory_space<hbm>> -> memref<1x632x16xf32, #tpu.memory_space<hbm>>
      %dma_start3A_290 = tpu.memref_squeeze %dma_start3A_289 : memref<1x632x16xf32, #tpu.memory_space<hbm>> -> memref<632x16xf32, #tpu.memory_space<hbm>>
      %dma_start3A_291 = arith.constant 0 : i32
      %dma_start3A_292 = tpu.memref_slice %arg10[%mul3A_0, %dma_start3A_291] : memref<10112x16xf32, #tpu.memory_space<vmem_shared>> -> memref<632x16xf32, #tpu.memory_space<vmem_shared>>
      tpu.enqueue_dma source(%dma_start3A_292 : memref<632x16xf32, #tpu.memory_space<vmem_shared>>) target(%dma_start3A_290 : memref<632x16xf32, #tpu.memory_space<hbm>>) target_semaphore(%run_scoped3A : memref<!tpu.dma_semaphore, #tpu.memory_space<semaphore_mem>>)
      %dma_wait3A_293 = arith.constant 0 : i32
      %dma_wait3A_294 = tpu.memref_slice %arg6[%arg0, %mul3A_0, %dma_wait3A_293] : memref<2x10112x16xf32, #tpu.memory_space<hbm>> -> memref<1x632x16xf32, #tpu.memory_space<hbm>>
      %dma_wait3A_295 = tpu.memref_squeeze %dma_wait3A_294 : memref<1x632x16xf32, #tpu.memory_space<hbm>> -> memref<632x16xf32, #tpu.memory_space<hbm>>
      %dma_wait3A_296 = arith.constant 0 : i32
      %dma_wait3A_297 = tpu.memref_slice %arg10[%mul3A_0, %dma_wait3A_296] : memref<10112x16xf32, #tpu.memory_space<vmem_shared>> -> memref<632x16xf32, #tpu.memory_space<vmem_shared>>
      tpu.wait_dma2 semaphore(%run_scoped3A : memref<!tpu.dma_semaphore, #tpu.memory_space<semaphore_mem>>) src(%dma_wait3A_297 : memref<632x16xf32, #tpu.memory_space<vmem_shared>>) dst(%dma_wait3A_295 : memref<632x16xf32, #tpu.memory_space<hbm>>)
      tpu.yield
    }) : () -> ()
    return
  }
}

#map = affine_map<(d0, d1) -> (0, 0)>
#map1 = affine_map<(d0, d1) -> (0, 0, 0)>
module attributes {stable_mosaic.version = 14 : i64} {
  func.func @segsum(%arg0: i32, %arg1: i32, %arg2: memref<10112x16xf32, #tpu.memory_space<hbm>>, %arg3: memref<2560x128xi32, #tpu.memory_space<hbm>>, %arg4: memref<2560x128xi32, #tpu.memory_space<hbm>>, %arg5: memref<10112x16xf32, #tpu.memory_space<hbm>>, %arg6: memref<2x10112x16xf32, #tpu.memory_space<hbm>>, %arg7: memref<112x128xi32, #tpu.memory_space<vmem>>, %arg8: memref<112x128xi32, #tpu.memory_space<vmem>>, %arg9: memref<2048x16xf32, #tpu.memory_space<vmem>>, %arg10: memref<10112x16xf32, #tpu.memory_space<vmem_shared>>, %arg11: memref<!tpu.dma_semaphore, #tpu.memory_space<semaphore_mem>>, %arg12: memref<!tpu.dma_semaphore, #tpu.memory_space<semaphore_mem>>) attributes {dimension_semantics = [#tpu.dimension_semantics<core_parallel>, #tpu.dimension_semantics<subcore_parallel>], iteration_bounds = array<i64: 2, 16>, scalar_prefetch = 0 : i64, scratch_operands = 6 : i64, tpu.core_type = #tpu.core_type<sc_vector_subcore>, window_params = [{transform_indices = #map}, {transform_indices = #map}, {transform_indices = #map}, {transform_indices = #map}, {transform_indices = #map1}]} {
    %mul3A = arith.constant 632 : i32
    %mul3A_0 = arith.muli %arg1, %mul3A : i32
    "tpu.region"() ({
      %run_scoped3A = tpu.sem_alloc : memref<!tpu.dma_semaphore, #tpu.memory_space<semaphore_mem>>
      %dma_start3A_288 = arith.constant 0 : i32
      %dma_start3A_289 = tpu.memref_slice %arg10[%mul3A_0, %dma_start3A_288] : memref<10112x16xf32, #tpu.memory_space<vmem_shared>> -> memref<632x16xf32, #tpu.memory_space<vmem_shared>>
      %dma_start3A_290 = arith.constant 0 : i32
      %dma_start3A_291 = tpu.memref_slice %arg5[%mul3A_0, %dma_start3A_290] : memref<10112x16xf32, #tpu.memory_space<hbm>> -> memref<632x16xf32, #tpu.memory_space<hbm>>
      tpu.enqueue_dma source(%dma_start3A_291 : memref<632x16xf32, #tpu.memory_space<hbm>>) target(%dma_start3A_289 : memref<632x16xf32, #tpu.memory_space<vmem_shared>>) target_semaphore(%run_scoped3A : memref<!tpu.dma_semaphore, #tpu.memory_space<semaphore_mem>>)
      %dma_wait3A_292 = arith.constant 0 : i32
      %dma_wait3A_293 = tpu.memref_slice %arg10[%mul3A_0, %dma_wait3A_292] : memref<10112x16xf32, #tpu.memory_space<vmem_shared>> -> memref<632x16xf32, #tpu.memory_space<vmem_shared>>
      %dma_wait3A_294 = arith.constant 0 : i32
      %dma_wait3A_295 = tpu.memref_slice %arg5[%mul3A_0, %dma_wait3A_294] : memref<10112x16xf32, #tpu.memory_space<hbm>> -> memref<632x16xf32, #tpu.memory_space<hbm>>
      tpu.wait_dma2 semaphore(%run_scoped3A : memref<!tpu.dma_semaphore, #tpu.memory_space<semaphore_mem>>) src(%dma_wait3A_295 : memref<632x16xf32, #tpu.memory_space<hbm>>) dst(%dma_wait3A_293 : memref<632x16xf32, #tpu.memory_space<vmem_shared>>)
      tpu.yield
    }) : () -> ()
    %eq3A = arith.constant 0 : i32
    %eq3A_1 = arith.cmpi eq, %arg0, %eq3A : i32
    %convert_element_type3A = arith.extui %eq3A_1 : i1 to i32
    %cond3A = arith.constant 0 : i32
    %cond3A_2 = arith.cmpi ne, %convert_element_type3A, %cond3A : i32
    scf.if %cond3A_2 {
      %mul3A_288 = arith.constant 112 : i32
      %mul3A_289 = arith.muli %arg1, %mul3A_288 : i32
      "tpu.region"() ({
        %run_scoped3A = tpu.sem_alloc : memref<!tpu.dma_semaphore, #tpu.memory_space<semaphore_mem>>
        %dma_start3A_290 = arith.constant 0 : i32
        %dma_start3A_291 = arith.constant 0 : i32
        %dma_start3A_292 = tpu.memref_slice %arg7[%dma_start3A_290, %dma_start3A_291] : memref<112x128xi32, #tpu.memory_space<vmem>> -> memref<112x128xi32, #tpu.memory_space<vmem>>
        %dma_start3A_293 = arith.constant 0 : i32
        %dma_start3A_294 = tpu.memref_slice %arg3[%mul3A_289, %dma_start3A_293] : memref<2560x128xi32, #tpu.memory_space<hbm>> -> memref<112x128xi32, #tpu.memory_space<hbm>>
        %dma_start3A_295 = arith.constant 0 : i32
        %dma_start3A_296 = arith.constant 0 : i32
        %dma_start3A_297 = tpu.memref_slice %arg7[%dma_start3A_295, %dma_start3A_296] : memref<112x128xi32, #tpu.memory_space<vmem>> -> memref<112x128xi32, #tpu.memory_space<vmem>>
        %dma_start3A_298 = arith.constant 0 : i32
        %dma_start3A_299 = tpu.memref_slice %arg3[%mul3A_289, %dma_start3A_298] : memref<2560x128xi32, #tpu.memory_space<hbm>> -> memref<112x128xi32, #tpu.memory_space<hbm>>
        tpu.enqueue_dma source(%dma_start3A_299 : memref<112x128xi32, #tpu.memory_space<hbm>>) target(%dma_start3A_297 : memref<112x128xi32, #tpu.memory_space<vmem>>) target_semaphore(%run_scoped3A : memref<!tpu.dma_semaphore, #tpu.memory_space<semaphore_mem>>)
        %dma_wait3A_300 = arith.constant 0 : i32
        %dma_wait3A_301 = arith.constant 0 : i32
        %dma_wait3A_302 = tpu.memref_slice %arg7[%dma_wait3A_300, %dma_wait3A_301] : memref<112x128xi32, #tpu.memory_space<vmem>> -> memref<112x128xi32, #tpu.memory_space<vmem>>
        %dma_wait3A_303 = arith.constant 0 : i32
        %dma_wait3A_304 = tpu.memref_slice %arg3[%mul3A_289, %dma_wait3A_303] : memref<2560x128xi32, #tpu.memory_space<hbm>> -> memref<112x128xi32, #tpu.memory_space<hbm>>
        %dma_wait3A_305 = arith.constant 0 : i32
        %dma_wait3A_306 = arith.constant 0 : i32
        %dma_wait3A_307 = tpu.memref_slice %arg7[%dma_wait3A_305, %dma_wait3A_306] : memref<112x128xi32, #tpu.memory_space<vmem>> -> memref<112x128xi32, #tpu.memory_space<vmem>>
        %dma_wait3A_308 = arith.constant 0 : i32
        %dma_wait3A_309 = tpu.memref_slice %arg3[%mul3A_289, %dma_wait3A_308] : memref<2560x128xi32, #tpu.memory_space<hbm>> -> memref<112x128xi32, #tpu.memory_space<hbm>>
        tpu.wait_dma2 semaphore(%run_scoped3A : memref<!tpu.dma_semaphore, #tpu.memory_space<semaphore_mem>>) src(%dma_wait3A_309 : memref<112x128xi32, #tpu.memory_space<hbm>>) dst(%dma_wait3A_307 : memref<112x128xi32, #tpu.memory_space<vmem>>)
        tpu.yield
      }) : () -> ()
      "tpu.region"() ({
        %run_scoped3A = tpu.sem_alloc : memref<!tpu.dma_semaphore, #tpu.memory_space<semaphore_mem>>
        %dma_start3A_290 = arith.constant 0 : i32
        %dma_start3A_291 = arith.constant 0 : i32
        %dma_start3A_292 = tpu.memref_slice %arg8[%dma_start3A_290, %dma_start3A_291] : memref<112x128xi32, #tpu.memory_space<vmem>> -> memref<112x128xi32, #tpu.memory_space<vmem>>
        %dma_start3A_293 = arith.constant 0 : i32
        %dma_start3A_294 = tpu.memref_slice %arg4[%mul3A_289, %dma_start3A_293] : memref<2560x128xi32, #tpu.memory_space<hbm>> -> memref<112x128xi32, #tpu.memory_space<hbm>>
        %dma_start3A_295 = arith.constant 0 : i32
        %dma_start3A_296 = arith.constant 0 : i32
        %dma_start3A_297 = tpu.memref_slice %arg8[%dma_start3A_295, %dma_start3A_296] : memref<112x128xi32, #tpu.memory_space<vmem>> -> memref<112x128xi32, #tpu.memory_space<vmem>>
        %dma_start3A_298 = arith.constant 0 : i32
        %dma_start3A_299 = tpu.memref_slice %arg4[%mul3A_289, %dma_start3A_298] : memref<2560x128xi32, #tpu.memory_space<hbm>> -> memref<112x128xi32, #tpu.memory_space<hbm>>
        tpu.enqueue_dma source(%dma_start3A_299 : memref<112x128xi32, #tpu.memory_space<hbm>>) target(%dma_start3A_297 : memref<112x128xi32, #tpu.memory_space<vmem>>) target_semaphore(%run_scoped3A : memref<!tpu.dma_semaphore, #tpu.memory_space<semaphore_mem>>)
        %dma_wait3A_300 = arith.constant 0 : i32
        %dma_wait3A_301 = arith.constant 0 : i32
        %dma_wait3A_302 = tpu.memref_slice %arg8[%dma_wait3A_300, %dma_wait3A_301] : memref<112x128xi32, #tpu.memory_space<vmem>> -> memref<112x128xi32, #tpu.memory_space<vmem>>
        %dma_wait3A_303 = arith.constant 0 : i32
        %dma_wait3A_304 = tpu.memref_slice %arg4[%mul3A_289, %dma_wait3A_303] : memref<2560x128xi32, #tpu.memory_space<hbm>> -> memref<112x128xi32, #tpu.memory_space<hbm>>
        %dma_wait3A_305 = arith.constant 0 : i32
        %dma_wait3A_306 = arith.constant 0 : i32
        %dma_wait3A_307 = tpu.memref_slice %arg8[%dma_wait3A_305, %dma_wait3A_306] : memref<112x128xi32, #tpu.memory_space<vmem>> -> memref<112x128xi32, #tpu.memory_space<vmem>>
        %dma_wait3A_308 = arith.constant 0 : i32
        %dma_wait3A_309 = tpu.memref_slice %arg4[%mul3A_289, %dma_wait3A_308] : memref<2560x128xi32, #tpu.memory_space<hbm>> -> memref<112x128xi32, #tpu.memory_space<hbm>>
        tpu.wait_dma2 semaphore(%run_scoped3A : memref<!tpu.dma_semaphore, #tpu.memory_space<semaphore_mem>>) src(%dma_wait3A_309 : memref<112x128xi32, #tpu.memory_space<hbm>>) dst(%dma_wait3A_307 : memref<112x128xi32, #tpu.memory_space<vmem>>)
        tpu.yield
      }) : () -> ()
    } else {
    }
    %eq3A_3 = arith.constant 1 : i32
    %eq3A_4 = arith.cmpi eq, %arg0, %eq3A_3 : i32
    %convert_element_type3A_5 = arith.extui %eq3A_4 : i1 to i32
    %cond3A_6 = arith.constant 0 : i32
    %cond3A_7 = arith.cmpi ne, %convert_element_type3A_5, %cond3A_6 : i32
    scf.if %cond3A_7 {
      %mul3A_288 = arith.constant 48 : i32
      %mul3A_289 = arith.muli %arg1, %mul3A_288 : i32
      %add3A_290 = arith.constant 1792 : i32
      %add3A_291 = arith.addi %add3A_290, %mul3A_289 : i32
      "tpu.region"() ({
        %run_scoped3A = tpu.sem_alloc : memref<!tpu.dma_semaphore, #tpu.memory_space<semaphore_mem>>
        %dma_start3A_292 = arith.constant 0 : i32
        %dma_start3A_293 = arith.constant 0 : i32
        %dma_start3A_294 = tpu.memref_slice %arg7[%dma_start3A_292, %dma_start3A_293] : memref<112x128xi32, #tpu.memory_space<vmem>> -> memref<48x128xi32, #tpu.memory_space<vmem>>
        %dma_start3A_295 = arith.constant 0 : i32
        %dma_start3A_296 = tpu.memref_slice %arg3[%add3A_291, %dma_start3A_295] : memref<2560x128xi32, #tpu.memory_space<hbm>> -> memref<48x128xi32, #tpu.memory_space<hbm>>
        %dma_start3A_297 = arith.constant 0 : i32
        %dma_start3A_298 = arith.constant 0 : i32
        %dma_start3A_299 = tpu.memref_slice %arg7[%dma_start3A_297, %dma_start3A_298] : memref<112x128xi32, #tpu.memory_space<vmem>> -> memref<48x128xi32, #tpu.memory_space<vmem>>
        %dma_start3A_300 = arith.constant 0 : i32
        %dma_start3A_301 = tpu.memref_slice %arg3[%add3A_291, %dma_start3A_300] : memref<2560x128xi32, #tpu.memory_space<hbm>> -> memref<48x128xi32, #tpu.memory_space<hbm>>
        tpu.enqueue_dma source(%dma_start3A_301 : memref<48x128xi32, #tpu.memory_space<hbm>>) target(%dma_start3A_299 : memref<48x128xi32, #tpu.memory_space<vmem>>) target_semaphore(%run_scoped3A : memref<!tpu.dma_semaphore, #tpu.memory_space<semaphore_mem>>)
        %dma_wait3A_302 = arith.constant 0 : i32
        %dma_wait3A_303 = arith.constant 0 : i32
        %dma_wait3A_304 = tpu.memref_slice %arg7[%dma_wait3A_302, %dma_wait3A_303] : memref<112x128xi32, #tpu.memory_space<vmem>> -> memref<48x128xi32, #tpu.memory_space<vmem>>
        %dma_wait3A_305 = arith.constant 0 : i32
        %dma_wait3A_306 = tpu.memref_slice %arg3[%add3A_291, %dma_wait3A_305] : memref<2560x128xi32, #tpu.memory_space<hbm>> -> memref<48x128xi32, #tpu.memory_space<hbm>>
        %dma_wait3A_307 = arith.constant 0 : i32
        %dma_wait3A_308 = arith.constant 0 : i32
        %dma_wait3A_309 = tpu.memref_slice %arg7[%dma_wait3A_307, %dma_wait3A_308] : memref<112x128xi32, #tpu.memory_space<vmem>> -> memref<48x128xi32, #tpu.memory_space<vmem>>
        %dma_wait3A_310 = arith.constant 0 : i32
        %dma_wait3A_311 = tpu.memref_slice %arg3[%add3A_291, %dma_wait3A_310] : memref<2560x128xi32, #tpu.memory_space<hbm>> -> memref<48x128xi32, #tpu.memory_space<hbm>>
        tpu.wait_dma2 semaphore(%run_scoped3A : memref<!tpu.dma_semaphore, #tpu.memory_space<semaphore_mem>>) src(%dma_wait3A_311 : memref<48x128xi32, #tpu.memory_space<hbm>>) dst(%dma_wait3A_309 : memref<48x128xi32, #tpu.memory_space<vmem>>)
        tpu.yield
      }) : () -> ()
      "tpu.region"() ({
        %run_scoped3A = tpu.sem_alloc : memref<!tpu.dma_semaphore, #tpu.memory_space<semaphore_mem>>
        %dma_start3A_292 = arith.constant 0 : i32
        %dma_start3A_293 = arith.constant 0 : i32
        %dma_start3A_294 = tpu.memref_slice %arg8[%dma_start3A_292, %dma_start3A_293] : memref<112x128xi32, #tpu.memory_space<vmem>> -> memref<48x128xi32, #tpu.memory_space<vmem>>
        %dma_start3A_295 = arith.constant 0 : i32
        %dma_start3A_296 = tpu.memref_slice %arg4[%add3A_291, %dma_start3A_295] : memref<2560x128xi32, #tpu.memory_space<hbm>> -> memref<48x128xi32, #tpu.memory_space<hbm>>
        %dma_start3A_297 = arith.constant 0 : i32
        %dma_start3A_298 = arith.constant 0 : i32
        %dma_start3A_299 = tpu.memref_slice %arg8[%dma_start3A_297, %dma_start3A_298] : memref<112x128xi32, #tpu.memory_space<vmem>> -> memref<48x128xi32, #tpu.memory_space<vmem>>
        %dma_start3A_300 = arith.constant 0 : i32
        %dma_start3A_301 = tpu.memref_slice %arg4[%add3A_291, %dma_start3A_300] : memref<2560x128xi32, #tpu.memory_space<hbm>> -> memref<48x128xi32, #tpu.memory_space<hbm>>
        tpu.enqueue_dma source(%dma_start3A_301 : memref<48x128xi32, #tpu.memory_space<hbm>>) target(%dma_start3A_299 : memref<48x128xi32, #tpu.memory_space<vmem>>) target_semaphore(%run_scoped3A : memref<!tpu.dma_semaphore, #tpu.memory_space<semaphore_mem>>)
        %dma_wait3A_302 = arith.constant 0 : i32
        %dma_wait3A_303 = arith.constant 0 : i32
        %dma_wait3A_304 = tpu.memref_slice %arg8[%dma_wait3A_302, %dma_wait3A_303] : memref<112x128xi32, #tpu.memory_space<vmem>> -> memref<48x128xi32, #tpu.memory_space<vmem>>
        %dma_wait3A_305 = arith.constant 0 : i32
        %dma_wait3A_306 = tpu.memref_slice %arg4[%add3A_291, %dma_wait3A_305] : memref<2560x128xi32, #tpu.memory_space<hbm>> -> memref<48x128xi32, #tpu.memory_space<hbm>>
        %dma_wait3A_307 = arith.constant 0 : i32
        %dma_wait3A_308 = arith.constant 0 : i32
        %dma_wait3A_309 = tpu.memref_slice %arg8[%dma_wait3A_307, %dma_wait3A_308] : memref<112x128xi32, #tpu.memory_space<vmem>> -> memref<48x128xi32, #tpu.memory_space<vmem>>
        %dma_wait3A_310 = arith.constant 0 : i32
        %dma_wait3A_311 = tpu.memref_slice %arg4[%add3A_291, %dma_wait3A_310] : memref<2560x128xi32, #tpu.memory_space<hbm>> -> memref<48x128xi32, #tpu.memory_space<hbm>>
        tpu.wait_dma2 semaphore(%run_scoped3A : memref<!tpu.dma_semaphore, #tpu.memory_space<semaphore_mem>>) src(%dma_wait3A_311 : memref<48x128xi32, #tpu.memory_space<hbm>>) dst(%dma_wait3A_309 : memref<48x128xi32, #tpu.memory_space<vmem>>)
        tpu.yield
      }) : () -> ()
    } else {
    }
    %eq3A_8 = arith.constant 0 : i32
    %eq3A_9 = arith.cmpi eq, %arg0, %eq3A_8 : i32
    %jit3A = arith.constant 28 : i32
    %jit3A_10 = arith.constant 12 : i32
    %select_n3A = arith.select %eq3A_9, %jit3A, %jit3A_10 : i32
    %barrier3A = arith.constant 0 : index
    tpu.barrier barrier_id(%barrier3A)
    %rem3A = arith.constant 0 : i32
    %rem3A_11 = arith.constant 4 : i32
    %rem3A_12 = arith.remsi %rem3A, %rem3A_11 : i32
    %mul3A_13 = arith.constant 0 : i32
    %mul3A_14 = arith.constant 4 : i32
    %mul3A_15 = arith.muli %mul3A_13, %mul3A_14 : i32
    %add3A = arith.constant 0 : i32
    %add3A_16 = arith.addi %mul3A_15, %add3A : i32
    %mul3A_17 = arith.constant 4 : i32
    %mul3A_18 = arith.muli %rem3A_12, %mul3A_17 : i32
    %add3A_19 = arith.constant 0 : i32
    %add3A_20 = arith.addi %mul3A_18, %add3A_19 : i32
    %mul3A_21 = arith.constant 128 : i32
    %mul3A_22 = arith.muli %add3A_20, %mul3A_21 : i32
    %dma_start3A = arith.constant 0 : i32
    %dma_start3A_23 = tpu.memref_slice %arg9[%mul3A_22, %dma_start3A] : memref<2048x16xf32, #tpu.memory_space<vmem>> -> memref<128x16xf32, #tpu.memory_space<vmem>>
    %dma_start3A_24 = arith.constant 0 : i32
    %dma_start3A_25 = tpu.memref_slice %arg7[%add3A_16, %dma_start3A_24] : memref<112x128xi32, #tpu.memory_space<vmem>> -> memref<1x128xi32, #tpu.memory_space<vmem>>
    %dma_start3A_26 = tpu.memref_squeeze %dma_start3A_25 : memref<1x128xi32, #tpu.memory_space<vmem>> -> memref<128xi32, #tpu.memory_space<vmem>>
    %dma_start3A_27 = arith.constant 0 : i32
    %dma_start3A_28 = arith.constant 0 : i32
    %dma_start3A_29 = tpu.memref_slice %arg2[%dma_start3A_27, %dma_start3A_28] : memref<10112x16xf32, #tpu.memory_space<hbm>> -> memref<10112x16xf32, #tpu.memory_space<hbm>>
    tpu.enqueue_indirect_dma source(%dma_start3A_29 : memref<10112x16xf32, #tpu.memory_space<hbm>>) target(%dma_start3A_23 : memref<128x16xf32, #tpu.memory_space<vmem>>) offsets(%dma_start3A_26 : memref<128xi32, #tpu.memory_space<vmem>>) semaphore(%arg11 : memref<!tpu.dma_semaphore, #tpu.memory_space<semaphore_mem>>)
    %rem3A_30 = arith.constant 0 : i32
    %rem3A_31 = arith.constant 4 : i32
    %rem3A_32 = arith.remsi %rem3A_30, %rem3A_31 : i32
    %mul3A_33 = arith.constant 0 : i32
    %mul3A_34 = arith.constant 4 : i32
    %mul3A_35 = arith.muli %mul3A_33, %mul3A_34 : i32
    %add3A_36 = arith.constant 1 : i32
    %add3A_37 = arith.addi %mul3A_35, %add3A_36 : i32
    %mul3A_38 = arith.constant 4 : i32
    %mul3A_39 = arith.muli %rem3A_32, %mul3A_38 : i32
    %add3A_40 = arith.constant 1 : i32
    %add3A_41 = arith.addi %mul3A_39, %add3A_40 : i32
    %mul3A_42 = arith.constant 128 : i32
    %mul3A_43 = arith.muli %add3A_41, %mul3A_42 : i32
    %dma_start3A_44 = arith.constant 0 : i32
    %dma_start3A_45 = tpu.memref_slice %arg9[%mul3A_43, %dma_start3A_44] : memref<2048x16xf32, #tpu.memory_space<vmem>> -> memref<128x16xf32, #tpu.memory_space<vmem>>
    %dma_start3A_46 = arith.constant 0 : i32
    %dma_start3A_47 = tpu.memref_slice %arg7[%add3A_37, %dma_start3A_46] : memref<112x128xi32, #tpu.memory_space<vmem>> -> memref<1x128xi32, #tpu.memory_space<vmem>>
    %dma_start3A_48 = tpu.memref_squeeze %dma_start3A_47 : memref<1x128xi32, #tpu.memory_space<vmem>> -> memref<128xi32, #tpu.memory_space<vmem>>
    %dma_start3A_49 = arith.constant 0 : i32
    %dma_start3A_50 = arith.constant 0 : i32
    %dma_start3A_51 = tpu.memref_slice %arg2[%dma_start3A_49, %dma_start3A_50] : memref<10112x16xf32, #tpu.memory_space<hbm>> -> memref<10112x16xf32, #tpu.memory_space<hbm>>
    tpu.enqueue_indirect_dma source(%dma_start3A_51 : memref<10112x16xf32, #tpu.memory_space<hbm>>) target(%dma_start3A_45 : memref<128x16xf32, #tpu.memory_space<vmem>>) offsets(%dma_start3A_48 : memref<128xi32, #tpu.memory_space<vmem>>) semaphore(%arg11 : memref<!tpu.dma_semaphore, #tpu.memory_space<semaphore_mem>>)
    %rem3A_52 = arith.constant 0 : i32
    %rem3A_53 = arith.constant 4 : i32
    %rem3A_54 = arith.remsi %rem3A_52, %rem3A_53 : i32
    %mul3A_55 = arith.constant 0 : i32
    %mul3A_56 = arith.constant 4 : i32
    %mul3A_57 = arith.muli %mul3A_55, %mul3A_56 : i32
    %add3A_58 = arith.constant 2 : i32
    %add3A_59 = arith.addi %mul3A_57, %add3A_58 : i32
    %mul3A_60 = arith.constant 4 : i32
    %mul3A_61 = arith.muli %rem3A_54, %mul3A_60 : i32
    %add3A_62 = arith.constant 2 : i32
    %add3A_63 = arith.addi %mul3A_61, %add3A_62 : i32
    %mul3A_64 = arith.constant 128 : i32
    %mul3A_65 = arith.muli %add3A_63, %mul3A_64 : i32
    %dma_start3A_66 = arith.constant 0 : i32
    %dma_start3A_67 = tpu.memref_slice %arg9[%mul3A_65, %dma_start3A_66] : memref<2048x16xf32, #tpu.memory_space<vmem>> -> memref<128x16xf32, #tpu.memory_space<vmem>>
    %dma_start3A_68 = arith.constant 0 : i32
    %dma_start3A_69 = tpu.memref_slice %arg7[%add3A_59, %dma_start3A_68] : memref<112x128xi32, #tpu.memory_space<vmem>> -> memref<1x128xi32, #tpu.memory_space<vmem>>
    %dma_start3A_70 = tpu.memref_squeeze %dma_start3A_69 : memref<1x128xi32, #tpu.memory_space<vmem>> -> memref<128xi32, #tpu.memory_space<vmem>>
    %dma_start3A_71 = arith.constant 0 : i32
    %dma_start3A_72 = arith.constant 0 : i32
    %dma_start3A_73 = tpu.memref_slice %arg2[%dma_start3A_71, %dma_start3A_72] : memref<10112x16xf32, #tpu.memory_space<hbm>> -> memref<10112x16xf32, #tpu.memory_space<hbm>>
    tpu.enqueue_indirect_dma source(%dma_start3A_73 : memref<10112x16xf32, #tpu.memory_space<hbm>>) target(%dma_start3A_67 : memref<128x16xf32, #tpu.memory_space<vmem>>) offsets(%dma_start3A_70 : memref<128xi32, #tpu.memory_space<vmem>>) semaphore(%arg11 : memref<!tpu.dma_semaphore, #tpu.memory_space<semaphore_mem>>)
    %rem3A_74 = arith.constant 0 : i32
    %rem3A_75 = arith.constant 4 : i32
    %rem3A_76 = arith.remsi %rem3A_74, %rem3A_75 : i32
    %mul3A_77 = arith.constant 0 : i32
    %mul3A_78 = arith.constant 4 : i32
    %mul3A_79 = arith.muli %mul3A_77, %mul3A_78 : i32
    %add3A_80 = arith.constant 3 : i32
    %add3A_81 = arith.addi %mul3A_79, %add3A_80 : i32
    %mul3A_82 = arith.constant 4 : i32
    %mul3A_83 = arith.muli %rem3A_76, %mul3A_82 : i32
    %add3A_84 = arith.constant 3 : i32
    %add3A_85 = arith.addi %mul3A_83, %add3A_84 : i32
    %mul3A_86 = arith.constant 128 : i32
    %mul3A_87 = arith.muli %add3A_85, %mul3A_86 : i32
    %dma_start3A_88 = arith.constant 0 : i32
    %dma_start3A_89 = tpu.memref_slice %arg9[%mul3A_87, %dma_start3A_88] : memref<2048x16xf32, #tpu.memory_space<vmem>> -> memref<128x16xf32, #tpu.memory_space<vmem>>
    %dma_start3A_90 = arith.constant 0 : i32
    %dma_start3A_91 = tpu.memref_slice %arg7[%add3A_81, %dma_start3A_90] : memref<112x128xi32, #tpu.memory_space<vmem>> -> memref<1x128xi32, #tpu.memory_space<vmem>>
    %dma_start3A_92 = tpu.memref_squeeze %dma_start3A_91 : memref<1x128xi32, #tpu.memory_space<vmem>> -> memref<128xi32, #tpu.memory_space<vmem>>
    %dma_start3A_93 = arith.constant 0 : i32
    %dma_start3A_94 = arith.constant 0 : i32
    %dma_start3A_95 = tpu.memref_slice %arg2[%dma_start3A_93, %dma_start3A_94] : memref<10112x16xf32, #tpu.memory_space<hbm>> -> memref<10112x16xf32, #tpu.memory_space<hbm>>
    tpu.enqueue_indirect_dma source(%dma_start3A_95 : memref<10112x16xf32, #tpu.memory_space<hbm>>) target(%dma_start3A_89 : memref<128x16xf32, #tpu.memory_space<vmem>>) offsets(%dma_start3A_92 : memref<128xi32, #tpu.memory_space<vmem>>) semaphore(%arg11 : memref<!tpu.dma_semaphore, #tpu.memory_space<semaphore_mem>>)
    %rem3A_96 = arith.constant 1 : i32
    %rem3A_97 = arith.constant 4 : i32
    %rem3A_98 = arith.remsi %rem3A_96, %rem3A_97 : i32
    %mul3A_99 = arith.constant 1 : i32
    %mul3A_100 = arith.constant 4 : i32
    %mul3A_101 = arith.muli %mul3A_99, %mul3A_100 : i32
    %add3A_102 = arith.constant 0 : i32
    %add3A_103 = arith.addi %mul3A_101, %add3A_102 : i32
    %mul3A_104 = arith.constant 4 : i32
    %mul3A_105 = arith.muli %rem3A_98, %mul3A_104 : i32
    %add3A_106 = arith.constant 0 : i32
    %add3A_107 = arith.addi %mul3A_105, %add3A_106 : i32
    %mul3A_108 = arith.constant 128 : i32
    %mul3A_109 = arith.muli %add3A_107, %mul3A_108 : i32
    %dma_start3A_110 = arith.constant 0 : i32
    %dma_start3A_111 = tpu.memref_slice %arg9[%mul3A_109, %dma_start3A_110] : memref<2048x16xf32, #tpu.memory_space<vmem>> -> memref<128x16xf32, #tpu.memory_space<vmem>>
    %dma_start3A_112 = arith.constant 0 : i32
    %dma_start3A_113 = tpu.memref_slice %arg7[%add3A_103, %dma_start3A_112] : memref<112x128xi32, #tpu.memory_space<vmem>> -> memref<1x128xi32, #tpu.memory_space<vmem>>
    %dma_start3A_114 = tpu.memref_squeeze %dma_start3A_113 : memref<1x128xi32, #tpu.memory_space<vmem>> -> memref<128xi32, #tpu.memory_space<vmem>>
    %dma_start3A_115 = arith.constant 0 : i32
    %dma_start3A_116 = arith.constant 0 : i32
    %dma_start3A_117 = tpu.memref_slice %arg2[%dma_start3A_115, %dma_start3A_116] : memref<10112x16xf32, #tpu.memory_space<hbm>> -> memref<10112x16xf32, #tpu.memory_space<hbm>>
    tpu.enqueue_indirect_dma source(%dma_start3A_117 : memref<10112x16xf32, #tpu.memory_space<hbm>>) target(%dma_start3A_111 : memref<128x16xf32, #tpu.memory_space<vmem>>) offsets(%dma_start3A_114 : memref<128xi32, #tpu.memory_space<vmem>>) semaphore(%arg11 : memref<!tpu.dma_semaphore, #tpu.memory_space<semaphore_mem>>)
    %rem3A_118 = arith.constant 1 : i32
    %rem3A_119 = arith.constant 4 : i32
    %rem3A_120 = arith.remsi %rem3A_118, %rem3A_119 : i32
    %mul3A_121 = arith.constant 1 : i32
    %mul3A_122 = arith.constant 4 : i32
    %mul3A_123 = arith.muli %mul3A_121, %mul3A_122 : i32
    %add3A_124 = arith.constant 1 : i32
    %add3A_125 = arith.addi %mul3A_123, %add3A_124 : i32
    %mul3A_126 = arith.constant 4 : i32
    %mul3A_127 = arith.muli %rem3A_120, %mul3A_126 : i32
    %add3A_128 = arith.constant 1 : i32
    %add3A_129 = arith.addi %mul3A_127, %add3A_128 : i32
    %mul3A_130 = arith.constant 128 : i32
    %mul3A_131 = arith.muli %add3A_129, %mul3A_130 : i32
    %dma_start3A_132 = arith.constant 0 : i32
    %dma_start3A_133 = tpu.memref_slice %arg9[%mul3A_131, %dma_start3A_132] : memref<2048x16xf32, #tpu.memory_space<vmem>> -> memref<128x16xf32, #tpu.memory_space<vmem>>
    %dma_start3A_134 = arith.constant 0 : i32
    %dma_start3A_135 = tpu.memref_slice %arg7[%add3A_125, %dma_start3A_134] : memref<112x128xi32, #tpu.memory_space<vmem>> -> memref<1x128xi32, #tpu.memory_space<vmem>>
    %dma_start3A_136 = tpu.memref_squeeze %dma_start3A_135 : memref<1x128xi32, #tpu.memory_space<vmem>> -> memref<128xi32, #tpu.memory_space<vmem>>
    %dma_start3A_137 = arith.constant 0 : i32
    %dma_start3A_138 = arith.constant 0 : i32
    %dma_start3A_139 = tpu.memref_slice %arg2[%dma_start3A_137, %dma_start3A_138] : memref<10112x16xf32, #tpu.memory_space<hbm>> -> memref<10112x16xf32, #tpu.memory_space<hbm>>
    tpu.enqueue_indirect_dma source(%dma_start3A_139 : memref<10112x16xf32, #tpu.memory_space<hbm>>) target(%dma_start3A_133 : memref<128x16xf32, #tpu.memory_space<vmem>>) offsets(%dma_start3A_136 : memref<128xi32, #tpu.memory_space<vmem>>) semaphore(%arg11 : memref<!tpu.dma_semaphore, #tpu.memory_space<semaphore_mem>>)
    %rem3A_140 = arith.constant 1 : i32
    %rem3A_141 = arith.constant 4 : i32
    %rem3A_142 = arith.remsi %rem3A_140, %rem3A_141 : i32
    %mul3A_143 = arith.constant 1 : i32
    %mul3A_144 = arith.constant 4 : i32
    %mul3A_145 = arith.muli %mul3A_143, %mul3A_144 : i32
    %add3A_146 = arith.constant 2 : i32
    %add3A_147 = arith.addi %mul3A_145, %add3A_146 : i32
    %mul3A_148 = arith.constant 4 : i32
    %mul3A_149 = arith.muli %rem3A_142, %mul3A_148 : i32
    %add3A_150 = arith.constant 2 : i32
    %add3A_151 = arith.addi %mul3A_149, %add3A_150 : i32
    %mul3A_152 = arith.constant 128 : i32
    %mul3A_153 = arith.muli %add3A_151, %mul3A_152 : i32
    %dma_start3A_154 = arith.constant 0 : i32
    %dma_start3A_155 = tpu.memref_slice %arg9[%mul3A_153, %dma_start3A_154] : memref<2048x16xf32, #tpu.memory_space<vmem>> -> memref<128x16xf32, #tpu.memory_space<vmem>>
    %dma_start3A_156 = arith.constant 0 : i32
    %dma_start3A_157 = tpu.memref_slice %arg7[%add3A_147, %dma_start3A_156] : memref<112x128xi32, #tpu.memory_space<vmem>> -> memref<1x128xi32, #tpu.memory_space<vmem>>
    %dma_start3A_158 = tpu.memref_squeeze %dma_start3A_157 : memref<1x128xi32, #tpu.memory_space<vmem>> -> memref<128xi32, #tpu.memory_space<vmem>>
    %dma_start3A_159 = arith.constant 0 : i32
    %dma_start3A_160 = arith.constant 0 : i32
    %dma_start3A_161 = tpu.memref_slice %arg2[%dma_start3A_159, %dma_start3A_160] : memref<10112x16xf32, #tpu.memory_space<hbm>> -> memref<10112x16xf32, #tpu.memory_space<hbm>>
    tpu.enqueue_indirect_dma source(%dma_start3A_161 : memref<10112x16xf32, #tpu.memory_space<hbm>>) target(%dma_start3A_155 : memref<128x16xf32, #tpu.memory_space<vmem>>) offsets(%dma_start3A_158 : memref<128xi32, #tpu.memory_space<vmem>>) semaphore(%arg11 : memref<!tpu.dma_semaphore, #tpu.memory_space<semaphore_mem>>)
    %rem3A_162 = arith.constant 1 : i32
    %rem3A_163 = arith.constant 4 : i32
    %rem3A_164 = arith.remsi %rem3A_162, %rem3A_163 : i32
    %mul3A_165 = arith.constant 1 : i32
    %mul3A_166 = arith.constant 4 : i32
    %mul3A_167 = arith.muli %mul3A_165, %mul3A_166 : i32
    %add3A_168 = arith.constant 3 : i32
    %add3A_169 = arith.addi %mul3A_167, %add3A_168 : i32
    %mul3A_170 = arith.constant 4 : i32
    %mul3A_171 = arith.muli %rem3A_164, %mul3A_170 : i32
    %add3A_172 = arith.constant 3 : i32
    %add3A_173 = arith.addi %mul3A_171, %add3A_172 : i32
    %mul3A_174 = arith.constant 128 : i32
    %mul3A_175 = arith.muli %add3A_173, %mul3A_174 : i32
    %dma_start3A_176 = arith.constant 0 : i32
    %dma_start3A_177 = tpu.memref_slice %arg9[%mul3A_175, %dma_start3A_176] : memref<2048x16xf32, #tpu.memory_space<vmem>> -> memref<128x16xf32, #tpu.memory_space<vmem>>
    %dma_start3A_178 = arith.constant 0 : i32
    %dma_start3A_179 = tpu.memref_slice %arg7[%add3A_169, %dma_start3A_178] : memref<112x128xi32, #tpu.memory_space<vmem>> -> memref<1x128xi32, #tpu.memory_space<vmem>>
    %dma_start3A_180 = tpu.memref_squeeze %dma_start3A_179 : memref<1x128xi32, #tpu.memory_space<vmem>> -> memref<128xi32, #tpu.memory_space<vmem>>
    %dma_start3A_181 = arith.constant 0 : i32
    %dma_start3A_182 = arith.constant 0 : i32
    %dma_start3A_183 = tpu.memref_slice %arg2[%dma_start3A_181, %dma_start3A_182] : memref<10112x16xf32, #tpu.memory_space<hbm>> -> memref<10112x16xf32, #tpu.memory_space<hbm>>
    tpu.enqueue_indirect_dma source(%dma_start3A_183 : memref<10112x16xf32, #tpu.memory_space<hbm>>) target(%dma_start3A_177 : memref<128x16xf32, #tpu.memory_space<vmem>>) offsets(%dma_start3A_180 : memref<128xi32, #tpu.memory_space<vmem>>) semaphore(%arg11 : memref<!tpu.dma_semaphore, #tpu.memory_space<semaphore_mem>>)
    %while3A = arith.constant 0 : i32
    %while3A_184 = arith.constant 0 : i32
    %while3A_185 = arith.subi %select_n3A, %while3A_184 : i32
    %while3A_186 = arith.addi %while3A_184, %while3A_185 : i32
    %while3A_187 = arith.constant 1 : i32
    %while3A_188 = arith.divsi %while3A_185, %while3A_187 : i32
    %while3A_189 = arith.muli %while3A_188, %while3A_187 : i32
    %while3A_190 = arith.addi %while3A_184, %while3A_189 : i32
    %while3A_191 = arith.constant 1 : i32
    scf.for %while3A_288 = %while3A_184 to %while3A_190 step %while3A_191  : i32 {
      %ge3A = arith.constant 1 : i32
      %ge3A_289 = arith.cmpi sge, %while3A_288, %ge3A : i32
      %convert_element_type3A_290 = arith.extui %ge3A_289 : i1 to i32
      %cond3A_291 = arith.constant 0 : i32
      %cond3A_292 = arith.cmpi ne, %convert_element_type3A_290, %cond3A_291 : i32
      scf.if %cond3A_292 {
        %sub3A_458 = arith.constant 1 : i32
        %sub3A_459 = arith.subi %while3A_288, %sub3A_458 : i32
        %rem3A_460 = arith.constant 4 : i32
        %rem3A_461 = arith.remsi %sub3A_459, %rem3A_460 : i32
        %mul3A_462 = arith.constant 4 : i32
        %mul3A_463 = arith.muli %rem3A_461, %mul3A_462 : i32
        %add3A_464 = arith.constant 0 : i32
        %add3A_465 = arith.addi %mul3A_463, %add3A_464 : i32
        %mul3A_466 = arith.constant 128 : i32
        %mul3A_467 = arith.muli %add3A_465, %mul3A_466 : i32
        %mul3A_468 = arith.constant 4 : i32
        %mul3A_469 = arith.muli %sub3A_459, %mul3A_468 : i32
        %add3A_470 = arith.constant 0 : i32
        %add3A_471 = arith.addi %mul3A_469, %add3A_470 : i32
        %dma_wait3A_472 = arith.constant 0 : i32
        %dma_wait3A_473 = tpu.memref_slice %arg9[%mul3A_467, %dma_wait3A_472] : memref<2048x16xf32, #tpu.memory_space<vmem>> -> memref<128x16xf32, #tpu.memory_space<vmem>>
        %dma_wait3A_474 = arith.constant 0 : i32
        %dma_wait3A_475 = tpu.memref_slice %arg8[%add3A_471, %dma_wait3A_474] : memref<112x128xi32, #tpu.memory_space<vmem>> -> memref<1x128xi32, #tpu.memory_space<vmem>>
        %dma_wait3A_476 = tpu.memref_squeeze %dma_wait3A_475 : memref<1x128xi32, #tpu.memory_space<vmem>> -> memref<128xi32, #tpu.memory_space<vmem>>
        %dma_wait3A_477 = arith.constant 0 : i32
        %dma_wait3A_478 = arith.constant 0 : i32
        %dma_wait3A_479 = tpu.memref_slice %arg10[%dma_wait3A_477, %dma_wait3A_478] : memref<10112x16xf32, #tpu.memory_space<vmem_shared>> -> memref<10112x16xf32, #tpu.memory_space<vmem_shared>>
        tpu.wait_indirect_dma semaphore(%arg12 : memref<!tpu.dma_semaphore, #tpu.memory_space<semaphore_mem>>) src(%dma_wait3A_473 : memref<128x16xf32, #tpu.memory_space<vmem>>) dst(%dma_wait3A_479 : memref<10112x16xf32, #tpu.memory_space<vmem_shared>>)
        %sub3A_480 = arith.constant 1 : i32
        %sub3A_481 = arith.subi %while3A_288, %sub3A_480 : i32
        %rem3A_482 = arith.constant 4 : i32
        %rem3A_483 = arith.remsi %sub3A_481, %rem3A_482 : i32
        %mul3A_484 = arith.constant 4 : i32
        %mul3A_485 = arith.muli %rem3A_483, %mul3A_484 : i32
        %add3A_486 = arith.constant 1 : i32
        %add3A_487 = arith.addi %mul3A_485, %add3A_486 : i32
        %mul3A_488 = arith.constant 128 : i32
        %mul3A_489 = arith.muli %add3A_487, %mul3A_488 : i32
        %mul3A_490 = arith.constant 4 : i32
        %mul3A_491 = arith.muli %sub3A_481, %mul3A_490 : i32
        %add3A_492 = arith.constant 1 : i32
        %add3A_493 = arith.addi %mul3A_491, %add3A_492 : i32
        %dma_wait3A_494 = arith.constant 0 : i32
        %dma_wait3A_495 = tpu.memref_slice %arg9[%mul3A_489, %dma_wait3A_494] : memref<2048x16xf32, #tpu.memory_space<vmem>> -> memref<128x16xf32, #tpu.memory_space<vmem>>
        %dma_wait3A_496 = arith.constant 0 : i32
        %dma_wait3A_497 = tpu.memref_slice %arg8[%add3A_493, %dma_wait3A_496] : memref<112x128xi32, #tpu.memory_space<vmem>> -> memref<1x128xi32, #tpu.memory_space<vmem>>
        %dma_wait3A_498 = tpu.memref_squeeze %dma_wait3A_497 : memref<1x128xi32, #tpu.memory_space<vmem>> -> memref<128xi32, #tpu.memory_space<vmem>>
        %dma_wait3A_499 = arith.constant 0 : i32
        %dma_wait3A_500 = arith.constant 0 : i32
        %dma_wait3A_501 = tpu.memref_slice %arg10[%dma_wait3A_499, %dma_wait3A_500] : memref<10112x16xf32, #tpu.memory_space<vmem_shared>> -> memref<10112x16xf32, #tpu.memory_space<vmem_shared>>
        tpu.wait_indirect_dma semaphore(%arg12 : memref<!tpu.dma_semaphore, #tpu.memory_space<semaphore_mem>>) src(%dma_wait3A_495 : memref<128x16xf32, #tpu.memory_space<vmem>>) dst(%dma_wait3A_501 : memref<10112x16xf32, #tpu.memory_space<vmem_shared>>)
        %sub3A_502 = arith.constant 1 : i32
        %sub3A_503 = arith.subi %while3A_288, %sub3A_502 : i32
        %rem3A_504 = arith.constant 4 : i32
        %rem3A_505 = arith.remsi %sub3A_503, %rem3A_504 : i32
        %mul3A_506 = arith.constant 4 : i32
        %mul3A_507 = arith.muli %rem3A_505, %mul3A_506 : i32
        %add3A_508 = arith.constant 2 : i32
        %add3A_509 = arith.addi %mul3A_507, %add3A_508 : i32
        %mul3A_510 = arith.constant 128 : i32
        %mul3A_511 = arith.muli %add3A_509, %mul3A_510 : i32
        %mul3A_512 = arith.constant 4 : i32
        %mul3A_513 = arith.muli %sub3A_503, %mul3A_512 : i32
        %add3A_514 = arith.constant 2 : i32
        %add3A_515 = arith.addi %mul3A_513, %add3A_514 : i32
        %dma_wait3A_516 = arith.constant 0 : i32
        %dma_wait3A_517 = tpu.memref_slice %arg9[%mul3A_511, %dma_wait3A_516] : memref<2048x16xf32, #tpu.memory_space<vmem>> -> memref<128x16xf32, #tpu.memory_space<vmem>>
        %dma_wait3A_518 = arith.constant 0 : i32
        %dma_wait3A_519 = tpu.memref_slice %arg8[%add3A_515, %dma_wait3A_518] : memref<112x128xi32, #tpu.memory_space<vmem>> -> memref<1x128xi32, #tpu.memory_space<vmem>>
        %dma_wait3A_520 = tpu.memref_squeeze %dma_wait3A_519 : memref<1x128xi32, #tpu.memory_space<vmem>> -> memref<128xi32, #tpu.memory_space<vmem>>
        %dma_wait3A_521 = arith.constant 0 : i32
        %dma_wait3A_522 = arith.constant 0 : i32
        %dma_wait3A_523 = tpu.memref_slice %arg10[%dma_wait3A_521, %dma_wait3A_522] : memref<10112x16xf32, #tpu.memory_space<vmem_shared>> -> memref<10112x16xf32, #tpu.memory_space<vmem_shared>>
        tpu.wait_indirect_dma semaphore(%arg12 : memref<!tpu.dma_semaphore, #tpu.memory_space<semaphore_mem>>) src(%dma_wait3A_517 : memref<128x16xf32, #tpu.memory_space<vmem>>) dst(%dma_wait3A_523 : memref<10112x16xf32, #tpu.memory_space<vmem_shared>>)
        %sub3A_524 = arith.constant 1 : i32
        %sub3A_525 = arith.subi %while3A_288, %sub3A_524 : i32
        %rem3A_526 = arith.constant 4 : i32
        %rem3A_527 = arith.remsi %sub3A_525, %rem3A_526 : i32
        %mul3A_528 = arith.constant 4 : i32
        %mul3A_529 = arith.muli %rem3A_527, %mul3A_528 : i32
        %add3A_530 = arith.constant 3 : i32
        %add3A_531 = arith.addi %mul3A_529, %add3A_530 : i32
        %mul3A_532 = arith.constant 128 : i32
        %mul3A_533 = arith.muli %add3A_531, %mul3A_532 : i32
        %mul3A_534 = arith.constant 4 : i32
        %mul3A_535 = arith.muli %sub3A_525, %mul3A_534 : i32
        %add3A_536 = arith.constant 3 : i32
        %add3A_537 = arith.addi %mul3A_535, %add3A_536 : i32
        %dma_wait3A_538 = arith.constant 0 : i32
        %dma_wait3A_539 = tpu.memref_slice %arg9[%mul3A_533, %dma_wait3A_538] : memref<2048x16xf32, #tpu.memory_space<vmem>> -> memref<128x16xf32, #tpu.memory_space<vmem>>
        %dma_wait3A_540 = arith.constant 0 : i32
        %dma_wait3A_541 = tpu.memref_slice %arg8[%add3A_537, %dma_wait3A_540] : memref<112x128xi32, #tpu.memory_space<vmem>> -> memref<1x128xi32, #tpu.memory_space<vmem>>
        %dma_wait3A_542 = tpu.memref_squeeze %dma_wait3A_541 : memref<1x128xi32, #tpu.memory_space<vmem>> -> memref<128xi32, #tpu.memory_space<vmem>>
        %dma_wait3A_543 = arith.constant 0 : i32
        %dma_wait3A_544 = arith.constant 0 : i32
        %dma_wait3A_545 = tpu.memref_slice %arg10[%dma_wait3A_543, %dma_wait3A_544] : memref<10112x16xf32, #tpu.memory_space<vmem_shared>> -> memref<10112x16xf32, #tpu.memory_space<vmem_shared>>
        tpu.wait_indirect_dma semaphore(%arg12 : memref<!tpu.dma_semaphore, #tpu.memory_space<semaphore_mem>>) src(%dma_wait3A_539 : memref<128x16xf32, #tpu.memory_space<vmem>>) dst(%dma_wait3A_545 : memref<10112x16xf32, #tpu.memory_space<vmem_shared>>)
      } else {
      }
      %add3A_293 = arith.constant 2 : i32
      %add3A_294 = arith.addi %while3A_288, %add3A_293 : i32
      %lt3A = arith.cmpi slt, %add3A_294, %select_n3A : i32
      %convert_element_type3A_295 = arith.extui %lt3A : i1 to i32
      %cond3A_296 = arith.constant 0 : i32
      %cond3A_297 = arith.cmpi ne, %convert_element_type3A_295, %cond3A_296 : i32
      scf.if %cond3A_297 {
        %add3A_458 = arith.constant 2 : i32
        %add3A_459 = arith.addi %while3A_288, %add3A_458 : i32
        %rem3A_460 = arith.constant 4 : i32
        %rem3A_461 = arith.remsi %add3A_459, %rem3A_460 : i32
        %mul3A_462 = arith.constant 4 : i32
        %mul3A_463 = arith.muli %add3A_459, %mul3A_462 : i32
        %add3A_464 = arith.constant 0 : i32
        %add3A_465 = arith.addi %mul3A_463, %add3A_464 : i32
        %mul3A_466 = arith.constant 4 : i32
        %mul3A_467 = arith.muli %rem3A_461, %mul3A_466 : i32
        %add3A_468 = arith.constant 0 : i32
        %add3A_469 = arith.addi %mul3A_467, %add3A_468 : i32
        %mul3A_470 = arith.constant 128 : i32
        %mul3A_471 = arith.muli %add3A_469, %mul3A_470 : i32
        %dma_start3A_472 = arith.constant 0 : i32
        %dma_start3A_473 = tpu.memref_slice %arg9[%mul3A_471, %dma_start3A_472] : memref<2048x16xf32, #tpu.memory_space<vmem>> -> memref<128x16xf32, #tpu.memory_space<vmem>>
        %dma_start3A_474 = arith.constant 0 : i32
        %dma_start3A_475 = tpu.memref_slice %arg7[%add3A_465, %dma_start3A_474] : memref<112x128xi32, #tpu.memory_space<vmem>> -> memref<1x128xi32, #tpu.memory_space<vmem>>
        %dma_start3A_476 = tpu.memref_squeeze %dma_start3A_475 : memref<1x128xi32, #tpu.memory_space<vmem>> -> memref<128xi32, #tpu.memory_space<vmem>>
        %dma_start3A_477 = arith.constant 0 : i32
        %dma_start3A_478 = arith.constant 0 : i32
        %dma_start3A_479 = tpu.memref_slice %arg2[%dma_start3A_477, %dma_start3A_478] : memref<10112x16xf32, #tpu.memory_space<hbm>> -> memref<10112x16xf32, #tpu.memory_space<hbm>>
        tpu.enqueue_indirect_dma source(%dma_start3A_479 : memref<10112x16xf32, #tpu.memory_space<hbm>>) target(%dma_start3A_473 : memref<128x16xf32, #tpu.memory_space<vmem>>) offsets(%dma_start3A_476 : memref<128xi32, #tpu.memory_space<vmem>>) semaphore(%arg11 : memref<!tpu.dma_semaphore, #tpu.memory_space<semaphore_mem>>)
        %add3A_480 = arith.constant 2 : i32
        %add3A_481 = arith.addi %while3A_288, %add3A_480 : i32
        %rem3A_482 = arith.constant 4 : i32
        %rem3A_483 = arith.remsi %add3A_481, %rem3A_482 : i32
        %mul3A_484 = arith.constant 4 : i32
        %mul3A_485 = arith.muli %add3A_481, %mul3A_484 : i32
        %add3A_486 = arith.constant 1 : i32
        %add3A_487 = arith.addi %mul3A_485, %add3A_486 : i32
        %mul3A_488 = arith.constant 4 : i32
        %mul3A_489 = arith.muli %rem3A_483, %mul3A_488 : i32
        %add3A_490 = arith.constant 1 : i32
        %add3A_491 = arith.addi %mul3A_489, %add3A_490 : i32
        %mul3A_492 = arith.constant 128 : i32
        %mul3A_493 = arith.muli %add3A_491, %mul3A_492 : i32
        %dma_start3A_494 = arith.constant 0 : i32
        %dma_start3A_495 = tpu.memref_slice %arg9[%mul3A_493, %dma_start3A_494] : memref<2048x16xf32, #tpu.memory_space<vmem>> -> memref<128x16xf32, #tpu.memory_space<vmem>>
        %dma_start3A_496 = arith.constant 0 : i32
        %dma_start3A_497 = tpu.memref_slice %arg7[%add3A_487, %dma_start3A_496] : memref<112x128xi32, #tpu.memory_space<vmem>> -> memref<1x128xi32, #tpu.memory_space<vmem>>
        %dma_start3A_498 = tpu.memref_squeeze %dma_start3A_497 : memref<1x128xi32, #tpu.memory_space<vmem>> -> memref<128xi32, #tpu.memory_space<vmem>>
        %dma_start3A_499 = arith.constant 0 : i32
        %dma_start3A_500 = arith.constant 0 : i32
        %dma_start3A_501 = tpu.memref_slice %arg2[%dma_start3A_499, %dma_start3A_500] : memref<10112x16xf32, #tpu.memory_space<hbm>> -> memref<10112x16xf32, #tpu.memory_space<hbm>>
        tpu.enqueue_indirect_dma source(%dma_start3A_501 : memref<10112x16xf32, #tpu.memory_space<hbm>>) target(%dma_start3A_495 : memref<128x16xf32, #tpu.memory_space<vmem>>) offsets(%dma_start3A_498 : memref<128xi32, #tpu.memory_space<vmem>>) semaphore(%arg11 : memref<!tpu.dma_semaphore, #tpu.memory_space<semaphore_mem>>)
        %add3A_502 = arith.constant 2 : i32
        %add3A_503 = arith.addi %while3A_288, %add3A_502 : i32
        %rem3A_504 = arith.constant 4 : i32
        %rem3A_505 = arith.remsi %add3A_503, %rem3A_504 : i32
        %mul3A_506 = arith.constant 4 : i32
        %mul3A_507 = arith.muli %add3A_503, %mul3A_506 : i32
        %add3A_508 = arith.constant 2 : i32
        %add3A_509 = arith.addi %mul3A_507, %add3A_508 : i32
        %mul3A_510 = arith.constant 4 : i32
        %mul3A_511 = arith.muli %rem3A_505, %mul3A_510 : i32
        %add3A_512 = arith.constant 2 : i32
        %add3A_513 = arith.addi %mul3A_511, %add3A_512 : i32
        %mul3A_514 = arith.constant 128 : i32
        %mul3A_515 = arith.muli %add3A_513, %mul3A_514 : i32
        %dma_start3A_516 = arith.constant 0 : i32
        %dma_start3A_517 = tpu.memref_slice %arg9[%mul3A_515, %dma_start3A_516] : memref<2048x16xf32, #tpu.memory_space<vmem>> -> memref<128x16xf32, #tpu.memory_space<vmem>>
        %dma_start3A_518 = arith.constant 0 : i32
        %dma_start3A_519 = tpu.memref_slice %arg7[%add3A_509, %dma_start3A_518] : memref<112x128xi32, #tpu.memory_space<vmem>> -> memref<1x128xi32, #tpu.memory_space<vmem>>
        %dma_start3A_520 = tpu.memref_squeeze %dma_start3A_519 : memref<1x128xi32, #tpu.memory_space<vmem>> -> memref<128xi32, #tpu.memory_space<vmem>>
        %dma_start3A_521 = arith.constant 0 : i32
        %dma_start3A_522 = arith.constant 0 : i32
        %dma_start3A_523 = tpu.memref_slice %arg2[%dma_start3A_521, %dma_start3A_522] : memref<10112x16xf32, #tpu.memory_space<hbm>> -> memref<10112x16xf32, #tpu.memory_space<hbm>>
        tpu.enqueue_indirect_dma source(%dma_start3A_523 : memref<10112x16xf32, #tpu.memory_space<hbm>>) target(%dma_start3A_517 : memref<128x16xf32, #tpu.memory_space<vmem>>) offsets(%dma_start3A_520 : memref<128xi32, #tpu.memory_space<vmem>>) semaphore(%arg11 : memref<!tpu.dma_semaphore, #tpu.memory_space<semaphore_mem>>)
        %add3A_524 = arith.constant 2 : i32
        %add3A_525 = arith.addi %while3A_288, %add3A_524 : i32
        %rem3A_526 = arith.constant 4 : i32
        %rem3A_527 = arith.remsi %add3A_525, %rem3A_526 : i32
        %mul3A_528 = arith.constant 4 : i32
        %mul3A_529 = arith.muli %add3A_525, %mul3A_528 : i32
        %add3A_530 = arith.constant 3 : i32
        %add3A_531 = arith.addi %mul3A_529, %add3A_530 : i32
        %mul3A_532 = arith.constant 4 : i32
        %mul3A_533 = arith.muli %rem3A_527, %mul3A_532 : i32
        %add3A_534 = arith.constant 3 : i32
        %add3A_535 = arith.addi %mul3A_533, %add3A_534 : i32
        %mul3A_536 = arith.constant 128 : i32
        %mul3A_537 = arith.muli %add3A_535, %mul3A_536 : i32
        %dma_start3A_538 = arith.constant 0 : i32
        %dma_start3A_539 = tpu.memref_slice %arg9[%mul3A_537, %dma_start3A_538] : memref<2048x16xf32, #tpu.memory_space<vmem>> -> memref<128x16xf32, #tpu.memory_space<vmem>>
        %dma_start3A_540 = arith.constant 0 : i32
        %dma_start3A_541 = tpu.memref_slice %arg7[%add3A_531, %dma_start3A_540] : memref<112x128xi32, #tpu.memory_space<vmem>> -> memref<1x128xi32, #tpu.memory_space<vmem>>
        %dma_start3A_542 = tpu.memref_squeeze %dma_start3A_541 : memref<1x128xi32, #tpu.memory_space<vmem>> -> memref<128xi32, #tpu.memory_space<vmem>>
        %dma_start3A_543 = arith.constant 0 : i32
        %dma_start3A_544 = arith.constant 0 : i32
        %dma_start3A_545 = tpu.memref_slice %arg2[%dma_start3A_543, %dma_start3A_544] : memref<10112x16xf32, #tpu.memory_space<hbm>> -> memref<10112x16xf32, #tpu.memory_space<hbm>>
        tpu.enqueue_indirect_dma source(%dma_start3A_545 : memref<10112x16xf32, #tpu.memory_space<hbm>>) target(%dma_start3A_539 : memref<128x16xf32, #tpu.memory_space<vmem>>) offsets(%dma_start3A_542 : memref<128xi32, #tpu.memory_space<vmem>>) semaphore(%arg11 : memref<!tpu.dma_semaphore, #tpu.memory_space<semaphore_mem>>)
      } else {
      }
      %rem3A_298 = arith.constant 4 : i32
      %rem3A_299 = arith.remsi %while3A_288, %rem3A_298 : i32
      %mul3A_300 = arith.constant 4 : i32
      %mul3A_301 = arith.muli %while3A_288, %mul3A_300 : i32
      %add3A_302 = arith.constant 0 : i32
      %add3A_303 = arith.addi %mul3A_301, %add3A_302 : i32
      %mul3A_304 = arith.constant 4 : i32
      %mul3A_305 = arith.muli %rem3A_299, %mul3A_304 : i32
      %add3A_306 = arith.constant 0 : i32
      %add3A_307 = arith.addi %mul3A_305, %add3A_306 : i32
      %mul3A_308 = arith.constant 128 : i32
      %mul3A_309 = arith.muli %add3A_307, %mul3A_308 : i32
      %dma_wait3A_310 = arith.constant 0 : i32
      %dma_wait3A_311 = tpu.memref_slice %arg9[%mul3A_309, %dma_wait3A_310] : memref<2048x16xf32, #tpu.memory_space<vmem>> -> memref<128x16xf32, #tpu.memory_space<vmem>>
      %dma_wait3A_312 = arith.constant 0 : i32
      %dma_wait3A_313 = tpu.memref_slice %arg7[%add3A_303, %dma_wait3A_312] : memref<112x128xi32, #tpu.memory_space<vmem>> -> memref<1x128xi32, #tpu.memory_space<vmem>>
      %dma_wait3A_314 = tpu.memref_squeeze %dma_wait3A_313 : memref<1x128xi32, #tpu.memory_space<vmem>> -> memref<128xi32, #tpu.memory_space<vmem>>
      %dma_wait3A_315 = arith.constant 0 : i32
      %dma_wait3A_316 = arith.constant 0 : i32
      %dma_wait3A_317 = tpu.memref_slice %arg2[%dma_wait3A_315, %dma_wait3A_316] : memref<10112x16xf32, #tpu.memory_space<hbm>> -> memref<10112x16xf32, #tpu.memory_space<hbm>>
      tpu.wait_indirect_dma semaphore(%arg11 : memref<!tpu.dma_semaphore, #tpu.memory_space<semaphore_mem>>) src(%dma_wait3A_317 : memref<10112x16xf32, #tpu.memory_space<hbm>>) dst(%dma_wait3A_311 : memref<128x16xf32, #tpu.memory_space<vmem>>)
      %rem3A_318 = arith.constant 4 : i32
      %rem3A_319 = arith.remsi %while3A_288, %rem3A_318 : i32
      %mul3A_320 = arith.constant 4 : i32
      %mul3A_321 = arith.muli %while3A_288, %mul3A_320 : i32
      %add3A_322 = arith.constant 1 : i32
      %add3A_323 = arith.addi %mul3A_321, %add3A_322 : i32
      %mul3A_324 = arith.constant 4 : i32
      %mul3A_325 = arith.muli %rem3A_319, %mul3A_324 : i32
      %add3A_326 = arith.constant 1 : i32
      %add3A_327 = arith.addi %mul3A_325, %add3A_326 : i32
      %mul3A_328 = arith.constant 128 : i32
      %mul3A_329 = arith.muli %add3A_327, %mul3A_328 : i32
      %dma_wait3A_330 = arith.constant 0 : i32
      %dma_wait3A_331 = tpu.memref_slice %arg9[%mul3A_329, %dma_wait3A_330] : memref<2048x16xf32, #tpu.memory_space<vmem>> -> memref<128x16xf32, #tpu.memory_space<vmem>>
      %dma_wait3A_332 = arith.constant 0 : i32
      %dma_wait3A_333 = tpu.memref_slice %arg7[%add3A_323, %dma_wait3A_332] : memref<112x128xi32, #tpu.memory_space<vmem>> -> memref<1x128xi32, #tpu.memory_space<vmem>>
      %dma_wait3A_334 = tpu.memref_squeeze %dma_wait3A_333 : memref<1x128xi32, #tpu.memory_space<vmem>> -> memref<128xi32, #tpu.memory_space<vmem>>
      %dma_wait3A_335 = arith.constant 0 : i32
      %dma_wait3A_336 = arith.constant 0 : i32
      %dma_wait3A_337 = tpu.memref_slice %arg2[%dma_wait3A_335, %dma_wait3A_336] : memref<10112x16xf32, #tpu.memory_space<hbm>> -> memref<10112x16xf32, #tpu.memory_space<hbm>>
      tpu.wait_indirect_dma semaphore(%arg11 : memref<!tpu.dma_semaphore, #tpu.memory_space<semaphore_mem>>) src(%dma_wait3A_337 : memref<10112x16xf32, #tpu.memory_space<hbm>>) dst(%dma_wait3A_331 : memref<128x16xf32, #tpu.memory_space<vmem>>)
      %rem3A_338 = arith.constant 4 : i32
      %rem3A_339 = arith.remsi %while3A_288, %rem3A_338 : i32
      %mul3A_340 = arith.constant 4 : i32
      %mul3A_341 = arith.muli %while3A_288, %mul3A_340 : i32
      %add3A_342 = arith.constant 2 : i32
      %add3A_343 = arith.addi %mul3A_341, %add3A_342 : i32
      %mul3A_344 = arith.constant 4 : i32
      %mul3A_345 = arith.muli %rem3A_339, %mul3A_344 : i32
      %add3A_346 = arith.constant 2 : i32
      %add3A_347 = arith.addi %mul3A_345, %add3A_346 : i32
      %mul3A_348 = arith.constant 128 : i32
      %mul3A_349 = arith.muli %add3A_347, %mul3A_348 : i32
      %dma_wait3A_350 = arith.constant 0 : i32
      %dma_wait3A_351 = tpu.memref_slice %arg9[%mul3A_349, %dma_wait3A_350] : memref<2048x16xf32, #tpu.memory_space<vmem>> -> memref<128x16xf32, #tpu.memory_space<vmem>>
      %dma_wait3A_352 = arith.constant 0 : i32
      %dma_wait3A_353 = tpu.memref_slice %arg7[%add3A_343, %dma_wait3A_352] : memref<112x128xi32, #tpu.memory_space<vmem>> -> memref<1x128xi32, #tpu.memory_space<vmem>>
      %dma_wait3A_354 = tpu.memref_squeeze %dma_wait3A_353 : memref<1x128xi32, #tpu.memory_space<vmem>> -> memref<128xi32, #tpu.memory_space<vmem>>
      %dma_wait3A_355 = arith.constant 0 : i32
      %dma_wait3A_356 = arith.constant 0 : i32
      %dma_wait3A_357 = tpu.memref_slice %arg2[%dma_wait3A_355, %dma_wait3A_356] : memref<10112x16xf32, #tpu.memory_space<hbm>> -> memref<10112x16xf32, #tpu.memory_space<hbm>>
      tpu.wait_indirect_dma semaphore(%arg11 : memref<!tpu.dma_semaphore, #tpu.memory_space<semaphore_mem>>) src(%dma_wait3A_357 : memref<10112x16xf32, #tpu.memory_space<hbm>>) dst(%dma_wait3A_351 : memref<128x16xf32, #tpu.memory_space<vmem>>)
      %rem3A_358 = arith.constant 4 : i32
      %rem3A_359 = arith.remsi %while3A_288, %rem3A_358 : i32
      %mul3A_360 = arith.constant 4 : i32
      %mul3A_361 = arith.muli %while3A_288, %mul3A_360 : i32
      %add3A_362 = arith.constant 3 : i32
      %add3A_363 = arith.addi %mul3A_361, %add3A_362 : i32
      %mul3A_364 = arith.constant 4 : i32
      %mul3A_365 = arith.muli %rem3A_359, %mul3A_364 : i32
      %add3A_366 = arith.constant 3 : i32
      %add3A_367 = arith.addi %mul3A_365, %add3A_366 : i32
      %mul3A_368 = arith.constant 128 : i32
      %mul3A_369 = arith.muli %add3A_367, %mul3A_368 : i32
      %dma_wait3A_370 = arith.constant 0 : i32
      %dma_wait3A_371 = tpu.memref_slice %arg9[%mul3A_369, %dma_wait3A_370] : memref<2048x16xf32, #tpu.memory_space<vmem>> -> memref<128x16xf32, #tpu.memory_space<vmem>>
      %dma_wait3A_372 = arith.constant 0 : i32
      %dma_wait3A_373 = tpu.memref_slice %arg7[%add3A_363, %dma_wait3A_372] : memref<112x128xi32, #tpu.memory_space<vmem>> -> memref<1x128xi32, #tpu.memory_space<vmem>>
      %dma_wait3A_374 = tpu.memref_squeeze %dma_wait3A_373 : memref<1x128xi32, #tpu.memory_space<vmem>> -> memref<128xi32, #tpu.memory_space<vmem>>
      %dma_wait3A_375 = arith.constant 0 : i32
      %dma_wait3A_376 = arith.constant 0 : i32
      %dma_wait3A_377 = tpu.memref_slice %arg2[%dma_wait3A_375, %dma_wait3A_376] : memref<10112x16xf32, #tpu.memory_space<hbm>> -> memref<10112x16xf32, #tpu.memory_space<hbm>>
      tpu.wait_indirect_dma semaphore(%arg11 : memref<!tpu.dma_semaphore, #tpu.memory_space<semaphore_mem>>) src(%dma_wait3A_377 : memref<10112x16xf32, #tpu.memory_space<hbm>>) dst(%dma_wait3A_371 : memref<128x16xf32, #tpu.memory_space<vmem>>)
      %rem3A_378 = arith.constant 4 : i32
      %rem3A_379 = arith.remsi %while3A_288, %rem3A_378 : i32
      %mul3A_380 = arith.constant 4 : i32
      %mul3A_381 = arith.muli %rem3A_379, %mul3A_380 : i32
      %add3A_382 = arith.constant 0 : i32
      %add3A_383 = arith.addi %mul3A_381, %add3A_382 : i32
      %mul3A_384 = arith.constant 128 : i32
      %mul3A_385 = arith.muli %add3A_383, %mul3A_384 : i32
      %mul3A_386 = arith.constant 4 : i32
      %mul3A_387 = arith.muli %while3A_288, %mul3A_386 : i32
      %add3A_388 = arith.constant 0 : i32
      %add3A_389 = arith.addi %mul3A_387, %add3A_388 : i32
      %dma_start3A_390 = arith.constant 0 : i32
      %dma_start3A_391 = tpu.memref_slice %arg9[%mul3A_385, %dma_start3A_390] : memref<2048x16xf32, #tpu.memory_space<vmem>> -> memref<128x16xf32, #tpu.memory_space<vmem>>
      %dma_start3A_392 = arith.constant 0 : i32
      %dma_start3A_393 = tpu.memref_slice %arg8[%add3A_389, %dma_start3A_392] : memref<112x128xi32, #tpu.memory_space<vmem>> -> memref<1x128xi32, #tpu.memory_space<vmem>>
      %dma_start3A_394 = tpu.memref_squeeze %dma_start3A_393 : memref<1x128xi32, #tpu.memory_space<vmem>> -> memref<128xi32, #tpu.memory_space<vmem>>
      %dma_start3A_395 = arith.constant 0 : i32
      %dma_start3A_396 = arith.constant 0 : i32
      %dma_start3A_397 = tpu.memref_slice %arg10[%dma_start3A_395, %dma_start3A_396] : memref<10112x16xf32, #tpu.memory_space<vmem_shared>> -> memref<10112x16xf32, #tpu.memory_space<vmem_shared>>
      tpu.enqueue_indirect_dma source(%dma_start3A_391 : memref<128x16xf32, #tpu.memory_space<vmem>>) target(%dma_start3A_397 : memref<10112x16xf32, #tpu.memory_space<vmem_shared>>) offsets(%dma_start3A_394 : memref<128xi32, #tpu.memory_space<vmem>>) semaphore(%arg12 : memref<!tpu.dma_semaphore, #tpu.memory_space<semaphore_mem>>) {add = true}
      %rem3A_398 = arith.constant 4 : i32
      %rem3A_399 = arith.remsi %while3A_288, %rem3A_398 : i32
      %mul3A_400 = arith.constant 4 : i32
      %mul3A_401 = arith.muli %rem3A_399, %mul3A_400 : i32
      %add3A_402 = arith.constant 1 : i32
      %add3A_403 = arith.addi %mul3A_401, %add3A_402 : i32
      %mul3A_404 = arith.constant 128 : i32
      %mul3A_405 = arith.muli %add3A_403, %mul3A_404 : i32
      %mul3A_406 = arith.constant 4 : i32
      %mul3A_407 = arith.muli %while3A_288, %mul3A_406 : i32
      %add3A_408 = arith.constant 1 : i32
      %add3A_409 = arith.addi %mul3A_407, %add3A_408 : i32
      %dma_start3A_410 = arith.constant 0 : i32
      %dma_start3A_411 = tpu.memref_slice %arg9[%mul3A_405, %dma_start3A_410] : memref<2048x16xf32, #tpu.memory_space<vmem>> -> memref<128x16xf32, #tpu.memory_space<vmem>>
      %dma_start3A_412 = arith.constant 0 : i32
      %dma_start3A_413 = tpu.memref_slice %arg8[%add3A_409, %dma_start3A_412] : memref<112x128xi32, #tpu.memory_space<vmem>> -> memref<1x128xi32, #tpu.memory_space<vmem>>
      %dma_start3A_414 = tpu.memref_squeeze %dma_start3A_413 : memref<1x128xi32, #tpu.memory_space<vmem>> -> memref<128xi32, #tpu.memory_space<vmem>>
      %dma_start3A_415 = arith.constant 0 : i32
      %dma_start3A_416 = arith.constant 0 : i32
      %dma_start3A_417 = tpu.memref_slice %arg10[%dma_start3A_415, %dma_start3A_416] : memref<10112x16xf32, #tpu.memory_space<vmem_shared>> -> memref<10112x16xf32, #tpu.memory_space<vmem_shared>>
      tpu.enqueue_indirect_dma source(%dma_start3A_411 : memref<128x16xf32, #tpu.memory_space<vmem>>) target(%dma_start3A_417 : memref<10112x16xf32, #tpu.memory_space<vmem_shared>>) offsets(%dma_start3A_414 : memref<128xi32, #tpu.memory_space<vmem>>) semaphore(%arg12 : memref<!tpu.dma_semaphore, #tpu.memory_space<semaphore_mem>>) {add = true}
      %rem3A_418 = arith.constant 4 : i32
      %rem3A_419 = arith.remsi %while3A_288, %rem3A_418 : i32
      %mul3A_420 = arith.constant 4 : i32
      %mul3A_421 = arith.muli %rem3A_419, %mul3A_420 : i32
      %add3A_422 = arith.constant 2 : i32
      %add3A_423 = arith.addi %mul3A_421, %add3A_422 : i32
      %mul3A_424 = arith.constant 128 : i32
      %mul3A_425 = arith.muli %add3A_423, %mul3A_424 : i32
      %mul3A_426 = arith.constant 4 : i32
      %mul3A_427 = arith.muli %while3A_288, %mul3A_426 : i32
      %add3A_428 = arith.constant 2 : i32
      %add3A_429 = arith.addi %mul3A_427, %add3A_428 : i32
      %dma_start3A_430 = arith.constant 0 : i32
      %dma_start3A_431 = tpu.memref_slice %arg9[%mul3A_425, %dma_start3A_430] : memref<2048x16xf32, #tpu.memory_space<vmem>> -> memref<128x16xf32, #tpu.memory_space<vmem>>
      %dma_start3A_432 = arith.constant 0 : i32
      %dma_start3A_433 = tpu.memref_slice %arg8[%add3A_429, %dma_start3A_432] : memref<112x128xi32, #tpu.memory_space<vmem>> -> memref<1x128xi32, #tpu.memory_space<vmem>>
      %dma_start3A_434 = tpu.memref_squeeze %dma_start3A_433 : memref<1x128xi32, #tpu.memory_space<vmem>> -> memref<128xi32, #tpu.memory_space<vmem>>
      %dma_start3A_435 = arith.constant 0 : i32
      %dma_start3A_436 = arith.constant 0 : i32
      %dma_start3A_437 = tpu.memref_slice %arg10[%dma_start3A_435, %dma_start3A_436] : memref<10112x16xf32, #tpu.memory_space<vmem_shared>> -> memref<10112x16xf32, #tpu.memory_space<vmem_shared>>
      tpu.enqueue_indirect_dma source(%dma_start3A_431 : memref<128x16xf32, #tpu.memory_space<vmem>>) target(%dma_start3A_437 : memref<10112x16xf32, #tpu.memory_space<vmem_shared>>) offsets(%dma_start3A_434 : memref<128xi32, #tpu.memory_space<vmem>>) semaphore(%arg12 : memref<!tpu.dma_semaphore, #tpu.memory_space<semaphore_mem>>) {add = true}
      %rem3A_438 = arith.constant 4 : i32
      %rem3A_439 = arith.remsi %while3A_288, %rem3A_438 : i32
      %mul3A_440 = arith.constant 4 : i32
      %mul3A_441 = arith.muli %rem3A_439, %mul3A_440 : i32
      %add3A_442 = arith.constant 3 : i32
      %add3A_443 = arith.addi %mul3A_441, %add3A_442 : i32
      %mul3A_444 = arith.constant 128 : i32
      %mul3A_445 = arith.muli %add3A_443, %mul3A_444 : i32
      %mul3A_446 = arith.constant 4 : i32
      %mul3A_447 = arith.muli %while3A_288, %mul3A_446 : i32
      %add3A_448 = arith.constant 3 : i32
      %add3A_449 = arith.addi %mul3A_447, %add3A_448 : i32
      %dma_start3A_450 = arith.constant 0 : i32
      %dma_start3A_451 = tpu.memref_slice %arg9[%mul3A_445, %dma_start3A_450] : memref<2048x16xf32, #tpu.memory_space<vmem>> -> memref<128x16xf32, #tpu.memory_space<vmem>>
      %dma_start3A_452 = arith.constant 0 : i32
      %dma_start3A_453 = tpu.memref_slice %arg8[%add3A_449, %dma_start3A_452] : memref<112x128xi32, #tpu.memory_space<vmem>> -> memref<1x128xi32, #tpu.memory_space<vmem>>
      %dma_start3A_454 = tpu.memref_squeeze %dma_start3A_453 : memref<1x128xi32, #tpu.memory_space<vmem>> -> memref<128xi32, #tpu.memory_space<vmem>>
      %dma_start3A_455 = arith.constant 0 : i32
      %dma_start3A_456 = arith.constant 0 : i32
      %dma_start3A_457 = tpu.memref_slice %arg10[%dma_start3A_455, %dma_start3A_456] : memref<10112x16xf32, #tpu.memory_space<vmem_shared>> -> memref<10112x16xf32, #tpu.memory_space<vmem_shared>>
      tpu.enqueue_indirect_dma source(%dma_start3A_451 : memref<128x16xf32, #tpu.memory_space<vmem>>) target(%dma_start3A_457 : memref<10112x16xf32, #tpu.memory_space<vmem_shared>>) offsets(%dma_start3A_454 : memref<128xi32, #tpu.memory_space<vmem>>) semaphore(%arg12 : memref<!tpu.dma_semaphore, #tpu.memory_space<semaphore_mem>>) {add = true}
    }
    %while3A_192 = arith.constant 1 : i32
    scf.for %while3A_288 = %while3A_190 to %while3A_186 step %while3A_192  : i32 {
      %ge3A = arith.constant 1 : i32
      %ge3A_289 = arith.cmpi sge, %while3A_288, %ge3A : i32
      %convert_element_type3A_290 = arith.extui %ge3A_289 : i1 to i32
      %cond3A_291 = arith.constant 0 : i32
      %cond3A_292 = arith.cmpi ne, %convert_element_type3A_290, %cond3A_291 : i32
      scf.if %cond3A_292 {
        %sub3A_458 = arith.constant 1 : i32
        %sub3A_459 = arith.subi %while3A_288, %sub3A_458 : i32
        %rem3A_460 = arith.constant 4 : i32
        %rem3A_461 = arith.remsi %sub3A_459, %rem3A_460 : i32
        %mul3A_462 = arith.constant 4 : i32
        %mul3A_463 = arith.muli %rem3A_461, %mul3A_462 : i32
        %add3A_464 = arith.constant 0 : i32
        %add3A_465 = arith.addi %mul3A_463, %add3A_464 : i32
        %mul3A_466 = arith.constant 128 : i32
        %mul3A_467 = arith.muli %add3A_465, %mul3A_466 : i32
        %mul3A_468 = arith.constant 4 : i32
        %mul3A_469 = arith.muli %sub3A_459, %mul3A_468 : i32
        %add3A_470 = arith.constant 0 : i32
        %add3A_471 = arith.addi %mul3A_469, %add3A_470 : i32
        %dma_wait3A_472 = arith.constant 0 : i32
        %dma_wait3A_473 = tpu.memref_slice %arg9[%mul3A_467, %dma_wait3A_472] : memref<2048x16xf32, #tpu.memory_space<vmem>> -> memref<128x16xf32, #tpu.memory_space<vmem>>
        %dma_wait3A_474 = arith.constant 0 : i32
        %dma_wait3A_475 = tpu.memref_slice %arg8[%add3A_471, %dma_wait3A_474] : memref<112x128xi32, #tpu.memory_space<vmem>> -> memref<1x128xi32, #tpu.memory_space<vmem>>
        %dma_wait3A_476 = tpu.memref_squeeze %dma_wait3A_475 : memref<1x128xi32, #tpu.memory_space<vmem>> -> memref<128xi32, #tpu.memory_space<vmem>>
        %dma_wait3A_477 = arith.constant 0 : i32
        %dma_wait3A_478 = arith.constant 0 : i32
        %dma_wait3A_479 = tpu.memref_slice %arg10[%dma_wait3A_477, %dma_wait3A_478] : memref<10112x16xf32, #tpu.memory_space<vmem_shared>> -> memref<10112x16xf32, #tpu.memory_space<vmem_shared>>
        tpu.wait_indirect_dma semaphore(%arg12 : memref<!tpu.dma_semaphore, #tpu.memory_space<semaphore_mem>>) src(%dma_wait3A_473 : memref<128x16xf32, #tpu.memory_space<vmem>>) dst(%dma_wait3A_479 : memref<10112x16xf32, #tpu.memory_space<vmem_shared>>)
        %sub3A_480 = arith.constant 1 : i32
        %sub3A_481 = arith.subi %while3A_288, %sub3A_480 : i32
        %rem3A_482 = arith.constant 4 : i32
        %rem3A_483 = arith.remsi %sub3A_481, %rem3A_482 : i32
        %mul3A_484 = arith.constant 4 : i32
        %mul3A_485 = arith.muli %rem3A_483, %mul3A_484 : i32
        %add3A_486 = arith.constant 1 : i32
        %add3A_487 = arith.addi %mul3A_485, %add3A_486 : i32
        %mul3A_488 = arith.constant 128 : i32
        %mul3A_489 = arith.muli %add3A_487, %mul3A_488 : i32
        %mul3A_490 = arith.constant 4 : i32
        %mul3A_491 = arith.muli %sub3A_481, %mul3A_490 : i32
        %add3A_492 = arith.constant 1 : i32
        %add3A_493 = arith.addi %mul3A_491, %add3A_492 : i32
        %dma_wait3A_494 = arith.constant 0 : i32
        %dma_wait3A_495 = tpu.memref_slice %arg9[%mul3A_489, %dma_wait3A_494] : memref<2048x16xf32, #tpu.memory_space<vmem>> -> memref<128x16xf32, #tpu.memory_space<vmem>>
        %dma_wait3A_496 = arith.constant 0 : i32
        %dma_wait3A_497 = tpu.memref_slice %arg8[%add3A_493, %dma_wait3A_496] : memref<112x128xi32, #tpu.memory_space<vmem>> -> memref<1x128xi32, #tpu.memory_space<vmem>>
        %dma_wait3A_498 = tpu.memref_squeeze %dma_wait3A_497 : memref<1x128xi32, #tpu.memory_space<vmem>> -> memref<128xi32, #tpu.memory_space<vmem>>
        %dma_wait3A_499 = arith.constant 0 : i32
        %dma_wait3A_500 = arith.constant 0 : i32
        %dma_wait3A_501 = tpu.memref_slice %arg10[%dma_wait3A_499, %dma_wait3A_500] : memref<10112x16xf32, #tpu.memory_space<vmem_shared>> -> memref<10112x16xf32, #tpu.memory_space<vmem_shared>>
        tpu.wait_indirect_dma semaphore(%arg12 : memref<!tpu.dma_semaphore, #tpu.memory_space<semaphore_mem>>) src(%dma_wait3A_495 : memref<128x16xf32, #tpu.memory_space<vmem>>) dst(%dma_wait3A_501 : memref<10112x16xf32, #tpu.memory_space<vmem_shared>>)
        %sub3A_502 = arith.constant 1 : i32
        %sub3A_503 = arith.subi %while3A_288, %sub3A_502 : i32
        %rem3A_504 = arith.constant 4 : i32
        %rem3A_505 = arith.remsi %sub3A_503, %rem3A_504 : i32
        %mul3A_506 = arith.constant 4 : i32
        %mul3A_507 = arith.muli %rem3A_505, %mul3A_506 : i32
        %add3A_508 = arith.constant 2 : i32
        %add3A_509 = arith.addi %mul3A_507, %add3A_508 : i32
        %mul3A_510 = arith.constant 128 : i32
        %mul3A_511 = arith.muli %add3A_509, %mul3A_510 : i32
        %mul3A_512 = arith.constant 4 : i32
        %mul3A_513 = arith.muli %sub3A_503, %mul3A_512 : i32
        %add3A_514 = arith.constant 2 : i32
        %add3A_515 = arith.addi %mul3A_513, %add3A_514 : i32
        %dma_wait3A_516 = arith.constant 0 : i32
        %dma_wait3A_517 = tpu.memref_slice %arg9[%mul3A_511, %dma_wait3A_516] : memref<2048x16xf32, #tpu.memory_space<vmem>> -> memref<128x16xf32, #tpu.memory_space<vmem>>
        %dma_wait3A_518 = arith.constant 0 : i32
        %dma_wait3A_519 = tpu.memref_slice %arg8[%add3A_515, %dma_wait3A_518] : memref<112x128xi32, #tpu.memory_space<vmem>> -> memref<1x128xi32, #tpu.memory_space<vmem>>
        %dma_wait3A_520 = tpu.memref_squeeze %dma_wait3A_519 : memref<1x128xi32, #tpu.memory_space<vmem>> -> memref<128xi32, #tpu.memory_space<vmem>>
        %dma_wait3A_521 = arith.constant 0 : i32
        %dma_wait3A_522 = arith.constant 0 : i32
        %dma_wait3A_523 = tpu.memref_slice %arg10[%dma_wait3A_521, %dma_wait3A_522] : memref<10112x16xf32, #tpu.memory_space<vmem_shared>> -> memref<10112x16xf32, #tpu.memory_space<vmem_shared>>
        tpu.wait_indirect_dma semaphore(%arg12 : memref<!tpu.dma_semaphore, #tpu.memory_space<semaphore_mem>>) src(%dma_wait3A_517 : memref<128x16xf32, #tpu.memory_space<vmem>>) dst(%dma_wait3A_523 : memref<10112x16xf32, #tpu.memory_space<vmem_shared>>)
        %sub3A_524 = arith.constant 1 : i32
        %sub3A_525 = arith.subi %while3A_288, %sub3A_524 : i32
        %rem3A_526 = arith.constant 4 : i32
        %rem3A_527 = arith.remsi %sub3A_525, %rem3A_526 : i32
        %mul3A_528 = arith.constant 4 : i32
        %mul3A_529 = arith.muli %rem3A_527, %mul3A_528 : i32
        %add3A_530 = arith.constant 3 : i32
        %add3A_531 = arith.addi %mul3A_529, %add3A_530 : i32
        %mul3A_532 = arith.constant 128 : i32
        %mul3A_533 = arith.muli %add3A_531, %mul3A_532 : i32
        %mul3A_534 = arith.constant 4 : i32
        %mul3A_535 = arith.muli %sub3A_525, %mul3A_534 : i32
        %add3A_536 = arith.constant 3 : i32
        %add3A_537 = arith.addi %mul3A_535, %add3A_536 : i32
        %dma_wait3A_538 = arith.constant 0 : i32
        %dma_wait3A_539 = tpu.memref_slice %arg9[%mul3A_533, %dma_wait3A_538] : memref<2048x16xf32, #tpu.memory_space<vmem>> -> memref<128x16xf32, #tpu.memory_space<vmem>>
        %dma_wait3A_540 = arith.constant 0 : i32
        %dma_wait3A_541 = tpu.memref_slice %arg8[%add3A_537, %dma_wait3A_540] : memref<112x128xi32, #tpu.memory_space<vmem>> -> memref<1x128xi32, #tpu.memory_space<vmem>>
        %dma_wait3A_542 = tpu.memref_squeeze %dma_wait3A_541 : memref<1x128xi32, #tpu.memory_space<vmem>> -> memref<128xi32, #tpu.memory_space<vmem>>
        %dma_wait3A_543 = arith.constant 0 : i32
        %dma_wait3A_544 = arith.constant 0 : i32
        %dma_wait3A_545 = tpu.memref_slice %arg10[%dma_wait3A_543, %dma_wait3A_544] : memref<10112x16xf32, #tpu.memory_space<vmem_shared>> -> memref<10112x16xf32, #tpu.memory_space<vmem_shared>>
        tpu.wait_indirect_dma semaphore(%arg12 : memref<!tpu.dma_semaphore, #tpu.memory_space<semaphore_mem>>) src(%dma_wait3A_539 : memref<128x16xf32, #tpu.memory_space<vmem>>) dst(%dma_wait3A_545 : memref<10112x16xf32, #tpu.memory_space<vmem_shared>>)
      } else {
      }
      %add3A_293 = arith.constant 2 : i32
      %add3A_294 = arith.addi %while3A_288, %add3A_293 : i32
      %lt3A = arith.cmpi slt, %add3A_294, %select_n3A : i32
      %convert_element_type3A_295 = arith.extui %lt3A : i1 to i32
      %cond3A_296 = arith.constant 0 : i32
      %cond3A_297 = arith.cmpi ne, %convert_element_type3A_295, %cond3A_296 : i32
      scf.if %cond3A_297 {
        %add3A_458 = arith.constant 2 : i32
        %add3A_459 = arith.addi %while3A_288, %add3A_458 : i32
        %rem3A_460 = arith.constant 4 : i32
        %rem3A_461 = arith.remsi %add3A_459, %rem3A_460 : i32
        %mul3A_462 = arith.constant 4 : i32
        %mul3A_463 = arith.muli %add3A_459, %mul3A_462 : i32
        %add3A_464 = arith.constant 0 : i32
        %add3A_465 = arith.addi %mul3A_463, %add3A_464 : i32
        %mul3A_466 = arith.constant 4 : i32
        %mul3A_467 = arith.muli %rem3A_461, %mul3A_466 : i32
        %add3A_468 = arith.constant 0 : i32
        %add3A_469 = arith.addi %mul3A_467, %add3A_468 : i32
        %mul3A_470 = arith.constant 128 : i32
        %mul3A_471 = arith.muli %add3A_469, %mul3A_470 : i32
        %dma_start3A_472 = arith.constant 0 : i32
        %dma_start3A_473 = tpu.memref_slice %arg9[%mul3A_471, %dma_start3A_472] : memref<2048x16xf32, #tpu.memory_space<vmem>> -> memref<128x16xf32, #tpu.memory_space<vmem>>
        %dma_start3A_474 = arith.constant 0 : i32
        %dma_start3A_475 = tpu.memref_slice %arg7[%add3A_465, %dma_start3A_474] : memref<112x128xi32, #tpu.memory_space<vmem>> -> memref<1x128xi32, #tpu.memory_space<vmem>>
        %dma_start3A_476 = tpu.memref_squeeze %dma_start3A_475 : memref<1x128xi32, #tpu.memory_space<vmem>> -> memref<128xi32, #tpu.memory_space<vmem>>
        %dma_start3A_477 = arith.constant 0 : i32
        %dma_start3A_478 = arith.constant 0 : i32
        %dma_start3A_479 = tpu.memref_slice %arg2[%dma_start3A_477, %dma_start3A_478] : memref<10112x16xf32, #tpu.memory_space<hbm>> -> memref<10112x16xf32, #tpu.memory_space<hbm>>
        tpu.enqueue_indirect_dma source(%dma_start3A_479 : memref<10112x16xf32, #tpu.memory_space<hbm>>) target(%dma_start3A_473 : memref<128x16xf32, #tpu.memory_space<vmem>>) offsets(%dma_start3A_476 : memref<128xi32, #tpu.memory_space<vmem>>) semaphore(%arg11 : memref<!tpu.dma_semaphore, #tpu.memory_space<semaphore_mem>>)
        %add3A_480 = arith.constant 2 : i32
        %add3A_481 = arith.addi %while3A_288, %add3A_480 : i32
        %rem3A_482 = arith.constant 4 : i32
        %rem3A_483 = arith.remsi %add3A_481, %rem3A_482 : i32
        %mul3A_484 = arith.constant 4 : i32
        %mul3A_485 = arith.muli %add3A_481, %mul3A_484 : i32
        %add3A_486 = arith.constant 1 : i32
        %add3A_487 = arith.addi %mul3A_485, %add3A_486 : i32
        %mul3A_488 = arith.constant 4 : i32
        %mul3A_489 = arith.muli %rem3A_483, %mul3A_488 : i32
        %add3A_490 = arith.constant 1 : i32
        %add3A_491 = arith.addi %mul3A_489, %add3A_490 : i32
        %mul3A_492 = arith.constant 128 : i32
        %mul3A_493 = arith.muli %add3A_491, %mul3A_492 : i32
        %dma_start3A_494 = arith.constant 0 : i32
        %dma_start3A_495 = tpu.memref_slice %arg9[%mul3A_493, %dma_start3A_494] : memref<2048x16xf32, #tpu.memory_space<vmem>> -> memref<128x16xf32, #tpu.memory_space<vmem>>
        %dma_start3A_496 = arith.constant 0 : i32
        %dma_start3A_497 = tpu.memref_slice %arg7[%add3A_487, %dma_start3A_496] : memref<112x128xi32, #tpu.memory_space<vmem>> -> memref<1x128xi32, #tpu.memory_space<vmem>>
        %dma_start3A_498 = tpu.memref_squeeze %dma_start3A_497 : memref<1x128xi32, #tpu.memory_space<vmem>> -> memref<128xi32, #tpu.memory_space<vmem>>
        %dma_start3A_499 = arith.constant 0 : i32
        %dma_start3A_500 = arith.constant 0 : i32
        %dma_start3A_501 = tpu.memref_slice %arg2[%dma_start3A_499, %dma_start3A_500] : memref<10112x16xf32, #tpu.memory_space<hbm>> -> memref<10112x16xf32, #tpu.memory_space<hbm>>
        tpu.enqueue_indirect_dma source(%dma_start3A_501 : memref<10112x16xf32, #tpu.memory_space<hbm>>) target(%dma_start3A_495 : memref<128x16xf32, #tpu.memory_space<vmem>>) offsets(%dma_start3A_498 : memref<128xi32, #tpu.memory_space<vmem>>) semaphore(%arg11 : memref<!tpu.dma_semaphore, #tpu.memory_space<semaphore_mem>>)
        %add3A_502 = arith.constant 2 : i32
        %add3A_503 = arith.addi %while3A_288, %add3A_502 : i32
        %rem3A_504 = arith.constant 4 : i32
        %rem3A_505 = arith.remsi %add3A_503, %rem3A_504 : i32
        %mul3A_506 = arith.constant 4 : i32
        %mul3A_507 = arith.muli %add3A_503, %mul3A_506 : i32
        %add3A_508 = arith.constant 2 : i32
        %add3A_509 = arith.addi %mul3A_507, %add3A_508 : i32
        %mul3A_510 = arith.constant 4 : i32
        %mul3A_511 = arith.muli %rem3A_505, %mul3A_510 : i32
        %add3A_512 = arith.constant 2 : i32
        %add3A_513 = arith.addi %mul3A_511, %add3A_512 : i32
        %mul3A_514 = arith.constant 128 : i32
        %mul3A_515 = arith.muli %add3A_513, %mul3A_514 : i32
        %dma_start3A_516 = arith.constant 0 : i32
        %dma_start3A_517 = tpu.memref_slice %arg9[%mul3A_515, %dma_start3A_516] : memref<2048x16xf32, #tpu.memory_space<vmem>> -> memref<128x16xf32, #tpu.memory_space<vmem>>
        %dma_start3A_518 = arith.constant 0 : i32
        %dma_start3A_519 = tpu.memref_slice %arg7[%add3A_509, %dma_start3A_518] : memref<112x128xi32, #tpu.memory_space<vmem>> -> memref<1x128xi32, #tpu.memory_space<vmem>>
        %dma_start3A_520 = tpu.memref_squeeze %dma_start3A_519 : memref<1x128xi32, #tpu.memory_space<vmem>> -> memref<128xi32, #tpu.memory_space<vmem>>
        %dma_start3A_521 = arith.constant 0 : i32
        %dma_start3A_522 = arith.constant 0 : i32
        %dma_start3A_523 = tpu.memref_slice %arg2[%dma_start3A_521, %dma_start3A_522] : memref<10112x16xf32, #tpu.memory_space<hbm>> -> memref<10112x16xf32, #tpu.memory_space<hbm>>
        tpu.enqueue_indirect_dma source(%dma_start3A_523 : memref<10112x16xf32, #tpu.memory_space<hbm>>) target(%dma_start3A_517 : memref<128x16xf32, #tpu.memory_space<vmem>>) offsets(%dma_start3A_520 : memref<128xi32, #tpu.memory_space<vmem>>) semaphore(%arg11 : memref<!tpu.dma_semaphore, #tpu.memory_space<semaphore_mem>>)
        %add3A_524 = arith.constant 2 : i32
        %add3A_525 = arith.addi %while3A_288, %add3A_524 : i32
        %rem3A_526 = arith.constant 4 : i32
        %rem3A_527 = arith.remsi %add3A_525, %rem3A_526 : i32
        %mul3A_528 = arith.constant 4 : i32
        %mul3A_529 = arith.muli %add3A_525, %mul3A_528 : i32
        %add3A_530 = arith.constant 3 : i32
        %add3A_531 = arith.addi %mul3A_529, %add3A_530 : i32
        %mul3A_532 = arith.constant 4 : i32
        %mul3A_533 = arith.muli %rem3A_527, %mul3A_532 : i32
        %add3A_534 = arith.constant 3 : i32
        %add3A_535 = arith.addi %mul3A_533, %add3A_534 : i32
        %mul3A_536 = arith.constant 128 : i32
        %mul3A_537 = arith.muli %add3A_535, %mul3A_536 : i32
        %dma_start3A_538 = arith.constant 0 : i32
        %dma_start3A_539 = tpu.memref_slice %arg9[%mul3A_537, %dma_start3A_538] : memref<2048x16xf32, #tpu.memory_space<vmem>> -> memref<128x16xf32, #tpu.memory_space<vmem>>
        %dma_start3A_540 = arith.constant 0 : i32
        %dma_start3A_541 = tpu.memref_slice %arg7[%add3A_531, %dma_start3A_540] : memref<112x128xi32, #tpu.memory_space<vmem>> -> memref<1x128xi32, #tpu.memory_space<vmem>>
        %dma_start3A_542 = tpu.memref_squeeze %dma_start3A_541 : memref<1x128xi32, #tpu.memory_space<vmem>> -> memref<128xi32, #tpu.memory_space<vmem>>
        %dma_start3A_543 = arith.constant 0 : i32
        %dma_start3A_544 = arith.constant 0 : i32
        %dma_start3A_545 = tpu.memref_slice %arg2[%dma_start3A_543, %dma_start3A_544] : memref<10112x16xf32, #tpu.memory_space<hbm>> -> memref<10112x16xf32, #tpu.memory_space<hbm>>
        tpu.enqueue_indirect_dma source(%dma_start3A_545 : memref<10112x16xf32, #tpu.memory_space<hbm>>) target(%dma_start3A_539 : memref<128x16xf32, #tpu.memory_space<vmem>>) offsets(%dma_start3A_542 : memref<128xi32, #tpu.memory_space<vmem>>) semaphore(%arg11 : memref<!tpu.dma_semaphore, #tpu.memory_space<semaphore_mem>>)
      } else {
      }
      %rem3A_298 = arith.constant 4 : i32
      %rem3A_299 = arith.remsi %while3A_288, %rem3A_298 : i32
      %mul3A_300 = arith.constant 4 : i32
      %mul3A_301 = arith.muli %while3A_288, %mul3A_300 : i32
      %add3A_302 = arith.constant 0 : i32
      %add3A_303 = arith.addi %mul3A_301, %add3A_302 : i32
      %mul3A_304 = arith.constant 4 : i32
      %mul3A_305 = arith.muli %rem3A_299, %mul3A_304 : i32
      %add3A_306 = arith.constant 0 : i32
      %add3A_307 = arith.addi %mul3A_305, %add3A_306 : i32
      %mul3A_308 = arith.constant 128 : i32
      %mul3A_309 = arith.muli %add3A_307, %mul3A_308 : i32
      %dma_wait3A_310 = arith.constant 0 : i32
      %dma_wait3A_311 = tpu.memref_slice %arg9[%mul3A_309, %dma_wait3A_310] : memref<2048x16xf32, #tpu.memory_space<vmem>> -> memref<128x16xf32, #tpu.memory_space<vmem>>
      %dma_wait3A_312 = arith.constant 0 : i32
      %dma_wait3A_313 = tpu.memref_slice %arg7[%add3A_303, %dma_wait3A_312] : memref<112x128xi32, #tpu.memory_space<vmem>> -> memref<1x128xi32, #tpu.memory_space<vmem>>
      %dma_wait3A_314 = tpu.memref_squeeze %dma_wait3A_313 : memref<1x128xi32, #tpu.memory_space<vmem>> -> memref<128xi32, #tpu.memory_space<vmem>>
      %dma_wait3A_315 = arith.constant 0 : i32
      %dma_wait3A_316 = arith.constant 0 : i32
      %dma_wait3A_317 = tpu.memref_slice %arg2[%dma_wait3A_315, %dma_wait3A_316] : memref<10112x16xf32, #tpu.memory_space<hbm>> -> memref<10112x16xf32, #tpu.memory_space<hbm>>
      tpu.wait_indirect_dma semaphore(%arg11 : memref<!tpu.dma_semaphore, #tpu.memory_space<semaphore_mem>>) src(%dma_wait3A_317 : memref<10112x16xf32, #tpu.memory_space<hbm>>) dst(%dma_wait3A_311 : memref<128x16xf32, #tpu.memory_space<vmem>>)
      %rem3A_318 = arith.constant 4 : i32
      %rem3A_319 = arith.remsi %while3A_288, %rem3A_318 : i32
      %mul3A_320 = arith.constant 4 : i32
      %mul3A_321 = arith.muli %while3A_288, %mul3A_320 : i32
      %add3A_322 = arith.constant 1 : i32
      %add3A_323 = arith.addi %mul3A_321, %add3A_322 : i32
      %mul3A_324 = arith.constant 4 : i32
      %mul3A_325 = arith.muli %rem3A_319, %mul3A_324 : i32
      %add3A_326 = arith.constant 1 : i32
      %add3A_327 = arith.addi %mul3A_325, %add3A_326 : i32
      %mul3A_328 = arith.constant 128 : i32
      %mul3A_329 = arith.muli %add3A_327, %mul3A_328 : i32
      %dma_wait3A_330 = arith.constant 0 : i32
      %dma_wait3A_331 = tpu.memref_slice %arg9[%mul3A_329, %dma_wait3A_330] : memref<2048x16xf32, #tpu.memory_space<vmem>> -> memref<128x16xf32, #tpu.memory_space<vmem>>
      %dma_wait3A_332 = arith.constant 0 : i32
      %dma_wait3A_333 = tpu.memref_slice %arg7[%add3A_323, %dma_wait3A_332] : memref<112x128xi32, #tpu.memory_space<vmem>> -> memref<1x128xi32, #tpu.memory_space<vmem>>
      %dma_wait3A_334 = tpu.memref_squeeze %dma_wait3A_333 : memref<1x128xi32, #tpu.memory_space<vmem>> -> memref<128xi32, #tpu.memory_space<vmem>>
      %dma_wait3A_335 = arith.constant 0 : i32
      %dma_wait3A_336 = arith.constant 0 : i32
      %dma_wait3A_337 = tpu.memref_slice %arg2[%dma_wait3A_335, %dma_wait3A_336] : memref<10112x16xf32, #tpu.memory_space<hbm>> -> memref<10112x16xf32, #tpu.memory_space<hbm>>
      tpu.wait_indirect_dma semaphore(%arg11 : memref<!tpu.dma_semaphore, #tpu.memory_space<semaphore_mem>>) src(%dma_wait3A_337 : memref<10112x16xf32, #tpu.memory_space<hbm>>) dst(%dma_wait3A_331 : memref<128x16xf32, #tpu.memory_space<vmem>>)
      %rem3A_338 = arith.constant 4 : i32
      %rem3A_339 = arith.remsi %while3A_288, %rem3A_338 : i32
      %mul3A_340 = arith.constant 4 : i32
      %mul3A_341 = arith.muli %while3A_288, %mul3A_340 : i32
      %add3A_342 = arith.constant 2 : i32
      %add3A_343 = arith.addi %mul3A_341, %add3A_342 : i32
      %mul3A_344 = arith.constant 4 : i32
      %mul3A_345 = arith.muli %rem3A_339, %mul3A_344 : i32
      %add3A_346 = arith.constant 2 : i32
      %add3A_347 = arith.addi %mul3A_345, %add3A_346 : i32
      %mul3A_348 = arith.constant 128 : i32
      %mul3A_349 = arith.muli %add3A_347, %mul3A_348 : i32
      %dma_wait3A_350 = arith.constant 0 : i32
      %dma_wait3A_351 = tpu.memref_slice %arg9[%mul3A_349, %dma_wait3A_350] : memref<2048x16xf32, #tpu.memory_space<vmem>> -> memref<128x16xf32, #tpu.memory_space<vmem>>
      %dma_wait3A_352 = arith.constant 0 : i32
      %dma_wait3A_353 = tpu.memref_slice %arg7[%add3A_343, %dma_wait3A_352] : memref<112x128xi32, #tpu.memory_space<vmem>> -> memref<1x128xi32, #tpu.memory_space<vmem>>
      %dma_wait3A_354 = tpu.memref_squeeze %dma_wait3A_353 : memref<1x128xi32, #tpu.memory_space<vmem>> -> memref<128xi32, #tpu.memory_space<vmem>>
      %dma_wait3A_355 = arith.constant 0 : i32
      %dma_wait3A_356 = arith.constant 0 : i32
      %dma_wait3A_357 = tpu.memref_slice %arg2[%dma_wait3A_355, %dma_wait3A_356] : memref<10112x16xf32, #tpu.memory_space<hbm>> -> memref<10112x16xf32, #tpu.memory_space<hbm>>
      tpu.wait_indirect_dma semaphore(%arg11 : memref<!tpu.dma_semaphore, #tpu.memory_space<semaphore_mem>>) src(%dma_wait3A_357 : memref<10112x16xf32, #tpu.memory_space<hbm>>) dst(%dma_wait3A_351 : memref<128x16xf32, #tpu.memory_space<vmem>>)
      %rem3A_358 = arith.constant 4 : i32
      %rem3A_359 = arith.remsi %while3A_288, %rem3A_358 : i32
      %mul3A_360 = arith.constant 4 : i32
      %mul3A_361 = arith.muli %while3A_288, %mul3A_360 : i32
      %add3A_362 = arith.constant 3 : i32
      %add3A_363 = arith.addi %mul3A_361, %add3A_362 : i32
      %mul3A_364 = arith.constant 4 : i32
      %mul3A_365 = arith.muli %rem3A_359, %mul3A_364 : i32
      %add3A_366 = arith.constant 3 : i32
      %add3A_367 = arith.addi %mul3A_365, %add3A_366 : i32
      %mul3A_368 = arith.constant 128 : i32
      %mul3A_369 = arith.muli %add3A_367, %mul3A_368 : i32
      %dma_wait3A_370 = arith.constant 0 : i32
      %dma_wait3A_371 = tpu.memref_slice %arg9[%mul3A_369, %dma_wait3A_370] : memref<2048x16xf32, #tpu.memory_space<vmem>> -> memref<128x16xf32, #tpu.memory_space<vmem>>
      %dma_wait3A_372 = arith.constant 0 : i32
      %dma_wait3A_373 = tpu.memref_slice %arg7[%add3A_363, %dma_wait3A_372] : memref<112x128xi32, #tpu.memory_space<vmem>> -> memref<1x128xi32, #tpu.memory_space<vmem>>
      %dma_wait3A_374 = tpu.memref_squeeze %dma_wait3A_373 : memref<1x128xi32, #tpu.memory_space<vmem>> -> memref<128xi32, #tpu.memory_space<vmem>>
      %dma_wait3A_375 = arith.constant 0 : i32
      %dma_wait3A_376 = arith.constant 0 : i32
      %dma_wait3A_377 = tpu.memref_slice %arg2[%dma_wait3A_375, %dma_wait3A_376] : memref<10112x16xf32, #tpu.memory_space<hbm>> -> memref<10112x16xf32, #tpu.memory_space<hbm>>
      tpu.wait_indirect_dma semaphore(%arg11 : memref<!tpu.dma_semaphore, #tpu.memory_space<semaphore_mem>>) src(%dma_wait3A_377 : memref<10112x16xf32, #tpu.memory_space<hbm>>) dst(%dma_wait3A_371 : memref<128x16xf32, #tpu.memory_space<vmem>>)
      %rem3A_378 = arith.constant 4 : i32
      %rem3A_379 = arith.remsi %while3A_288, %rem3A_378 : i32
      %mul3A_380 = arith.constant 4 : i32
      %mul3A_381 = arith.muli %rem3A_379, %mul3A_380 : i32
      %add3A_382 = arith.constant 0 : i32
      %add3A_383 = arith.addi %mul3A_381, %add3A_382 : i32
      %mul3A_384 = arith.constant 128 : i32
      %mul3A_385 = arith.muli %add3A_383, %mul3A_384 : i32
      %mul3A_386 = arith.constant 4 : i32
      %mul3A_387 = arith.muli %while3A_288, %mul3A_386 : i32
      %add3A_388 = arith.constant 0 : i32
      %add3A_389 = arith.addi %mul3A_387, %add3A_388 : i32
      %dma_start3A_390 = arith.constant 0 : i32
      %dma_start3A_391 = tpu.memref_slice %arg9[%mul3A_385, %dma_start3A_390] : memref<2048x16xf32, #tpu.memory_space<vmem>> -> memref<128x16xf32, #tpu.memory_space<vmem>>
      %dma_start3A_392 = arith.constant 0 : i32
      %dma_start3A_393 = tpu.memref_slice %arg8[%add3A_389, %dma_start3A_392] : memref<112x128xi32, #tpu.memory_space<vmem>> -> memref<1x128xi32, #tpu.memory_space<vmem>>
      %dma_start3A_394 = tpu.memref_squeeze %dma_start3A_393 : memref<1x128xi32, #tpu.memory_space<vmem>> -> memref<128xi32, #tpu.memory_space<vmem>>
      %dma_start3A_395 = arith.constant 0 : i32
      %dma_start3A_396 = arith.constant 0 : i32
      %dma_start3A_397 = tpu.memref_slice %arg10[%dma_start3A_395, %dma_start3A_396] : memref<10112x16xf32, #tpu.memory_space<vmem_shared>> -> memref<10112x16xf32, #tpu.memory_space<vmem_shared>>
      tpu.enqueue_indirect_dma source(%dma_start3A_391 : memref<128x16xf32, #tpu.memory_space<vmem>>) target(%dma_start3A_397 : memref<10112x16xf32, #tpu.memory_space<vmem_shared>>) offsets(%dma_start3A_394 : memref<128xi32, #tpu.memory_space<vmem>>) semaphore(%arg12 : memref<!tpu.dma_semaphore, #tpu.memory_space<semaphore_mem>>) {add = true}
      %rem3A_398 = arith.constant 4 : i32
      %rem3A_399 = arith.remsi %while3A_288, %rem3A_398 : i32
      %mul3A_400 = arith.constant 4 : i32
      %mul3A_401 = arith.muli %rem3A_399, %mul3A_400 : i32
      %add3A_402 = arith.constant 1 : i32
      %add3A_403 = arith.addi %mul3A_401, %add3A_402 : i32
      %mul3A_404 = arith.constant 128 : i32
      %mul3A_405 = arith.muli %add3A_403, %mul3A_404 : i32
      %mul3A_406 = arith.constant 4 : i32
      %mul3A_407 = arith.muli %while3A_288, %mul3A_406 : i32
      %add3A_408 = arith.constant 1 : i32
      %add3A_409 = arith.addi %mul3A_407, %add3A_408 : i32
      %dma_start3A_410 = arith.constant 0 : i32
      %dma_start3A_411 = tpu.memref_slice %arg9[%mul3A_405, %dma_start3A_410] : memref<2048x16xf32, #tpu.memory_space<vmem>> -> memref<128x16xf32, #tpu.memory_space<vmem>>
      %dma_start3A_412 = arith.constant 0 : i32
      %dma_start3A_413 = tpu.memref_slice %arg8[%add3A_409, %dma_start3A_412] : memref<112x128xi32, #tpu.memory_space<vmem>> -> memref<1x128xi32, #tpu.memory_space<vmem>>
      %dma_start3A_414 = tpu.memref_squeeze %dma_start3A_413 : memref<1x128xi32, #tpu.memory_space<vmem>> -> memref<128xi32, #tpu.memory_space<vmem>>
      %dma_start3A_415 = arith.constant 0 : i32
      %dma_start3A_416 = arith.constant 0 : i32
      %dma_start3A_417 = tpu.memref_slice %arg10[%dma_start3A_415, %dma_start3A_416] : memref<10112x16xf32, #tpu.memory_space<vmem_shared>> -> memref<10112x16xf32, #tpu.memory_space<vmem_shared>>
      tpu.enqueue_indirect_dma source(%dma_start3A_411 : memref<128x16xf32, #tpu.memory_space<vmem>>) target(%dma_start3A_417 : memref<10112x16xf32, #tpu.memory_space<vmem_shared>>) offsets(%dma_start3A_414 : memref<128xi32, #tpu.memory_space<vmem>>) semaphore(%arg12 : memref<!tpu.dma_semaphore, #tpu.memory_space<semaphore_mem>>) {add = true}
      %rem3A_418 = arith.constant 4 : i32
      %rem3A_419 = arith.remsi %while3A_288, %rem3A_418 : i32
      %mul3A_420 = arith.constant 4 : i32
      %mul3A_421 = arith.muli %rem3A_419, %mul3A_420 : i32
      %add3A_422 = arith.constant 2 : i32
      %add3A_423 = arith.addi %mul3A_421, %add3A_422 : i32
      %mul3A_424 = arith.constant 128 : i32
      %mul3A_425 = arith.muli %add3A_423, %mul3A_424 : i32
      %mul3A_426 = arith.constant 4 : i32
      %mul3A_427 = arith.muli %while3A_288, %mul3A_426 : i32
      %add3A_428 = arith.constant 2 : i32
      %add3A_429 = arith.addi %mul3A_427, %add3A_428 : i32
      %dma_start3A_430 = arith.constant 0 : i32
      %dma_start3A_431 = tpu.memref_slice %arg9[%mul3A_425, %dma_start3A_430] : memref<2048x16xf32, #tpu.memory_space<vmem>> -> memref<128x16xf32, #tpu.memory_space<vmem>>
      %dma_start3A_432 = arith.constant 0 : i32
      %dma_start3A_433 = tpu.memref_slice %arg8[%add3A_429, %dma_start3A_432] : memref<112x128xi32, #tpu.memory_space<vmem>> -> memref<1x128xi32, #tpu.memory_space<vmem>>
      %dma_start3A_434 = tpu.memref_squeeze %dma_start3A_433 : memref<1x128xi32, #tpu.memory_space<vmem>> -> memref<128xi32, #tpu.memory_space<vmem>>
      %dma_start3A_435 = arith.constant 0 : i32
      %dma_start3A_436 = arith.constant 0 : i32
      %dma_start3A_437 = tpu.memref_slice %arg10[%dma_start3A_435, %dma_start3A_436] : memref<10112x16xf32, #tpu.memory_space<vmem_shared>> -> memref<10112x16xf32, #tpu.memory_space<vmem_shared>>
      tpu.enqueue_indirect_dma source(%dma_start3A_431 : memref<128x16xf32, #tpu.memory_space<vmem>>) target(%dma_start3A_437 : memref<10112x16xf32, #tpu.memory_space<vmem_shared>>) offsets(%dma_start3A_434 : memref<128xi32, #tpu.memory_space<vmem>>) semaphore(%arg12 : memref<!tpu.dma_semaphore, #tpu.memory_space<semaphore_mem>>) {add = true}
      %rem3A_438 = arith.constant 4 : i32
      %rem3A_439 = arith.remsi %while3A_288, %rem3A_438 : i32
      %mul3A_440 = arith.constant 4 : i32
      %mul3A_441 = arith.muli %rem3A_439, %mul3A_440 : i32
      %add3A_442 = arith.constant 3 : i32
      %add3A_443 = arith.addi %mul3A_441, %add3A_442 : i32
      %mul3A_444 = arith.constant 128 : i32
      %mul3A_445 = arith.muli %add3A_443, %mul3A_444 : i32
      %mul3A_446 = arith.constant 4 : i32
      %mul3A_447 = arith.muli %while3A_288, %mul3A_446 : i32
      %add3A_448 = arith.constant 3 : i32
      %add3A_449 = arith.addi %mul3A_447, %add3A_448 : i32
      %dma_start3A_450 = arith.constant 0 : i32
      %dma_start3A_451 = tpu.memref_slice %arg9[%mul3A_445, %dma_start3A_450] : memref<2048x16xf32, #tpu.memory_space<vmem>> -> memref<128x16xf32, #tpu.memory_space<vmem>>
      %dma_start3A_452 = arith.constant 0 : i32
      %dma_start3A_453 = tpu.memref_slice %arg8[%add3A_449, %dma_start3A_452] : memref<112x128xi32, #tpu.memory_space<vmem>> -> memref<1x128xi32, #tpu.memory_space<vmem>>
      %dma_start3A_454 = tpu.memref_squeeze %dma_start3A_453 : memref<1x128xi32, #tpu.memory_space<vmem>> -> memref<128xi32, #tpu.memory_space<vmem>>
      %dma_start3A_455 = arith.constant 0 : i32
      %dma_start3A_456 = arith.constant 0 : i32
      %dma_start3A_457 = tpu.memref_slice %arg10[%dma_start3A_455, %dma_start3A_456] : memref<10112x16xf32, #tpu.memory_space<vmem_shared>> -> memref<10112x16xf32, #tpu.memory_space<vmem_shared>>
      tpu.enqueue_indirect_dma source(%dma_start3A_451 : memref<128x16xf32, #tpu.memory_space<vmem>>) target(%dma_start3A_457 : memref<10112x16xf32, #tpu.memory_space<vmem_shared>>) offsets(%dma_start3A_454 : memref<128xi32, #tpu.memory_space<vmem>>) semaphore(%arg12 : memref<!tpu.dma_semaphore, #tpu.memory_space<semaphore_mem>>) {add = true}
    }
    %sub3A = arith.constant 1 : i32
    %sub3A_193 = arith.subi %select_n3A, %sub3A : i32
    %add3A_194 = arith.constant 0 : i32
    %add3A_195 = arith.addi %sub3A_193, %add3A_194 : i32
    %rem3A_196 = arith.constant 4 : i32
    %rem3A_197 = arith.remsi %add3A_195, %rem3A_196 : i32
    %mul3A_198 = arith.constant 4 : i32
    %mul3A_199 = arith.muli %rem3A_197, %mul3A_198 : i32
    %add3A_200 = arith.constant 0 : i32
    %add3A_201 = arith.addi %mul3A_199, %add3A_200 : i32
    %mul3A_202 = arith.constant 128 : i32
    %mul3A_203 = arith.muli %add3A_201, %mul3A_202 : i32
    %mul3A_204 = arith.constant 4 : i32
    %mul3A_205 = arith.muli %add3A_195, %mul3A_204 : i32
    %add3A_206 = arith.constant 0 : i32
    %add3A_207 = arith.addi %mul3A_205, %add3A_206 : i32
    %dma_wait3A = arith.constant 0 : i32
    %dma_wait3A_208 = tpu.memref_slice %arg9[%mul3A_203, %dma_wait3A] : memref<2048x16xf32, #tpu.memory_space<vmem>> -> memref<128x16xf32, #tpu.memory_space<vmem>>
    %dma_wait3A_209 = arith.constant 0 : i32
    %dma_wait3A_210 = tpu.memref_slice %arg8[%add3A_207, %dma_wait3A_209] : memref<112x128xi32, #tpu.memory_space<vmem>> -> memref<1x128xi32, #tpu.memory_space<vmem>>
    %dma_wait3A_211 = tpu.memref_squeeze %dma_wait3A_210 : memref<1x128xi32, #tpu.memory_space<vmem>> -> memref<128xi32, #tpu.memory_space<vmem>>
    %dma_wait3A_212 = arith.constant 0 : i32
    %dma_wait3A_213 = arith.constant 0 : i32
    %dma_wait3A_214 = tpu.memref_slice %arg10[%dma_wait3A_212, %dma_wait3A_213] : memref<10112x16xf32, #tpu.memory_space<vmem_shared>> -> memref<10112x16xf32, #tpu.memory_space<vmem_shared>>
    tpu.wait_indirect_dma semaphore(%arg12 : memref<!tpu.dma_semaphore, #tpu.memory_space<semaphore_mem>>) src(%dma_wait3A_208 : memref<128x16xf32, #tpu.memory_space<vmem>>) dst(%dma_wait3A_214 : memref<10112x16xf32, #tpu.memory_space<vmem_shared>>)
    %sub3A_215 = arith.constant 1 : i32
    %sub3A_216 = arith.subi %select_n3A, %sub3A_215 : i32
    %add3A_217 = arith.constant 0 : i32
    %add3A_218 = arith.addi %sub3A_216, %add3A_217 : i32
    %rem3A_219 = arith.constant 4 : i32
    %rem3A_220 = arith.remsi %add3A_218, %rem3A_219 : i32
    %mul3A_221 = arith.constant 4 : i32
    %mul3A_222 = arith.muli %rem3A_220, %mul3A_221 : i32
    %add3A_223 = arith.constant 1 : i32
    %add3A_224 = arith.addi %mul3A_222, %add3A_223 : i32
    %mul3A_225 = arith.constant 128 : i32
    %mul3A_226 = arith.muli %add3A_224, %mul3A_225 : i32
    %mul3A_227 = arith.constant 4 : i32
    %mul3A_228 = arith.muli %add3A_218, %mul3A_227 : i32
    %add3A_229 = arith.constant 1 : i32
    %add3A_230 = arith.addi %mul3A_228, %add3A_229 : i32
    %dma_wait3A_231 = arith.constant 0 : i32
    %dma_wait3A_232 = tpu.memref_slice %arg9[%mul3A_226, %dma_wait3A_231] : memref<2048x16xf32, #tpu.memory_space<vmem>> -> memref<128x16xf32, #tpu.memory_space<vmem>>
    %dma_wait3A_233 = arith.constant 0 : i32
    %dma_wait3A_234 = tpu.memref_slice %arg8[%add3A_230, %dma_wait3A_233] : memref<112x128xi32, #tpu.memory_space<vmem>> -> memref<1x128xi32, #tpu.memory_space<vmem>>
    %dma_wait3A_235 = tpu.memref_squeeze %dma_wait3A_234 : memref<1x128xi32, #tpu.memory_space<vmem>> -> memref<128xi32, #tpu.memory_space<vmem>>
    %dma_wait3A_236 = arith.constant 0 : i32
    %dma_wait3A_237 = arith.constant 0 : i32
    %dma_wait3A_238 = tpu.memref_slice %arg10[%dma_wait3A_236, %dma_wait3A_237] : memref<10112x16xf32, #tpu.memory_space<vmem_shared>> -> memref<10112x16xf32, #tpu.memory_space<vmem_shared>>
    tpu.wait_indirect_dma semaphore(%arg12 : memref<!tpu.dma_semaphore, #tpu.memory_space<semaphore_mem>>) src(%dma_wait3A_232 : memref<128x16xf32, #tpu.memory_space<vmem>>) dst(%dma_wait3A_238 : memref<10112x16xf32, #tpu.memory_space<vmem_shared>>)
    %sub3A_239 = arith.constant 1 : i32
    %sub3A_240 = arith.subi %select_n3A, %sub3A_239 : i32
    %add3A_241 = arith.constant 0 : i32
    %add3A_242 = arith.addi %sub3A_240, %add3A_241 : i32
    %rem3A_243 = arith.constant 4 : i32
    %rem3A_244 = arith.remsi %add3A_242, %rem3A_243 : i32
    %mul3A_245 = arith.constant 4 : i32
    %mul3A_246 = arith.muli %rem3A_244, %mul3A_245 : i32
    %add3A_247 = arith.constant 2 : i32
    %add3A_248 = arith.addi %mul3A_246, %add3A_247 : i32
    %mul3A_249 = arith.constant 128 : i32
    %mul3A_250 = arith.muli %add3A_248, %mul3A_249 : i32
    %mul3A_251 = arith.constant 4 : i32
    %mul3A_252 = arith.muli %add3A_242, %mul3A_251 : i32
    %add3A_253 = arith.constant 2 : i32
    %add3A_254 = arith.addi %mul3A_252, %add3A_253 : i32
    %dma_wait3A_255 = arith.constant 0 : i32
    %dma_wait3A_256 = tpu.memref_slice %arg9[%mul3A_250, %dma_wait3A_255] : memref<2048x16xf32, #tpu.memory_space<vmem>> -> memref<128x16xf32, #tpu.memory_space<vmem>>
    %dma_wait3A_257 = arith.constant 0 : i32
    %dma_wait3A_258 = tpu.memref_slice %arg8[%add3A_254, %dma_wait3A_257] : memref<112x128xi32, #tpu.memory_space<vmem>> -> memref<1x128xi32, #tpu.memory_space<vmem>>
    %dma_wait3A_259 = tpu.memref_squeeze %dma_wait3A_258 : memref<1x128xi32, #tpu.memory_space<vmem>> -> memref<128xi32, #tpu.memory_space<vmem>>
    %dma_wait3A_260 = arith.constant 0 : i32
    %dma_wait3A_261 = arith.constant 0 : i32
    %dma_wait3A_262 = tpu.memref_slice %arg10[%dma_wait3A_260, %dma_wait3A_261] : memref<10112x16xf32, #tpu.memory_space<vmem_shared>> -> memref<10112x16xf32, #tpu.memory_space<vmem_shared>>
    tpu.wait_indirect_dma semaphore(%arg12 : memref<!tpu.dma_semaphore, #tpu.memory_space<semaphore_mem>>) src(%dma_wait3A_256 : memref<128x16xf32, #tpu.memory_space<vmem>>) dst(%dma_wait3A_262 : memref<10112x16xf32, #tpu.memory_space<vmem_shared>>)
    %sub3A_263 = arith.constant 1 : i32
    %sub3A_264 = arith.subi %select_n3A, %sub3A_263 : i32
    %add3A_265 = arith.constant 0 : i32
    %add3A_266 = arith.addi %sub3A_264, %add3A_265 : i32
    %rem3A_267 = arith.constant 4 : i32
    %rem3A_268 = arith.remsi %add3A_266, %rem3A_267 : i32
    %mul3A_269 = arith.constant 4 : i32
    %mul3A_270 = arith.muli %rem3A_268, %mul3A_269 : i32
    %add3A_271 = arith.constant 3 : i32
    %add3A_272 = arith.addi %mul3A_270, %add3A_271 : i32
    %mul3A_273 = arith.constant 128 : i32
    %mul3A_274 = arith.muli %add3A_272, %mul3A_273 : i32
    %mul3A_275 = arith.constant 4 : i32
    %mul3A_276 = arith.muli %add3A_266, %mul3A_275 : i32
    %add3A_277 = arith.constant 3 : i32
    %add3A_278 = arith.addi %mul3A_276, %add3A_277 : i32
    %dma_wait3A_279 = arith.constant 0 : i32
    %dma_wait3A_280 = tpu.memref_slice %arg9[%mul3A_274, %dma_wait3A_279] : memref<2048x16xf32, #tpu.memory_space<vmem>> -> memref<128x16xf32, #tpu.memory_space<vmem>>
    %dma_wait3A_281 = arith.constant 0 : i32
    %dma_wait3A_282 = tpu.memref_slice %arg8[%add3A_278, %dma_wait3A_281] : memref<112x128xi32, #tpu.memory_space<vmem>> -> memref<1x128xi32, #tpu.memory_space<vmem>>
    %dma_wait3A_283 = tpu.memref_squeeze %dma_wait3A_282 : memref<1x128xi32, #tpu.memory_space<vmem>> -> memref<128xi32, #tpu.memory_space<vmem>>
    %dma_wait3A_284 = arith.constant 0 : i32
    %dma_wait3A_285 = arith.constant 0 : i32
    %dma_wait3A_286 = tpu.memref_slice %arg10[%dma_wait3A_284, %dma_wait3A_285] : memref<10112x16xf32, #tpu.memory_space<vmem_shared>> -> memref<10112x16xf32, #tpu.memory_space<vmem_shared>>
    tpu.wait_indirect_dma semaphore(%arg12 : memref<!tpu.dma_semaphore, #tpu.memory_space<semaphore_mem>>) src(%dma_wait3A_280 : memref<128x16xf32, #tpu.memory_space<vmem>>) dst(%dma_wait3A_286 : memref<10112x16xf32, #tpu.memory_space<vmem_shared>>)
    %barrier3A_287 = arith.constant 0 : index
    tpu.barrier barrier_id(%barrier3A_287)
    "tpu.region"() ({
      %run_scoped3A = tpu.sem_alloc : memref<!tpu.dma_semaphore, #tpu.memory_space<semaphore_mem>>
      %dma_start3A_288 = arith.constant 0 : i32
      %dma_start3A_289 = tpu.memref_slice %arg6[%arg0, %mul3A_0, %dma_start3A_288] : memref<2x10112x16xf32, #tpu.memory_space<hbm>> -> memref<1x632x16xf32, #tpu.memory_space<hbm>>
      %dma_start3A_290 = tpu.memref_squeeze %dma_start3A_289 : memref<1x632x16xf32, #tpu.memory_space<hbm>> -> memref<632x16xf32, #tpu.memory_space<hbm>>
      %dma_start3A_291 = arith.constant 0 : i32
      %dma_start3A_292 = tpu.memref_slice %arg10[%mul3A_0, %dma_start3A_291] : memref<10112x16xf32, #tpu.memory_space<vmem_shared>> -> memref<632x16xf32, #tpu.memory_space<vmem_shared>>
      tpu.enqueue_dma source(%dma_start3A_292 : memref<632x16xf32, #tpu.memory_space<vmem_shared>>) target(%dma_start3A_290 : memref<632x16xf32, #tpu.memory_space<hbm>>) target_semaphore(%run_scoped3A : memref<!tpu.dma_semaphore, #tpu.memory_space<semaphore_mem>>)
      %dma_wait3A_293 = arith.constant 0 : i32
      %dma_wait3A_294 = tpu.memref_slice %arg6[%arg0, %mul3A_0, %dma_wait3A_293] : memref<2x10112x16xf32, #tpu.memory_space<hbm>> -> memref<1x632x16xf32, #tpu.memory_space<hbm>>
      %dma_wait3A_295 = tpu.memref_squeeze %dma_wait3A_294 : memref<1x632x16xf32, #tpu.memory_space<hbm>> -> memref<632x16xf32, #tpu.memory_space<hbm>>
      %dma_wait3A_296 = arith.constant 0 : i32
      %dma_wait3A_297 = tpu.memref_slice %arg10[%mul3A_0, %dma_wait3A_296] : memref<10112x16xf32, #tpu.memory_space<vmem_shared>> -> memref<632x16xf32, #tpu.memory_space<vmem_shared>>
      tpu.wait_dma2 semaphore(%run_scoped3A : memref<!tpu.dma_semaphore, #tpu.memory_space<semaphore_mem>>) src(%dma_wait3A_297 : memref<632x16xf32, #tpu.memory_space<vmem_shared>>) dst(%dma_wait3A_295 : memref<632x16xf32, #tpu.memory_space<hbm>>)
      tpu.yield
    }) : () -> ()
    return
  }
}

module attributes {stable_mosaic.version = 14 : i64} {
  func.func @_mm1_body(%arg0: memref<10000x128xf32, #tpu.memory_space<vmem>>, %arg1: memref<128x16xf32, #tpu.memory_space<vmem>>, %arg2: memref<10112x16xf32, #tpu.memory_space<vmem>>) attributes {dimension_semantics = [], scalar_prefetch = 0 : i64, scratch_operands = 0 : i64, tpu.core_type = #tpu.core_type<tc>} {
    %get3A = arith.constant 0 : index
    %get3A_0 = arith.constant 0 : index
    %get3A_1 = vector.load %arg0[%get3A, %get3A_0] : memref<10000x128xf32, #tpu.memory_space<vmem>>, vector<10000x128xf32>
    %get3A_2 = arith.constant 0 : index
    %get3A_3 = arith.constant 0 : index
    %get3A_4 = vector.load %arg1[%get3A_2, %get3A_3] : memref<128x16xf32, #tpu.memory_space<vmem>>, vector<128x16xf32>
    %dot_general3A = arith.constant dense<0.000000e+00> : vector<10000x16xf32>
    %dot_general3A_5 = tpu.matmul %get3A_1, %get3A_4, %dot_general3A {dimension_numbers = #tpu.dot_dimension_numbers<[1], [0], [0], [1], [0, 0, 1, 1], [], []>, transpose_lhs_hint = false} : vector<10000x128xf32>, vector<128x16xf32>, vector<10000x16xf32> -> vector<10000x16xf32>
    %swap3A = arith.constant 0 : index
    %swap3A_6 = arith.constant 0 : index
    %swap3A_7 = vector.load %arg2[%swap3A, %swap3A_6] : memref<10112x16xf32, #tpu.memory_space<vmem>>, vector<10000x16xf32>
    tpu.vector_store %arg2[%swap3A, %swap3A_6], %dot_general3A_5 {strides = array<i32>} : memref<10112x16xf32, #tpu.memory_space<vmem>>, vector<10000x16xf32>,
    %broadcast_in_dim3A = arith.constant 0.000000e+00 : f32
    %broadcast_in_dim3A_8 = vector.broadcast %broadcast_in_dim3A : f32 to vector<112x16xf32>
    %swap3A_9 = arith.constant 10000 : index
    %swap3A_10 = arith.constant 0 : index
    %swap3A_11 = vector.load %arg2[%swap3A_9, %swap3A_10] : memref<10112x16xf32, #tpu.memory_space<vmem>>, vector<112x16xf32>
    tpu.vector_store %arg2[%swap3A_9, %swap3A_10], %broadcast_in_dim3A_8 {strides = array<i32>} : memref<10112x16xf32, #tpu.memory_space<vmem>>, vector<112x16xf32>,
    return
  }
}

module attributes {stable_mosaic.version = 14 : i64} {
  func.func @_mid_body(%arg0: memref<10112x16xf32, #tpu.memory_space<vmem>>, %arg1: memref<2x10112x16xf32, #tpu.memory_space<vmem>>, %arg2: memref<1x16xf32, #tpu.memory_space<vmem>>, %arg3: memref<16x16xf32, #tpu.memory_space<vmem>>, %arg4: memref<1x16xf32, #tpu.memory_space<vmem>>, %arg5: memref<10112x16xf32, #tpu.memory_space<vmem>>) attributes {dimension_semantics = [], scalar_prefetch = 0 : i64, scratch_operands = 0 : i64, tpu.core_type = #tpu.core_type<tc>} {
    %get3A = arith.constant 0 : index
    %get3A_0 = arith.constant 0 : index
    %get3A_1 = vector.load %arg0[%get3A, %get3A_0] : memref<10112x16xf32, #tpu.memory_space<vmem>>, vector<10112x16xf32>
    %get3A_2 = arith.constant 0 : index
    %get3A_3 = arith.constant 0 : index
    %get3A_4 = arith.constant 0 : index
    %get3A_5 = vector.load %arg1[%get3A_2, %get3A_3, %get3A_4] : memref<2x10112x16xf32, #tpu.memory_space<vmem>>, vector<1x10112x16xf32>
    %get3A_6 = vector.shape_cast %get3A_5 : vector<1x10112x16xf32> to vector<10112x16xf32>
    %add3A = arith.addf %get3A_1, %get3A_6 : vector<10112x16xf32>
    %get3A_7 = arith.constant 1 : index
    %get3A_8 = arith.constant 0 : index
    %get3A_9 = arith.constant 0 : index
    %get3A_10 = vector.load %arg1[%get3A_7, %get3A_8, %get3A_9] : memref<2x10112x16xf32, #tpu.memory_space<vmem>>, vector<1x10112x16xf32>
    %get3A_11 = vector.shape_cast %get3A_10 : vector<1x10112x16xf32> to vector<10112x16xf32>
    %add3A_12 = arith.addf %add3A, %get3A_11 : vector<10112x16xf32>
    %get3A_13 = arith.constant 0 : index
    %get3A_14 = arith.constant 0 : index
    %get3A_15 = vector.load %arg2[%get3A_13, %get3A_14] : memref<1x16xf32, #tpu.memory_space<vmem>>, vector<1x16xf32>
    %add3A_16 = vector.broadcast %get3A_15 : vector<1x16xf32> to vector<10112x16xf32>
    %add3A_17 = arith.addf %add3A_12, %add3A_16 : vector<10112x16xf32>
    %max3A = arith.constant 0.000000e+00 : f32
    %max3A_18 = vector.broadcast %max3A : f32 to vector<10112x16xf32>
    %max3A_19 = arith.maximumf %add3A_17, %max3A_18 : vector<10112x16xf32>
    %get3A_20 = arith.constant 0 : index
    %get3A_21 = arith.constant 0 : index
    %get3A_22 = vector.load %arg3[%get3A_20, %get3A_21] : memref<16x16xf32, #tpu.memory_space<vmem>>, vector<16x16xf32>
    %dot_general3A = arith.constant dense<0.000000e+00> : vector<10112x16xf32>
    %dot_general3A_23 = tpu.matmul %max3A_19, %get3A_22, %dot_general3A {dimension_numbers = #tpu.dot_dimension_numbers<[1], [0], [0], [1], [0, 0, 1, 1], [], []>, transpose_lhs_hint = false} : vector<10112x16xf32>, vector<16x16xf32>, vector<10112x16xf32> -> vector<10112x16xf32>
    %get3A_24 = arith.constant 0 : index
    %get3A_25 = arith.constant 0 : index
    %get3A_26 = vector.load %arg4[%get3A_24, %get3A_25] : memref<1x16xf32, #tpu.memory_space<vmem>>, vector<1x16xf32>
    %add3A_27 = vector.broadcast %get3A_26 : vector<1x16xf32> to vector<10112x16xf32>
    %add3A_28 = arith.addf %dot_general3A_23, %add3A_27 : vector<10112x16xf32>
    %max3A_29 = arith.constant 0.000000e+00 : f32
    %max3A_30 = vector.broadcast %max3A_29 : f32 to vector<10112x16xf32>
    %max3A_31 = arith.maximumf %add3A_28, %max3A_30 : vector<10112x16xf32>
    %swap3A = arith.constant 0 : index
    %swap3A_32 = arith.constant 0 : index
    %swap3A_33 = vector.load %arg5[%swap3A, %swap3A_32] : memref<10112x16xf32, #tpu.memory_space<vmem>>, vector<10112x16xf32>
    tpu.vector_store %arg5[%swap3A, %swap3A_32], %max3A_31 {strides = array<i32>} : memref<10112x16xf32, #tpu.memory_space<vmem>>, vector<10112x16xf32>,
    return
  }
}

module attributes {stable_mosaic.version = 14 : i64} {
  func.func @_post_body(%arg0: memref<10112x16xf32, #tpu.memory_space<vmem>>, %arg1: memref<2x10112x16xf32, #tpu.memory_space<vmem>>, %arg2: memref<16x16xf32, #tpu.memory_space<vmem>>, %arg3: memref<1x16xf32, #tpu.memory_space<vmem>>, %arg4: memref<16x7xf32, #tpu.memory_space<vmem>>, %arg5: memref<1x7xf32, #tpu.memory_space<vmem>>, %arg6: memref<10000x7xf32, #tpu.memory_space<vmem>>) attributes {dimension_semantics = [], scalar_prefetch = 0 : i64, scratch_operands = 0 : i64, tpu.core_type = #tpu.core_type<tc>} {
    %get3A = arith.constant 0 : index
    %get3A_0 = arith.constant 0 : index
    %get3A_1 = vector.load %arg0[%get3A, %get3A_0] : memref<10112x16xf32, #tpu.memory_space<vmem>>, vector<10112x16xf32>
    %get3A_2 = arith.constant 0 : index
    %get3A_3 = arith.constant 0 : index
    %get3A_4 = arith.constant 0 : index
    %get3A_5 = vector.load %arg1[%get3A_2, %get3A_3, %get3A_4] : memref<2x10112x16xf32, #tpu.memory_space<vmem>>, vector<1x10112x16xf32>
    %get3A_6 = vector.shape_cast %get3A_5 : vector<1x10112x16xf32> to vector<10112x16xf32>
    %add3A = arith.addf %get3A_1, %get3A_6 : vector<10112x16xf32>
    %get3A_7 = arith.constant 1 : index
    %get3A_8 = arith.constant 0 : index
    %get3A_9 = arith.constant 0 : index
    %get3A_10 = vector.load %arg1[%get3A_7, %get3A_8, %get3A_9] : memref<2x10112x16xf32, #tpu.memory_space<vmem>>, vector<1x10112x16xf32>
    %get3A_11 = vector.shape_cast %get3A_10 : vector<1x10112x16xf32> to vector<10112x16xf32>
    %add3A_12 = arith.addf %add3A, %get3A_11 : vector<10112x16xf32>
    %get3A_13 = arith.constant 0 : index
    %get3A_14 = arith.constant 0 : index
    %get3A_15 = vector.load %arg2[%get3A_13, %get3A_14] : memref<16x16xf32, #tpu.memory_space<vmem>>, vector<16x16xf32>
    %dot_general3A = arith.constant dense<0.000000e+00> : vector<10112x16xf32>
    %dot_general3A_16 = tpu.matmul %add3A_12, %get3A_15, %dot_general3A {dimension_numbers = #tpu.dot_dimension_numbers<[1], [0], [0], [1], [0, 0, 1, 1], [], []>, transpose_lhs_hint = false} : vector<10112x16xf32>, vector<16x16xf32>, vector<10112x16xf32> -> vector<10112x16xf32>
    %get3A_17 = arith.constant 0 : index
    %get3A_18 = arith.constant 0 : index
    %get3A_19 = vector.load %arg3[%get3A_17, %get3A_18] : memref<1x16xf32, #tpu.memory_space<vmem>>, vector<1x16xf32>
    %add3A_20 = vector.broadcast %get3A_19 : vector<1x16xf32> to vector<10112x16xf32>
    %add3A_21 = arith.addf %dot_general3A_16, %add3A_20 : vector<10112x16xf32>
    %max3A = arith.constant 0.000000e+00 : f32
    %max3A_22 = vector.broadcast %max3A : f32 to vector<10112x16xf32>
    %max3A_23 = arith.maximumf %add3A_21, %max3A_22 : vector<10112x16xf32>
    %get3A_24 = arith.constant 0 : index
    %get3A_25 = arith.constant 0 : index
    %get3A_26 = vector.load %arg4[%get3A_24, %get3A_25] : memref<16x7xf32, #tpu.memory_space<vmem>>, vector<16x7xf32>
    %dot_general3A_27 = arith.constant dense<0.000000e+00> : vector<10112x7xf32>
    %dot_general3A_28 = tpu.matmul %max3A_23, %get3A_26, %dot_general3A_27 {dimension_numbers = #tpu.dot_dimension_numbers<[1], [0], [0], [1], [0, 0, 1, 1], [], []>, transpose_lhs_hint = false} : vector<10112x16xf32>, vector<16x7xf32>, vector<10112x7xf32> -> vector<10112x7xf32>
    %get3A_29 = arith.constant 0 : index
    %get3A_30 = arith.constant 0 : index
    %get3A_31 = vector.load %arg5[%get3A_29, %get3A_30] : memref<1x7xf32, #tpu.memory_space<vmem>>, vector<1x7xf32>
    %add3A_32 = vector.broadcast %get3A_31 : vector<1x7xf32> to vector<10112x7xf32>
    %add3A_33 = arith.addf %dot_general3A_28, %add3A_32 : vector<10112x7xf32>
    %slice3A = vector.extract_strided_slice %add3A_33 {offsets = [0, 0], sizes = [10000, 7], strides = [1, 1]} : vector<10112x7xf32> to vector<10000x7xf32>
    %reduce_max3A = arith.constant dense<0xFF800000> : vector<10000xf32>
    %reduce_max3A_34 = vector.multi_reduction <maximumf>, %slice3A, %reduce_max3A [1] : vector<10000x7xf32> to vector<10000xf32>
    %broadcast_in_dim3A = vector.shape_cast %reduce_max3A_34 : vector<10000xf32> to vector<10000x1xf32>
    %sub3A = vector.broadcast %broadcast_in_dim3A : vector<10000x1xf32> to vector<10000x7xf32>
    %sub3A_35 = arith.subf %slice3A, %sub3A : vector<10000x7xf32>
    %exp3A = math.exp %sub3A_35 : vector<10000x7xf32>
    %reduce_sum3A = arith.constant dense<0.000000e+00> : vector<10000xf32>
    %reduce_sum3A_36 = vector.multi_reduction <add>, %exp3A, %reduce_sum3A [1] : vector<10000x7xf32> to vector<10000xf32>
    %broadcast_in_dim3A_37 = vector.shape_cast %reduce_sum3A_36 : vector<10000xf32> to vector<10000x1xf32>
    %log3A = math.log %broadcast_in_dim3A_37 : vector<10000x1xf32>
    %sub3A_38 = vector.broadcast %broadcast_in_dim3A : vector<10000x1xf32> to vector<10000x7xf32>
    %sub3A_39 = arith.subf %slice3A, %sub3A_38 : vector<10000x7xf32>
    %sub3A_40 = vector.broadcast %log3A : vector<10000x1xf32> to vector<10000x7xf32>
    %sub3A_41 = arith.subf %sub3A_39, %sub3A_40 : vector<10000x7xf32>
    %swap3A = arith.constant 0 : index
    %swap3A_42 = arith.constant 0 : index
    %swap3A_43 = vector.load %arg6[%swap3A, %swap3A_42] : memref<10000x7xf32, #tpu.memory_space<vmem>>, vector<10000x7xf32>
    tpu.vector_store %arg6[%swap3A, %swap3A_42], %sub3A_41 {strides = array<i32>} : memref<10000x7xf32, #tpu.memory_space<vmem>>, vector<10000x7xf32>,
    return
  }
}

</mosaic_0001>

<sc_bundles>
// kernel: kernel.10.cloned.1.call-start
scs
__scs_entry_jumppad:
0x0: {  	(pc) =	sbr.rel $0x88, $3  }
0x1: {  	(tag) =	ssettag $0x0;
	lr =	simm.s32 $0x1  }
0x2: {  	[smem:$0x3F97] =	sst lr;
	_ =	strace $0xD0000000  }
0x3: {  	_ = 	snop  }
0x4: {  	_ = 	snop  }
0x5: {  	_ = 	snop  }
0x6: {  	_ = 	snop  }
0x7: {  	_ = 	snop  }
__scs_overlays_trampoline_lowered:
0x8: {  	[smem:$0x3FA6] =	sst s0  }
0x9: {  	[smem:$0x3FA7] =	sst s1  }
0xa: {  	[smem:$0x3FA8] =	sst s2  }
0xb: {  	[smem:$0x3FA9] =	sst s3  }
0xc: {  	[smem:$0x3FAA] =	sst s4  }
0xd: {  	[smem:$0x3FAB] =	sst s5  }
0xe: {  	[smem:$0x3FAC] =	sst s6  }
0xf: {  	[smem:$0x3FAD] =	sst s7  }
0x10: {  	[smem:$0x3FAE] =	sst s8  }
0x11: {  	[smem:$0x3FAF] =	sst s9;
	s0 =	simm.s32 @!p0 $0x0  }
0x12: {  	s1 =	sld [smem:$0x3F95];
	s0 =	simm.s32 @p0 $0x1  }
0x13: {  	[smem:$0x3FB0] =	sst s0;
	s0 =	simm.s32 @!p1 $0x0  }
0x14: {  	s2 =	sld [smem:$0x3F94];
	s0 =	simm.s32 @p1 $0x1  }
0x15: {  	[smem:$0x3FB1] =	sst s0;
	s0 =	simm.s32 @!p2 $0x0  }
0x16: {  	s3 =	sld [smem:$0x3FDB];
	s0 =	simm.s32 @p2 $0x1  }
0x17: {  	s4 =	simm.s32 $0x1BF5;
	[smem:$0x3FB3] =	sst s0  }
0x18: {  	s0 =	sld [smem:$0x3F96];
	_ =	swait.ge [sflag:s4], $0x0  }
0x19: {  	s7 =	sld [smem:$0x3F97]  }
0x1a: {  	s8 =	sadd.s32 $0xFFFFE003, lr  }
0x1b: {  	s9 =	sadd.s32 $0xFFFFFEF7, lr;
	s5 =	simm.s32 $0xFFFFFFFF;
	p2 =	slt.u32 s8, $0xFFFFF086  }
0x1c: {  	p1 =	slt.u32 s9, $0xF7A;
	s5 =	simm.s32 @!p2 $0x0  }
0x1d: {  	s5 =	simm.s32 @p1 $0x1;
	p0 =	seq.s32 s7, s2  }
0x1e: {  	s7 =	smul.u32 @!p0 $0xF7A, s2;
	p2 =	seq.s32 @!p0 s5, $0x0  }
0x1f: {  	s9 =	smul.u32 $0xF7A, s1;
	s8 =	simm.s32 @!p0 $0x1BF5;
	p2 =	por !p2, p0  }
0x20: {  	[sflag:s8] =	ssyncset.s32 @!p0 $0xFFFFF086;
	s6 =	sadd.s32 @!p0 s3, s7;
	s7 =	simm.s32 @!p0 $0x108  }
0x21: {  	s3 =	sadd.s32 s3, s9;
	s6 =	sadd.s32 @!p0 $0x88, s6;
	s7 =	simm.s32 @p2 $0x1082  }
0x22: {  	[simem:s7], [sflag:s8] =	dma.local @!p0 [hbm:s6], $0xF7A  }
0x23: {  	s9 =	sor.u32 $0xD0000000, s2;
	s6 =	simm.s32 $0x108;
	_ =	swait.ge @!p0 [sflag:s8], $0x0  }
0x24: {  	s3 =	sadd.s32 $0x88, s3;
	s6 =	simm.s32 @!p1 $0x1082;
	[sflag:s4] =	ssyncset.s32 $0xFFFFF086  }
0x25: {  	[simem:s6], [sflag:s4] =	dma.local [hbm:s3], $0xF7A  }
0x26: {  	[smem:$0x3F97] =	sst s1;
	(tag) =	ssettag s2;
	_ =	strace s9  }
0x27: {  	s1 =	sld [smem:$0x3FA7]  }
0x28: {  	s2 =	sld [smem:$0x3FA8]  }
0x29: {  	s4 =	sld [smem:$0x3FAA]  }
0x2a: {  	p0 =	seq.s32 s5, $0x0;
	s5 =	sld [smem:$0x3FAB]  }
0x2b: {  	s6 =	sld [smem:$0x3FAC]  }
0x2c: {  	s7 =	sld [smem:$0x3FAD]  }
0x2d: {  	s3 =	simm.s32 $0x108;
	s8 =	sld [smem:$0x3FAE]  }
0x2e: {  	s3 =	simm.s32 @!p0 $0x1082;
	s9 =	sld [smem:$0x3FAF]  }
0x2f: {  	lr =	sadd.s32 s0, s3;
	s0 =	sld [smem:$0x3FA6]  }
0x30: {  	s3 =	sld [smem:$0x3FA9]  }
0x31: {  	[smem:$0x3FB2] =	sst s10  }
0x32: {  	s10 =	sld [smem:$0x3FB0];
	_ =	sdelay $0x3  }
0x33: {  	p0 =	seq.s32 s10, $0x1;
	s10 =	sld [smem:$0x3FB2];
	_ =	sdelay $0x3  }
0x34: {  	[smem:$0x3FB2] =	sst s10  }
0x35: {  	s10 =	sld [smem:$0x3FB1];
	_ =	sdelay $0x3  }
0x36: {  	p1 =	seq.s32 s10, $0x1;
	s10 =	sld [smem:$0x3FB2];
	_ =	sdelay $0x3  }
0x37: {  	[smem:$0x3FB2] =	sst s10  }
0x38: {  	s10 =	sld [smem:$0x3FB3]  }
0x39: {  	_ = 	snop;
	(pc) =	sbr.ind lr, $3  }
0x3a: {  	_ = 	snop  }
0x3b: {  	_ = 	snop  }
0x3c: {  	p2 =	seq.s32 s10, $0x1;
	s10 =	sld [smem:$0x3FB2]  }
0x3d: {  	_ =	shalt  }
0x3e: {  	_ =	shalt  }
0x3f: {  	_ =	shalt  }
0x40: {  	_ =	shalt  }
0x41: {  	_ =	shalt  }
0x42: {  	_ =	shalt  }
0x43: {  	_ =	shalt  }
0x44: {  	_ =	shalt  }
0x45: {  	_ =	shalt  }
0x46: {  	_ =	shalt  }
0x47: {  	_ =	shalt  }
0x48: {  	_ =	shalt  }
0x49: {  	_ =	shalt  }
0x4a: {  	_ =	shalt  }
0x4b: {  	_ =	shalt  }
0x4c: {  	_ =	shalt  }
0x4d: {  	_ =	shalt  }
0x4e: {  	_ =	shalt  }
0x4f: {  	_ =	shalt  }
0x50: {  	_ =	shalt  }
0x51: {  	_ =	shalt  }
0x52: {  	_ =	shalt  }
0x53: {  	_ =	shalt  }
0x54: {  	_ =	shalt  }
0x55: {  	_ =	shalt  }
0x56: {  	_ =	shalt  }
0x57: {  	_ =	shalt  }
0x58: {  	_ =	shalt  }
0x59: {  	_ =	shalt  }
0x5a: {  	_ =	shalt  }
0x5b: {  	_ =	shalt  }
0x5c: {  	_ =	shalt  }
0x5d: {  	_ =	shalt  }
0x5e: {  	_ =	shalt  }
0x5f: {  	_ =	shalt  }
0x60: {  	_ =	shalt  }
0x61: {  	_ =	shalt  }
0x62: {  	_ =	shalt  }
0x63: {  	_ =	shalt  }
0x64: {  	_ =	shalt  }
0x65: {  	_ =	shalt  }
0x66: {  	_ =	shalt  }
0x67: {  	_ =	shalt  }
0x68: {  	_ =	shalt  }
0x69: {  	_ =	shalt  }
0x6a: {  	_ =	shalt  }
0x6b: {  	_ =	shalt  }
0x6c: {  	_ =	shalt  }
0x6d: {  	_ =	shalt  }
0x6e: {  	_ =	shalt  }
0x6f: {  	_ =	shalt  }
0x70: {  	_ =	shalt  }
0x71: {  	_ =	shalt  }
0x72: {  	_ =	shalt  }
0x73: {  	_ =	shalt  }
0x74: {  	_ =	shalt  }
0x75: {  	_ =	shalt  }
0x76: {  	_ =	shalt  }
0x77: {  	_ =	shalt  }
0x78: {  	_ =	shalt  }
0x79: {  	_ =	shalt  }
0x7a: {  	_ =	shalt  }
0x7b: {  	_ =	shalt  }
0x7c: {  	_ =	shalt  }
0x7d: {  	_ =	shalt  }
0x7e: {  	_ =	shalt  }
0x7f: {  	_ =	shalt  }
0x80: {  	_ =	shalt  }
0x81: {  	_ =	shalt  }
0x82: {  	_ =	shalt  }
0x83: {  	_ =	shalt  }
0x84: {  	_ =	shalt  }
0x85: {  	_ =	shalt  }
0x86: {  	_ =	shalt  }
0x87: {  	_ =	shalt  }
.Lfunc_end0:
.L_simem_size_0:
called_computation.1_lowered:
.L_overlay_start_0:
0x88: {  	s2 =	sld [smem:$0x3FD9]  }
0x89: {  	s3 =	sld [smem:$0x3FFE];
	_ =	sdelay $0x1  }
0x8a: {  	s1 =	srdreg.scid  }
0x8b: {  	s0 =	sand.u32 $0x1, s1  }
0x8c: {  	s16 =	sshll.u32 s0, $0xA;
	s2 =	sadd.s32 s3, s2  }
0x8d: {  	s2 =	sadd.s32 s2, s16  }
0x8e: {  	[smem:$0x3FBE] =	sst s2  }
0x8f: {  	_ = 	snop  }
0x90: {  	(tm) =	ssettm $0x1  }
0x91: {  	s17 =	sld [smem:$0x3FFB];
	_ =	sdelay $0x3  }
0x92: {  	_ =	strace s17  }
0x93: {  	s2 =	sld [smem:$0x3FFC];
	_ =	sdelay $0x3  }
0x94: {  	_ =	strace s2  }
0x95: {  	s2 =	sld [smem:$0x3FFD];
	_ =	sdelay $0x3  }
0x96: {  	_ =	strace s2  }
0x97: {  	_ =	strace $0x8FFFFFFF  }
0x98: {  	s18 =	sld [smem:$0x3FDB];
	_ =	sdelay $0x1  }
0x99: {  	s19 =	simm.s32 $_scs_section_size  }
0x9a: {  	s4 =	simm.s32 $_size__tile_overlayer_lowered;
	s5 =	simm.s32 $_tile_overlayer_lowered  }
0x9b: {  	s22 =	simm.s32 $0x1BFF;
	s21 =	sshll.u32 s5, $0x1;
	s2 =	sadd.s32 s19, s18  }
0x9c: {  	s6 =	simm.s32 $0x0;
	s20 =	sshll.u32 s4, $0x1;
	s4 =	sadd.s32 s21, s2  }
0x9d: {  	[timem:s6], [sflag:s22] =	dma.local [hbm:s4], s20  }
0x9e: {  	_ =	swait.ge [sflag:s22], s20  }
0x9f: {  	s3 =	ssub.s32 $0x0, s20;
	[sflag:s22] =	ssyncset.done $0x0  }
0xa0: {  	[sflag:s22] =	ssyncadd.s32 s3;
	_ =	sdelay $0x1  }
0xa1: {  	s23 =	simm.s32 $0x1B8B  }
0xa2: {  	_ =	swait.ge [sflag:s23], $0x1  }
0xa3: {  	[sflag:s23] =	ssyncset.done $0x0  }
0xa4: {  	s25 =	simm.s32 $0x1B8E;
	s24 =	sld [smem:$0x3FFE];
	[sflag:s23] =	ssyncadd.s32 $0xFFFFFFFF  }
0xa5: {  	s26 =	simm.s32 $execute0_lowered;
	[smem:$0x3FD2] =	sst s25  }
0xa6: {  	s4 =	sshll.u32 s26, $0x1;
	_ =	strace $0x80000049;
	[dreg:$0x1] =	wrdreg $0xFFFFFFFF  }
0xa7: {  	s28 =	simm.s32 $_size_execute0_lowered;
	s2 =	sadd.s32 s2, s4;
	[dreg:$0x0] =	wrdreg $0x0  }
0xa8: {  	s4 =	sshll.u32 s28, $0x1;
	[dreg:$0x2] =	wrdreg s2  }
0xa9: {  	[dreg:$0x3] =	wrdreg s4  }
0xaa: {  	[dreg:$0x4] =	wrdreg $0xC0  }
0xab: {  	_ =	task [dreg:s6], $0x5FFFF  }
0xac: {  	[dreg:$0x1] =	wrdreg $0xFFFFFFFF  }
0xad: {  	[dreg:$0x0] =	wrdreg $0x60  }
0xae: {  	[dreg:$0x2] =	wrdreg s24  }
0xaf: {  	[dreg:$0x3] =	wrdreg $0xF0000  }
0xb0: {  	[dreg:$0x4] =	wrdreg $0x9  }
0xb1: {  	_ =	task.clear_ibuf [dreg:s6], $0x5FFFF;
	_ =	strace $0x90000049  }
0xb2: {  	s29 =	simm.s32 $0x9;
	_ =	strace $0x8000004B  }
0xb3: {  	_ =	swait.ge [sflag:s29], $0x1  }
0xb4: {  	[sflag:s29] =	ssyncadd.s32 $0xFFFFFFFF  }
0xb5: {  	_ =	strace $0x9000004B  }
0xb6: {  	_ =	sfence  }
0xb7: {  	s30 =	sld [smem:$0x0];
	_ =	sdelay $0x2  }
0xb8: {  	s31 =	sshll.u32 s1, $0xD;
	s1 =	sshrl.u32 s1, $0x2  }
0xb9: {  	s3 =	sand.u32 $0x4000, s31;
	s1 =	sadd.s32 s1, s30  }
0xba: {  	s0 =	sor.u32 s3, s0;
	s1 =	sshll.u32 s1, $0x11  }
0xbb: {  	s0 =	sor.u32 s1, s0  }
0xbc: {  	s0 =	sadd.s32 $0x8F2B, s0  }
0xbd: {  	[sflag:s0] =	ssyncadd.remote.s32 $0x1  }
0xbe: {  	_ =	sfence.sel $0xFFFF  }
0xbf: {  	[dreg:$0x0] =	wrdreg $0xFFFFFFFF;
	(pc) =	sbr.abs _section_cstart, $3  }
0xc0: {  	[dreg:$0x1] =	wrdreg $0xFFFFFFFF  }
0xc1: {  	_ =	task.clear_ibuf [dreg:s6], $0x2FFFF;
	_ =	strace $0x9FFFFFFF  }
0xc2: {  	(tm) =	ssettm $0x7FFFFFFF  }
0xc3: {  	_ =	shalt  }
tec
execute0_lowered:
.L_overlay_start_1:
0x0: {  	(tag) =	ssettag $0x1  }
0x1: {  	s0 =	rddreg [dreg:$0x0]  }
0x2: {  	s2 =	rddreg [dreg:$0x1];
	s3 =	simm.s32 $0x0;
	s13 =	stileid.u32  }
0x3: {  	s1 =	srdreg.scid;
	s14 =	simm.s32 $0x3;
	s15 =	simm.s32 $0x80  }
0x4: {  	s16 =	simm.s32 $0x7000;
	s17 =	simm.s32 $0x7800;
	s19 =	simm.s32 $0x8000  }
0x5: {  	s21 =	simm.s32 $0x8800;
	s24 =	simm.s32 $0x1;
	s30 =	simm.s32 $0x2  }
0x6: {  	s31 =	simm.s32 $0x0;
	[smem:$0x7FF] =	sst s3;
	s25 =	smul.u32 $0x2780, s13  }
0x7: {  	s1 =	sand.u32 $0x1, s1;
	s4 =	sadd.s32 $0x15200, s0;
	s11 =	smul.u32 $0x1800, s13  }
0x8: {  	s9 =	sadd.s32 $0xB200, s0;
	s10 =	sadd.s32 $0x1200, s0;
	s29 =	smul.u32 $0x700, s13  }
0x9: {  	s26 =	sshll.u32 s13, $0x6;
	_ =	strace $0x8000004A;
	s5 =	smul.u32 $0x27800, s1  }
0xa: {  	s7 =	ssub.s32 $0x2, s1;
	p0 =	sne.s32 s1, $0x0;
	s6 =	sshrl.u32 s25, $0x3  }
0xb: {  	s8 =	sshrl.u32 s7, $0x1;
	s3 =	sadd.s32 s25, s2;
	s28 =	sshrl.u32 s11, $0x3  }
0xc: {  	s6 =	sadd.s32 s6, s0;
	s5 =	sadd.s32 s25, s5;
	s12 =	ssub.s32 s7, s8  }
0xd: {  	s8 =	sadd.s32 $0x7000, s28;
	s13 =	sshrl.u32 s3, $0x3;
	s5 =	sshrl.u32 s5, $0x3  }
0xe: {  	s7 =	sadd.s32 s9, s8;
	s8 =	sadd.s32 s10, s8;
	s9 =	sadd.s32 s9, s29  }
0xf: {  	s10 =	sadd.s32 s10, s29;
	s12 =	smax.u32 s12, $0x1;
	s0 =	sadd.s32 s5, s0  }
0x10: {  	s5 =	sadd.s32 $0x1A200, s6;
	s6 =	sor.u32 $0x1C03, s26;
	s11 =	sadd.s32 $0x1F200, s0  }
.LBB2_1:
0x11: {  	[spmem:s13], [sflag:s6] =	dma.local [hbm:s5], $0x4F0  }
0x12: {  	_ =	swait.ge [sflag:s14], $0x4F0  }
0x13: {  	[sflag:s14] =	ssyncset.done $0x0  }
0x14: {  	s0 =	simm.s32 @p0 $0x0;
	s1 =	simm.s32 @p0 $0x3;
	[sflag:s14] =	ssyncadd.s32 $0xFFFFFB10  }
0x15: {  	[tilespmem:s0], [sflag:$0x3] =	stream.linear.gather @p0 [hbm4b:s7+s0], $0x1800, $0x38;
	[tilespmem:$0x11780] =	vst v63  }
0x16: {  	_ =	swait.ge @p0 [sflag:s1], $0x1800  }
0x17: {  	[sflag:s1] =	ssyncset.done @p0 $0x0  }
0x18: {  	s3 =	simm.s32 @p0 $0x3800;
	[sflag:s1] =	ssyncadd.s32 @p0 $0xFFFFE800  }
0x19: {  	[tilespmem:s3], [sflag:$0x3] =	stream.linear.gather @p0 [hbm4b:s8+s0], $0x1800, $0x38;
	[tilespmem:$0x11780] =	vst v63  }
0x1a: {  	_ =	swait.ge @p0 [sflag:s1], $0x1800  }
0x1b: {  	[sflag:s1] =	ssyncset.done @p0 $0x0  }
0x1c: {  	s0 =	simm.s32 @!p0 $0x0;
	[sflag:s1] =	ssyncadd.s32 @p0 $0xFFFFE800;
	s1 =	simm.s32 @!p0 $0x3  }
0x1d: {  	[tilespmem:s0], [sflag:$0x3] =	stream.linear.gather @!p0 [hbm4b:s9+s0], $0x3800, $0x38;
	[tilespmem:$0x11780] =	vst v63  }
0x1e: {  	_ =	swait.ge @!p0 [sflag:s1], $0x3800  }
0x1f: {  	[sflag:s1] =	ssyncset.done @!p0 $0x0  }
0x20: {  	s3 =	simm.s32 @!p0 $0x3800;
	[sflag:s1] =	ssyncadd.s32 @!p0 $0xFFFFC800  }
0x21: {  	[tilespmem:s3], [sflag:$0x3] =	stream.linear.gather @!p0 [hbm4b:s10+s0], $0x3800, $0x38;
	[tilespmem:$0x11780] =	vst v63  }
0x22: {  	_ =	swait.ge @!p0 [sflag:s1], $0x3800  }
0x23: {  	[sflag:s1] =	ssyncset.done @!p0 $0x0  }
0x24: {  	[sflag:s1] =	ssyncadd.s32 @!p0 $0xFFFFC800  }
0x25: {  	s26 =	simm.s32 $0x0;
	[bflag:$0x0] =	sbarrier.arrive $0xFFFF  }
0x26: {  	[tilespmem:s16], [sflag:$0x1] =	stream.indirect.gather [hbm4b:s4+s15], $0x10, s26, s15, $0xb8;
	[tilespmem:$0x11780] =	vst v63  }
0x27: {  	_ = 	snop  }
0x28: {  	[tilespmem:s17], [sflag:$0x1] =	stream.indirect.gather [hbm4b:s4+s15], $0x10, s15, s15, $0xb8;
	[tilespmem:$0x11780] =	vst v63  }
0x29: {  	s28 =	simm.s32 $0x100  }
0x2a: {  	[tilespmem:s19], [sflag:$0x1] =	stream.indirect.gather [hbm4b:s4+s15], $0x10, s28, s15, $0xb8;
	[tilespmem:$0x11780] =	vst v63  }
0x2b: {  	s29 =	simm.s32 $0x180  }
0x2c: {  	[tilespmem:s21], [sflag:$0x1] =	stream.indirect.gather [hbm4b:s4+s15], $0x10, s29, s15, $0xb8;
	[tilespmem:$0x11780] =	vst v63  }
0x2d: {  	s3 =	simm.s32 $0x9000;
	s1 =	simm.s32 $0x200  }
0x2e: {  	[tilespmem:s3], [sflag:$0x1] =	stream.indirect.gather [hbm4b:s4+s15], $0x10, s1, s15, $0xb8;
	[tilespmem:$0x11780] =	vst v63  }
0x2f: {  	s18 =	simm.s32 $0x280;
	s20 =	simm.s32 $0x9800  }
0x30: {  	[tilespmem:s20], [sflag:$0x1] =	stream.indirect.gather [hbm4b:s4+s15], $0x10, s18, s15, $0xb8;
	[tilespmem:$0x11780] =	vst v63  }
0x31: {  	s22 =	simm.s32 $0x300;
	s23 =	simm.s32 $0xA000  }
0x32: {  	[tilespmem:s23], [sflag:$0x1] =	stream.indirect.gather [hbm4b:s4+s15], $0x10, s22, s15, $0xb8;
	[tilespmem:$0x11780] =	vst v63  }
0x33: {  	s25 =	simm.s32 $0x380;
	s26 =	simm.s32 $0xA800  }
0x34: {  	[tilespmem:s26], [sflag:$0x1] =	stream.indirect.gather [hbm4b:s4+s15], $0x10, s25, s15, $0xb8;
	[tilespmem:$0x11780] =	vst v63  }
0x35: {  	s28 =	simm.s32 $0x400;
	s29 =	simm.s32 $0xB000  }
0x36: {  	[tilespmem:s29], [sflag:$0x1] =	stream.indirect.gather [hbm4b:s4+s15], $0x10, s28, s15, $0xb8;
	[tilespmem:$0x11780] =	vst v63  }
0x37: {  	s3 =	simm.s32 $0x480;
	s18 =	simm.s32 $0xB800  }
0x38: {  	[tilespmem:s18], [sflag:$0x1] =	stream.indirect.gather [hbm4b:s4+s15], $0x10, s3, s15, $0xb8;
	[tilespmem:$0x11780] =	vst v63  }
0x39: {  	s20 =	simm.s32 $0x500;
	s22 =	simm.s32 $0xC000  }
0x3a: {  	[tilespmem:s22], [sflag:$0x1] =	stream.indirect.gather [hbm4b:s4+s15], $0x10, s20, s15, $0xb8;
	[tilespmem:$0x11780] =	vst v63  }
0x3b: {  	s23 =	simm.s32 $0x580;
	s25 =	simm.s32 $0xC800  }
0x3c: {  	[tilespmem:s25], [sflag:$0x1] =	stream.indirect.gather [hbm4b:s4+s15], $0x10, s23, s15, $0xb8;
	[tilespmem:$0x11780] =	vst v63  }
0x3d: {  	_ =	swait.ge [sflag:s24], $0x800  }
0x3e: {  	[sflag:s24] =	ssyncset.done $0x0  }
0x3f: {  	[sflag:s24] =	ssyncadd.s32 $0xFFFFF800  }
0x40: {  	_ =	swait.ge [sflag:s24], $0x800  }
0x41: {  	[sflag:s24] =	ssyncset.done $0x0  }
0x42: {  	[sflag:s24] =	ssyncadd.s32 $0xFFFFF800  }
0x43: {  	_ =	swait.ge [sflag:s24], $0x800  }
0x44: {  	[sflag:s24] =	ssyncset.done $0x0  }
0x45: {  	[sflag:s24] =	ssyncadd.s32 $0xFFFFF800  }
0x46: {  	_ =	swait.ge [sflag:s24], $0x800  }
0x47: {  	s0 =	simm.s32 @!p0 $0x1C;
	[sflag:s24] =	ssyncset.done $0x0  }
0x48: {  	s0 =	simm.s32 @p0 $0xC;
	s26 =	simm.s32 $0x3800;
	[sflag:s24] =	ssyncadd.s32 $0xFFFFF800  }
0x49: {  	[spmem:s2] =	stream.indirect.scatter.add.f32 [tilespmem:s16], [sflag:$0x2], $0x10, s26, s15, $0xb8;
	[tilespmem:$0x11780] =	vst v63  }
0x4a: {  	s28 =	simm.s32 $0x3880;
	s18 =	sshll.u32 s0, $0xB  }
0x4b: {  	[spmem:s2] =	stream.indirect.scatter.add.f32 [tilespmem:s17], [sflag:$0x2], $0x10, s28, s15, $0xb8;
	[tilespmem:$0x11780] =	vst v63  }
0x4c: {  	s29 =	simm.s32 $0x3900;
	s1 =	sadd.s32 $0xFFFFF800, s18  }
0x4d: {  	[spmem:s2] =	stream.indirect.scatter.add.f32 [tilespmem:s19], [sflag:$0x2], $0x10, s29, s15, $0xb8;
	[tilespmem:$0x11780] =	vst v63  }
0x4e: {  	s3 =	simm.s32 $0x3980;
	[dreg:$0x3] =	wrdreg s1  }
0x4f: {  	[spmem:s2] =	stream.indirect.scatter.add.f32 [tilespmem:s21], [sflag:$0x2], $0x10, s3, s15, $0xb8;
	[tilespmem:$0x11780] =	vst v63  }
0x50: {  	_ =	swait.ge [sflag:s30], $0x800  }
0x51: {  	[sflag:s30] =	ssyncset.done $0x0  }
0x52: {  	[sflag:s30] =	ssyncadd.s32 $0xFFFFF800  }
0x53: {  	_ =	swait.ge [sflag:s30], $0x800  }
0x54: {  	[sflag:s30] =	ssyncset.done $0x0  }
0x55: {  	[sflag:s30] =	ssyncadd.s32 $0xFFFFF800  }
0x56: {  	_ =	swait.ge [sflag:s30], $0x800  }
0x57: {  	[sflag:s30] =	ssyncset.done $0x0  }
0x58: {  	p1 =	sle.u32 s0, $0x3;
	[sflag:s30] =	ssyncadd.s32 $0xFFFFF800  }
0x59: {  	s1 =	simm.s32 @!p1 $0x6000;
	_ =	swait.ge [sflag:s30], $0x800  }
0x5a: {  	s20 =	simm.s32 @!p1 $0x80;
	s1 =	sand.u32 @!p1 $0x6000, s1;
	[sflag:s30] =	ssyncset.done $0x0  }
0x5b: {  	s18 =	sadd.s32 @!p1 $0x7000, s1;
	s3 =	simm.s32 @!p1 $0x600;
	[sflag:s30] =	ssyncadd.s32 $0xFFFFF800  }
0x5c: {  	[tilespmem:s18], [sflag:$0x1] =	stream.indirect.gather @!p1 [hbm4b:s4+s20], $0x10, s3, s20, $0xb8;
	[tilespmem:$0x11780] =	vst v63  }
0x5d: {  	s3 =	sadd.s32 @!p1 $0x7800, s1;
	s18 =	simm.s32 @!p1 $0x680  }
0x5e: {  	[tilespmem:s3], [sflag:$0x1] =	stream.indirect.gather @!p1 [hbm4b:s4+s20], $0x10, s18, s20, $0xb8;
	[tilespmem:$0x11780] =	vst v63  }
0x5f: {  	s3 =	sor.u32 @!p1 $0x8000, s1;
	s18 =	simm.s32 @!p1 $0x700  }
0x60: {  	[tilespmem:s3], [sflag:$0x1] =	stream.indirect.gather @!p1 [hbm4b:s4+s20], $0x10, s18, s20, $0xb8;
	[tilespmem:$0x11780] =	vst v63  }
0x61: {  	s1 =	sor.u32 @!p1 $0x8800, s1;
	s3 =	simm.s32 @!p1 $0x780  }
0x62: {  	[tilespmem:s1], [sflag:$0x1] =	stream.indirect.gather @!p1 [hbm4b:s4+s20], $0x10, s3, s20, $0xb8;
	[tilespmem:$0x11780] =	vst v63  }
0x63: {  	_ =	swait.ge [sflag:s24], $0x800  }
0x64: {  	[sflag:s24] =	ssyncset.done $0x0  }
0x65: {  	[sflag:s24] =	ssyncadd.s32 $0xFFFFF800  }
0x66: {  	_ =	swait.ge [sflag:s24], $0x800  }
0x67: {  	[sflag:s24] =	ssyncset.done $0x0  }
0x68: {  	[sflag:s24] =	ssyncadd.s32 $0xFFFFF800  }
0x69: {  	_ =	swait.ge [sflag:s24], $0x800  }
0x6a: {  	[sflag:s24] =	ssyncset.done $0x0  }
0x6b: {  	s22 =	simm.s32 $0x3A00;
	s20 =	simm.s32 $0x8000;
	[sflag:s24] =	ssyncadd.s32 $0xFFFFF800  }
0x6c: {  	s26 =	simm.s32 $0x3A80;
	s1 =	sand.u32 $0x18000, s20;
	_ =	swait.ge [sflag:s24], $0x800  }
0x6d: {  	s18 =	sshrl.u32 s1, $0x2;
	[sflag:s24] =	ssyncset.done $0x0;
	s23 =	rddreg [dreg:$0x3]  }
0x6e: {  	s1 =	sadd.s32 $0x7000, s18;
	[sflag:s24] =	ssyncadd.s32 $0xFFFFF800;
	p1 =	sne.s32 s23, $0x800  }
0x6f: {  	[spmem:s2] =	stream.indirect.scatter.add.f32 [tilespmem:s1], [sflag:$0x2], $0x10, s22, s15, $0xb8;
	[tilespmem:$0x11780] =	vst v63  }
.Ltmp0:
0x70: {  	s29 =	simm.s32 $0x3B00;
	s3 =	simm.s32 $0x4;
	(pc) =	sbr.rel @!p1 .LBB2_3-.Ltmp0, $4  }
0x71: {  	s25 =	sadd.s32 $0x7800, s18;
	s28 =	sor.u32 $0x8000, s18;
	s20 =	sor.u32 $0x8800, s18  }
0x72: {  	[spmem:s2] =	stream.indirect.scatter.add.f32 [tilespmem:s25], [sflag:$0x2], $0x10, s26, s15, $0xb8;
	[tilespmem:$0x11780] =	vst v63  }
0x73: {  	s18 =	simm.s32 $0x20000;
	s1 =	simm.s32 $0x800;
	s22 =	simm.s32 $0x3B80  }
0x74: {  	[spmem:s2] =	stream.indirect.scatter.add.f32 [tilespmem:s28], [sflag:$0x2], $0x10, s29, s15, $0xb8;
	[tilespmem:$0x11780] =	vst v63  }
.LBB2_2:
0x75: {  	[spmem:s2] =	stream.indirect.scatter.add.f32 [tilespmem:s20], [sflag:$0x2], $0x10, s22, s15, $0xb8;
	[tilespmem:$0x11780] =	vst v63  }
0x76: {  	_ =	swait.ge [sflag:s30], $0x800  }
0x77: {  	[sflag:s30] =	ssyncset.done $0x0  }
0x78: {  	[sflag:s30] =	ssyncadd.s32 $0xFFFFF800  }
0x79: {  	_ =	swait.ge [sflag:s30], $0x800  }
0x7a: {  	[sflag:s30] =	ssyncset.done $0x0  }
0x7b: {  	[sflag:s30] =	ssyncadd.s32 $0xFFFFF800  }
0x7c: {  	_ =	swait.ge [sflag:s30], $0x800  }
0x7d: {  	[sflag:s30] =	ssyncset.done $0x0  }
0x7e: {  	s20 =	smov.u32 s1;
	p1 =	sge.u32 s3, s0;
	[sflag:s30] =	ssyncadd.s32 $0xFFFFF800  }
0x7f: {  	s22 =	sshrl.u32 @!p1 s18, $0x2;
	s23 =	sshra.s32 @!p1 s20, $0x2;
	_ =	swait.ge [sflag:s30], $0x800  }
0x80: {  	s28 =	simm.s32 @!p1 $0x80;
	s22 =	sand.u32 @!p1 $0x6000, s22;
	[sflag:s30] =	ssyncset.done $0x0  }
0x81: {  	s25 =	sadd.s32 @!p1 $0x600, s23;
	s26 =	sadd.s32 @!p1 $0x7000, s22;
	[sflag:s30] =	ssyncadd.s32 $0xFFFFF800  }
0x82: {  	[tilespmem:s26], [sflag:$0x1] =	stream.indirect.gather @!p1 [hbm4b:s4+s28], $0x10, s25, s28, $0xb8;
	[tilespmem:$0x11780] =	vst v63  }
0x83: {  	s25 =	sadd.s32 @!p1 $0x7800, s22;
	s26 =	sadd.s32 @!p1 $0x680, s23  }
0x84: {  	[tilespmem:s25], [sflag:$0x1] =	stream.indirect.gather @!p1 [hbm4b:s4+s28], $0x10, s26, s28, $0xb8;
	[tilespmem:$0x11780] =	vst v63  }
0x85: {  	s29 =	sor.u32 @!p1 $0x8000, s22;
	s25 =	sadd.s32 @!p1 $0x700, s23  }
0x86: {  	[tilespmem:s29], [sflag:$0x1] =	stream.indirect.gather @!p1 [hbm4b:s4+s28], $0x10, s25, s28, $0xb8;
	[tilespmem:$0x11780] =	vst v63  }
0x87: {  	s22 =	sor.u32 @!p1 $0x8800, s22;
	s23 =	sadd.s32 @!p1 $0x780, s23  }
0x88: {  	[tilespmem:s22], [sflag:$0x1] =	stream.indirect.gather @!p1 [hbm4b:s4+s28], $0x10, s23, s28, $0xb8;
	[tilespmem:$0x11780] =	vst v63  }
0x89: {  	_ =	swait.ge [sflag:s24], $0x800  }
0x8a: {  	[sflag:s24] =	ssyncset.done $0x0  }
0x8b: {  	[sflag:s24] =	ssyncadd.s32 $0xFFFFF800  }
0x8c: {  	_ =	swait.ge [sflag:s24], $0x800  }
0x8d: {  	[sflag:s24] =	ssyncset.done $0x0  }
0x8e: {  	[sflag:s24] =	ssyncadd.s32 $0xFFFFF800  }
0x8f: {  	_ =	swait.ge [sflag:s24], $0x800  }
0x90: {  	s26 =	sadd.s32 $0xFFFF0000, s18;
	[sflag:s24] =	ssyncset.done $0x0  }
0x91: {  	s1 =	sadd.s32 $0x800, s1;
	s22 =	sand.u32 $0x18000, s26;
	[sflag:s24] =	ssyncadd.s32 $0xFFFFF800  }
0x92: {  	s23 =	sshra.s32 s20, $0x2;
	s20 =	sshrl.u32 s22, $0x2;
	_ =	swait.ge [sflag:s24], $0x800  }
0x93: {  	s29 =	sadd.s32 $0x3A00, s23;
	[sflag:s24] =	ssyncset.done $0x0;
	s22 =	rddreg [dreg:$0x3]  }
0x94: {  	s28 =	sadd.s32 $0x7000, s20;
	[sflag:s24] =	ssyncadd.s32 $0xFFFFF800;
	p1 =	sne.s32 s22, s1  }
0x95: {  	[spmem:s2] =	stream.indirect.scatter.add.f32 [tilespmem:s28], [sflag:$0x2], $0x10, s29, s15, $0xb8;
	[tilespmem:$0x11780] =	vst v63  }
.Ltmp1:
0x96: {  	s3 =	sadd.s32 $0x1, s3;
	s18 =	sadd.s32 $0x8000, s18;
	(pc) =	sbr.rel @p1 .LBB2_2-.Ltmp1, $4  }
0x97: {  	s22 =	sadd.s32 $0x3B80, s23;
	s28 =	sadd.s32 $0x7800, s20;
	s29 =	sadd.s32 $0x3A80, s23  }
0x98: {  	[spmem:s2] =	stream.indirect.scatter.add.f32 [tilespmem:s28], [sflag:$0x2], $0x10, s29, s15, $0xb8;
	[tilespmem:$0x11780] =	vst v63  }
0x99: {  	s28 =	sor.u32 $0x8000, s20;
	s29 =	sadd.s32 $0x3B00, s23;
	s20 =	sor.u32 $0x8800, s20  }
0x9a: {  	[spmem:s2] =	stream.indirect.scatter.add.f32 [tilespmem:s28], [sflag:$0x2], $0x10, s29, s15, $0xb8;
	[tilespmem:$0x11780] =	vst v63  }
.LBB2_3:
0x9b: {  	[spmem:s2] =	stream.indirect.scatter.add.f32 [tilespmem:s20], [sflag:$0x2], $0x10, s22, s15, $0xb8;
	[tilespmem:$0x11780] =	vst v63  }
0x9c: {  	_ =	swait.ge [sflag:s30], $0x800  }
0x9d: {  	[sflag:s30] =	ssyncset.done $0x0  }
0x9e: {  	[sflag:s30] =	ssyncadd.s32 $0xFFFFF800  }
0x9f: {  	_ =	swait.ge [sflag:s30], $0x800  }
0xa0: {  	[sflag:s30] =	ssyncset.done $0x0  }
0xa1: {  	[sflag:s30] =	ssyncadd.s32 $0xFFFFF800  }
0xa2: {  	_ =	swait.ge [sflag:s30], $0x800  }
0xa3: {  	[sflag:s30] =	ssyncset.done $0x0  }
0xa4: {  	[sflag:s30] =	ssyncadd.s32 $0xFFFFF800  }
0xa5: {  	_ =	swait.ge [sflag:s30], $0x800  }
0xa6: {  	s31 =	sadd.s32 $0x1, s31;
	[sflag:s30] =	ssyncset.done $0x0  }
0xa7: {  	p1 =	sne.s32 s31, s12;
	[sflag:s30] =	ssyncadd.s32 $0xFFFFF800  }
.Ltmp2:
0xa8: {  	[bflag:$0x0] =	sbarrier.arrive $0xFFFF;
	(pc) =	sbr.rel @p1 .LBB2_1-.Ltmp2, $4  }
0xa9: {  	[hbm:s11], [sflag:s6] =	dma.local [spmem:s13], $0x4F0  }
0xaa: {  	_ =	swait.ge [sflag:s14], $0x4F0  }
0xab: {  	[sflag:s14] =	ssyncset.done $0x0  }
0xac: {  	[sflag:s14] =	ssyncadd.s32 $0xFFFFFB10  }
0xad: {  	_ =	sfence.sel $0x180000  }
0xae: {  	[bflag:$0x0] =	sbarrier.arrive $0xFFFF  }
0xaf: {  	_ =	strace $0x9000004A  }
0xb0: {  	s0 =	stileid.u32;
	[bflag:$0x2] =	sbarrier.arrive $0xFFFF  }
0xb1: {  	p0 =	sne.s32 s0, $0x0;
	s0 =	rddreg [dreg:$0x2]  }
0xb2: {  	s0 =	sadd.s32 @!p0 $0x100000, s0  }
0xb3: {  	[sflag:s0] =	ssyncadd.tile.s32 @!p0 $0x1;
	_ =	shalt  }
.Lfunc_end2:
_tile_overlayer_lowered:
.L_overlay_start_2:
0xb4: {  	(tag) =	ssettag $0x2  }
0xb5: {  	s0 =	rddreg [dreg:$0x0];
	s2 =	stileid.u32  }
0xb6: {  	s1 =	rddreg [dreg:$0x1];
	p0 =	sne.s32 s2, $0x0  }
0xb7: {  	s3 =	rddreg [dreg:$0x2];
	[bflag:$0x3] =	sbarrier.arrive $0xFFFF;
	s2 =	simm.s32 @!p0 $0x1C03  }
0xb8: {  	[timem:s3], [sflag:s2] =	dma.local @!p0 [hbm:s0], s1  }
0xb9: {  	s0 =	simm.s32 @!p0 $0x3  }
0xba: {  	_ =	swait.ge @!p0 [sflag:s0], s1  }
0xbb: {  	s1 =	ssub.s32 @!p0 $0x0, s1;
	[sflag:s0] =	ssyncset.done @!p0 $0x0  }
0xbc: {  	[sflag:s0] =	ssyncadd.s32 @!p0 s1  }
0xbd: {  	[bflag:$0x3] =	sbarrier.arrive $0xFFFF  }
0xbe: {  	_ =	shalt  }

// kernel: kernel.7.cloned.1.call-start
scs
__scs_entry_jumppad:
0x0: {  	(pc) =	sbr.rel $0x88, $3  }
0x1: {  	(tag) =	ssettag $0x0;
	lr =	simm.s32 $0x1  }
0x2: {  	[smem:$0x3F97] =	sst lr;
	_ =	strace $0xD0000000  }
0x3: {  	_ = 	snop  }
0x4: {  	_ = 	snop  }
0x5: {  	_ = 	snop  }
0x6: {  	_ = 	snop  }
0x7: {  	_ = 	snop  }
__scs_overlays_trampoline_lowered:
0x8: {  	[smem:$0x3FA6] =	sst s0  }
0x9: {  	[smem:$0x3FA7] =	sst s1  }
0xa: {  	[smem:$0x3FA8] =	sst s2  }
0xb: {  	[smem:$0x3FA9] =	sst s3  }
0xc: {  	[smem:$0x3FAA] =	sst s4  }
0xd: {  	[smem:$0x3FAB] =	sst s5  }
0xe: {  	[smem:$0x3FAC] =	sst s6  }
0xf: {  	[smem:$0x3FAD] =	sst s7  }
0x10: {  	[smem:$0x3FAE] =	sst s8  }
0x11: {  	[smem:$0x3FAF] =	sst s9;
	s0 =	simm.s32 @!p0 $0x0  }
0x12: {  	s1 =	sld [smem:$0x3F95];
	s0 =	simm.s32 @p0 $0x1  }
0x13: {  	[smem:$0x3FB0] =	sst s0;
	s0 =	simm.s32 @!p1 $0x0  }
0x14: {  	s2 =	sld [smem:$0x3F94];
	s0 =	simm.s32 @p1 $0x1  }
0x15: {  	[smem:$0x3FB1] =	sst s0;
	s0 =	simm.s32 @!p2 $0x0  }
0x16: {  	s3 =	sld [smem:$0x3FDB];
	s0 =	simm.s32 @p2 $0x1  }
0x17: {  	s4 =	simm.s32 $0x1BF5;
	[smem:$0x3FB3] =	sst s0  }
0x18: {  	s0 =	sld [smem:$0x3F96];
	_ =	swait.ge [sflag:s4], $0x0  }
0x19: {  	s7 =	sld [smem:$0x3F97]  }
0x1a: {  	s8 =	sadd.s32 $0xFFFFE003, lr  }
0x1b: {  	s9 =	sadd.s32 $0xFFFFFEF7, lr;
	s5 =	simm.s32 $0xFFFFFFFF;
	p2 =	slt.u32 s8, $0xFFFFF086  }
0x1c: {  	p1 =	slt.u32 s9, $0xF7A;
	s5 =	simm.s32 @!p2 $0x0  }
0x1d: {  	s5 =	simm.s32 @p1 $0x1;
	p0 =	seq.s32 s7, s2  }
0x1e: {  	s7 =	smul.u32 @!p0 $0xF7A, s2;
	p2 =	seq.s32 @!p0 s5, $0x0  }
0x1f: {  	s9 =	smul.u32 $0xF7A, s1;
	s8 =	simm.s32 @!p0 $0x1BF5;
	p2 =	por !p2, p0  }
0x20: {  	[sflag:s8] =	ssyncset.s32 @!p0 $0xFFFFF086;
	s6 =	sadd.s32 @!p0 s3, s7;
	s7 =	simm.s32 @!p0 $0x108  }
0x21: {  	s3 =	sadd.s32 s3, s9;
	s6 =	sadd.s32 @!p0 $0x88, s6;
	s7 =	simm.s32 @p2 $0x1082  }
0x22: {  	[simem:s7], [sflag:s8] =	dma.local @!p0 [hbm:s6], $0xF7A  }
0x23: {  	s9 =	sor.u32 $0xD0000000, s2;
	s6 =	simm.s32 $0x108;
	_ =	swait.ge @!p0 [sflag:s8], $0x0  }
0x24: {  	s3 =	sadd.s32 $0x88, s3;
	s6 =	simm.s32 @!p1 $0x1082;
	[sflag:s4] =	ssyncset.s32 $0xFFFFF086  }
0x25: {  	[simem:s6], [sflag:s4] =	dma.local [hbm:s3], $0xF7A  }
0x26: {  	[smem:$0x3F97] =	sst s1;
	(tag) =	ssettag s2;
	_ =	strace s9  }
0x27: {  	s1 =	sld [smem:$0x3FA7]  }
0x28: {  	s2 =	sld [smem:$0x3FA8]  }
0x29: {  	s4 =	sld [smem:$0x3FAA]  }
0x2a: {  	p0 =	seq.s32 s5, $0x0;
	s5 =	sld [smem:$0x3FAB]  }
0x2b: {  	s6 =	sld [smem:$0x3FAC]  }
0x2c: {  	s7 =	sld [smem:$0x3FAD]  }
0x2d: {  	s3 =	simm.s32 $0x108;
	s8 =	sld [smem:$0x3FAE]  }
0x2e: {  	s3 =	simm.s32 @!p0 $0x1082;
	s9 =	sld [smem:$0x3FAF]  }
0x2f: {  	lr =	sadd.s32 s0, s3;
	s0 =	sld [smem:$0x3FA6]  }
0x30: {  	s3 =	sld [smem:$0x3FA9]  }
0x31: {  	[smem:$0x3FB2] =	sst s10  }
0x32: {  	s10 =	sld [smem:$0x3FB0];
	_ =	sdelay $0x3  }
0x33: {  	p0 =	seq.s32 s10, $0x1;
	s10 =	sld [smem:$0x3FB2];
	_ =	sdelay $0x3  }
0x34: {  	[smem:$0x3FB2] =	sst s10  }
0x35: {  	s10 =	sld [smem:$0x3FB1];
	_ =	sdelay $0x3  }
0x36: {  	p1 =	seq.s32 s10, $0x1;
	s10 =	sld [smem:$0x3FB2];
	_ =	sdelay $0x3  }
0x37: {  	[smem:$0x3FB2] =	sst s10  }
0x38: {  	s10 =	sld [smem:$0x3FB3]  }
0x39: {  	_ = 	snop;
	(pc) =	sbr.ind lr, $3  }
0x3a: {  	_ = 	snop  }
0x3b: {  	_ = 	snop  }
0x3c: {  	p2 =	seq.s32 s10, $0x1;
	s10 =	sld [smem:$0x3FB2]  }
0x3d: {  	_ =	shalt  }
0x3e: {  	_ =	shalt  }
0x3f: {  	_ =	shalt  }
0x40: {  	_ =	shalt  }
0x41: {  	_ =	shalt  }
0x42: {  	_ =	shalt  }
0x43: {  	_ =	shalt  }
0x44: {  	_ =	shalt  }
0x45: {  	_ =	shalt  }
0x46: {  	_ =	shalt  }
0x47: {  	_ =	shalt  }
0x48: {  	_ =	shalt  }
0x49: {  	_ =	shalt  }
0x4a: {  	_ =	shalt  }
0x4b: {  	_ =	shalt  }
0x4c: {  	_ =	shalt  }
0x4d: {  	_ =	shalt  }
0x4e: {  	_ =	shalt  }
0x4f: {  	_ =	shalt  }
0x50: {  	_ =	shalt  }
0x51: {  	_ =	shalt  }
0x52: {  	_ =	shalt  }
0x53: {  	_ =	shalt  }
0x54: {  	_ =	shalt  }
0x55: {  	_ =	shalt  }
0x56: {  	_ =	shalt  }
0x57: {  	_ =	shalt  }
0x58: {  	_ =	shalt  }
0x59: {  	_ =	shalt  }
0x5a: {  	_ =	shalt  }
0x5b: {  	_ =	shalt  }
0x5c: {  	_ =	shalt  }
0x5d: {  	_ =	shalt  }
0x5e: {  	_ =	shalt  }
0x5f: {  	_ =	shalt  }
0x60: {  	_ =	shalt  }
0x61: {  	_ =	shalt  }
0x62: {  	_ =	shalt  }
0x63: {  	_ =	shalt  }
0x64: {  	_ =	shalt  }
0x65: {  	_ =	shalt  }
0x66: {  	_ =	shalt  }
0x67: {  	_ =	shalt  }
0x68: {  	_ =	shalt  }
0x69: {  	_ =	shalt  }
0x6a: {  	_ =	shalt  }
0x6b: {  	_ =	shalt  }
0x6c: {  	_ =	shalt  }
0x6d: {  	_ =	shalt  }
0x6e: {  	_ =	shalt  }
0x6f: {  	_ =	shalt  }
0x70: {  	_ =	shalt  }
0x71: {  	_ =	shalt  }
0x72: {  	_ =	shalt  }
0x73: {  	_ =	shalt  }
0x74: {  	_ =	shalt  }
0x75: {  	_ =	shalt  }
0x76: {  	_ =	shalt  }
0x77: {  	_ =	shalt  }
0x78: {  	_ =	shalt  }
0x79: {  	_ =	shalt  }
0x7a: {  	_ =	shalt  }
0x7b: {  	_ =	shalt  }
0x7c: {  	_ =	shalt  }
0x7d: {  	_ =	shalt  }
0x7e: {  	_ =	shalt  }
0x7f: {  	_ =	shalt  }
0x80: {  	_ =	shalt  }
0x81: {  	_ =	shalt  }
0x82: {  	_ =	shalt  }
0x83: {  	_ =	shalt  }
0x84: {  	_ =	shalt  }
0x85: {  	_ =	shalt  }
0x86: {  	_ =	shalt  }
0x87: {  	_ =	shalt  }
.Lfunc_end0:
.L_simem_size_0:
called_computation_lowered:
.L_overlay_start_0:
0x88: {  	s2 =	sld [smem:$0x3FD9]  }
0x89: {  	s3 =	sld [smem:$0x3FFE];
	_ =	sdelay $0x1  }
0x8a: {  	s1 =	srdreg.scid  }
0x8b: {  	s0 =	sand.u32 $0x1, s1  }
0x8c: {  	s16 =	sshll.u32 s0, $0xA;
	s2 =	sadd.s32 s3, s2  }
0x8d: {  	s2 =	sadd.s32 s2, s16  }
0x8e: {  	[smem:$0x3FBE] =	sst s2  }
0x8f: {  	_ = 	snop  }
0x90: {  	(tm) =	ssettm $0x1  }
0x91: {  	s17 =	sld [smem:$0x3FFB];
	_ =	sdelay $0x3  }
0x92: {  	_ =	strace s17  }
0x93: {  	s2 =	sld [smem:$0x3FFC];
	_ =	sdelay $0x3  }
0x94: {  	_ =	strace s2  }
0x95: {  	s2 =	sld [smem:$0x3FFD];
	_ =	sdelay $0x3  }
0x96: {  	_ =	strace s2  }
0x97: {  	_ =	strace $0x8FFFFFFF  }
0x98: {  	s18 =	sld [smem:$0x3FDB];
	_ =	sdelay $0x1  }
0x99: {  	s19 =	simm.s32 $_scs_section_size  }
0x9a: {  	s4 =	simm.s32 $_size__tile_overlayer_lowered;
	s5 =	simm.s32 $_tile_overlayer_lowered  }
0x9b: {  	s22 =	simm.s32 $0x1BFF;
	s21 =	sshll.u32 s5, $0x1;
	s2 =	sadd.s32 s19, s18  }
0x9c: {  	s6 =	simm.s32 $0x0;
	s20 =	sshll.u32 s4, $0x1;
	s4 =	sadd.s32 s21, s2  }
0x9d: {  	[timem:s6], [sflag:s22] =	dma.local [hbm:s4], s20  }
0x9e: {  	_ =	swait.ge [sflag:s22], s20  }
0x9f: {  	s3 =	ssub.s32 $0x0, s20;
	[sflag:s22] =	ssyncset.done $0x0  }
0xa0: {  	[sflag:s22] =	ssyncadd.s32 s3;
	_ =	sdelay $0x1  }
0xa1: {  	s23 =	simm.s32 $0x1B8B  }
0xa2: {  	_ =	swait.ge [sflag:s23], $0x1  }
0xa3: {  	[sflag:s23] =	ssyncset.done $0x0  }
0xa4: {  	s25 =	simm.s32 $0x1B8E;
	s24 =	sld [smem:$0x3FFE];
	[sflag:s23] =	ssyncadd.s32 $0xFFFFFFFF  }
0xa5: {  	s26 =	simm.s32 $execute0_lowered;
	[smem:$0x3FD2] =	sst s25  }
0xa6: {  	s4 =	sshll.u32 s26, $0x1;
	_ =	strace $0x80000046;
	[dreg:$0x1] =	wrdreg $0xFFFFFFFF  }
0xa7: {  	s28 =	simm.s32 $_size_execute0_lowered;
	s2 =	sadd.s32 s2, s4;
	[dreg:$0x0] =	wrdreg $0x0  }
0xa8: {  	s4 =	sshll.u32 s28, $0x1;
	[dreg:$0x2] =	wrdreg s2  }
0xa9: {  	[dreg:$0x3] =	wrdreg s4  }
0xaa: {  	[dreg:$0x4] =	wrdreg $0xC0  }
0xab: {  	_ =	task [dreg:s6], $0x5FFFF  }
0xac: {  	[dreg:$0x1] =	wrdreg $0xFFFFFFFF  }
0xad: {  	[dreg:$0x0] =	wrdreg $0x60  }
0xae: {  	[dreg:$0x2] =	wrdreg s24  }
0xaf: {  	[dreg:$0x3] =	wrdreg $0xF0000  }
0xb0: {  	[dreg:$0x4] =	wrdreg $0x9  }
0xb1: {  	_ =	task.clear_ibuf [dreg:s6], $0x5FFFF;
	_ =	strace $0x90000046  }
0xb2: {  	s29 =	simm.s32 $0x9;
	_ =	strace $0x80000048  }
0xb3: {  	_ =	swait.ge [sflag:s29], $0x1  }
0xb4: {  	[sflag:s29] =	ssyncadd.s32 $0xFFFFFFFF  }
0xb5: {  	_ =	strace $0x90000048  }
0xb6: {  	_ =	sfence  }
0xb7: {  	s30 =	sld [smem:$0x0];
	_ =	sdelay $0x2  }
0xb8: {  	s31 =	sshll.u32 s1, $0xD;
	s1 =	sshrl.u32 s1, $0x2  }
0xb9: {  	s3 =	sand.u32 $0x4000, s31;
	s1 =	sadd.s32 s1, s30  }
0xba: {  	s0 =	sor.u32 s3, s0;
	s1 =	sshll.u32 s1, $0x11  }
0xbb: {  	s0 =	sor.u32 s1, s0  }
0xbc: {  	s0 =	sadd.s32 $0x8F2B, s0  }
0xbd: {  	[sflag:s0] =	ssyncadd.remote.s32 $0x1  }
0xbe: {  	_ =	sfence.sel $0xFFFF  }
0xbf: {  	[dreg:$0x0] =	wrdreg $0xFFFFFFFF;
	(pc) =	sbr.abs _section_cstart, $3  }
0xc0: {  	[dreg:$0x1] =	wrdreg $0xFFFFFFFF  }
0xc1: {  	_ =	task.clear_ibuf [dreg:s6], $0x2FFFF;
	_ =	strace $0x9FFFFFFF  }
0xc2: {  	(tm) =	ssettm $0x7FFFFFFF  }
0xc3: {  	_ =	shalt  }
tec
execute0_lowered:
.L_overlay_start_1:
0x0: {  	(tag) =	ssettag $0x1  }
0x1: {  	s0 =	rddreg [dreg:$0x0]  }
0x2: {  	s2 =	rddreg [dreg:$0x1];
	s3 =	simm.s32 $0x0;
	s13 =	stileid.u32  }
0x3: {  	s1 =	srdreg.scid;
	s14 =	simm.s32 $0x3;
	s15 =	simm.s32 $0x80  }
0x4: {  	s16 =	simm.s32 $0x7000;
	s17 =	simm.s32 $0x7800;
	s19 =	simm.s32 $0x8000  }
0x5: {  	s21 =	simm.s32 $0x8800;
	s24 =	simm.s32 $0x1;
	s30 =	simm.s32 $0x2  }
0x6: {  	s31 =	simm.s32 $0x0;
	[smem:$0x7FF] =	sst s3;
	s25 =	smul.u32 $0x2780, s13  }
0x7: {  	s1 =	sand.u32 $0x1, s1;
	s4 =	sadd.s32 $0x15200, s0;
	s11 =	smul.u32 $0x1800, s13  }
0x8: {  	s9 =	sadd.s32 $0xB200, s0;
	s10 =	sadd.s32 $0x1200, s0;
	s29 =	smul.u32 $0x700, s13  }
0x9: {  	s26 =	sshll.u32 s13, $0x6;
	_ =	strace $0x80000047;
	s5 =	smul.u32 $0x27800, s1  }
0xa: {  	s7 =	ssub.s32 $0x2, s1;
	p0 =	sne.s32 s1, $0x0;
	s6 =	sshrl.u32 s25, $0x3  }
0xb: {  	s8 =	sshrl.u32 s7, $0x1;
	s3 =	sadd.s32 s25, s2;
	s28 =	sshrl.u32 s11, $0x3  }
0xc: {  	s6 =	sadd.s32 s6, s0;
	s5 =	sadd.s32 s25, s5;
	s12 =	ssub.s32 s7, s8  }
0xd: {  	s8 =	sadd.s32 $0x7000, s28;
	s13 =	sshrl.u32 s3, $0x3;
	s5 =	sshrl.u32 s5, $0x3  }
0xe: {  	s7 =	sadd.s32 s9, s8;
	s8 =	sadd.s32 s10, s8;
	s9 =	sadd.s32 s9, s29  }
0xf: {  	s10 =	sadd.s32 s10, s29;
	s12 =	smax.u32 s12, $0x1;
	s0 =	sadd.s32 s5, s0  }
0x10: {  	s5 =	sadd.s32 $0x1A200, s6;
	s6 =	sor.u32 $0x1C03, s26;
	s11 =	sadd.s32 $0x1F200, s0  }
.LBB2_1:
0x11: {  	[spmem:s13], [sflag:s6] =	dma.local [hbm:s5], $0x4F0  }
0x12: {  	_ =	swait.ge [sflag:s14], $0x4F0  }
0x13: {  	[sflag:s14] =	ssyncset.done $0x0  }
0x14: {  	s0 =	simm.s32 @p0 $0x0;
	s1 =	simm.s32 @p0 $0x3;
	[sflag:s14] =	ssyncadd.s32 $0xFFFFFB10  }
0x15: {  	[tilespmem:s0], [sflag:$0x3] =	stream.linear.gather @p0 [hbm4b:s7+s0], $0x1800, $0x38;
	[tilespmem:$0x11780] =	vst v63  }
0x16: {  	_ =	swait.ge @p0 [sflag:s1], $0x1800  }
0x17: {  	[sflag:s1] =	ssyncset.done @p0 $0x0  }
0x18: {  	s3 =	simm.s32 @p0 $0x3800;
	[sflag:s1] =	ssyncadd.s32 @p0 $0xFFFFE800  }
0x19: {  	[tilespmem:s3], [sflag:$0x3] =	stream.linear.gather @p0 [hbm4b:s8+s0], $0x1800, $0x38;
	[tilespmem:$0x11780] =	vst v63  }
0x1a: {  	_ =	swait.ge @p0 [sflag:s1], $0x1800  }
0x1b: {  	[sflag:s1] =	ssyncset.done @p0 $0x0  }
0x1c: {  	s0 =	simm.s32 @!p0 $0x0;
	[sflag:s1] =	ssyncadd.s32 @p0 $0xFFFFE800;
	s1 =	simm.s32 @!p0 $0x3  }
0x1d: {  	[tilespmem:s0], [sflag:$0x3] =	stream.linear.gather @!p0 [hbm4b:s9+s0], $0x3800, $0x38;
	[tilespmem:$0x11780] =	vst v63  }
0x1e: {  	_ =	swait.ge @!p0 [sflag:s1], $0x3800  }
0x1f: {  	[sflag:s1] =	ssyncset.done @!p0 $0x0  }
0x20: {  	s3 =	simm.s32 @!p0 $0x3800;
	[sflag:s1] =	ssyncadd.s32 @!p0 $0xFFFFC800  }
0x21: {  	[tilespmem:s3], [sflag:$0x3] =	stream.linear.gather @!p0 [hbm4b:s10+s0], $0x3800, $0x38;
	[tilespmem:$0x11780] =	vst v63  }
0x22: {  	_ =	swait.ge @!p0 [sflag:s1], $0x3800  }
0x23: {  	[sflag:s1] =	ssyncset.done @!p0 $0x0  }
0x24: {  	[sflag:s1] =	ssyncadd.s32 @!p0 $0xFFFFC800  }
0x25: {  	s26 =	simm.s32 $0x0;
	[bflag:$0x0] =	sbarrier.arrive $0xFFFF  }
0x26: {  	[tilespmem:s16], [sflag:$0x1] =	stream.indirect.gather [hbm4b:s4+s15], $0x10, s26, s15, $0xb8;
	[tilespmem:$0x11780] =	vst v63  }
0x27: {  	_ = 	snop  }
0x28: {  	[tilespmem:s17], [sflag:$0x1] =	stream.indirect.gather [hbm4b:s4+s15], $0x10, s15, s15, $0xb8;
	[tilespmem:$0x11780] =	vst v63  }
0x29: {  	s28 =	simm.s32 $0x100  }
0x2a: {  	[tilespmem:s19], [sflag:$0x1] =	stream.indirect.gather [hbm4b:s4+s15], $0x10, s28, s15, $0xb8;
	[tilespmem:$0x11780] =	vst v63  }
0x2b: {  	s29 =	simm.s32 $0x180  }
0x2c: {  	[tilespmem:s21], [sflag:$0x1] =	stream.indirect.gather [hbm4b:s4+s15], $0x10, s29, s15, $0xb8;
	[tilespmem:$0x11780] =	vst v63  }
0x2d: {  	s3 =	simm.s32 $0x9000;
	s1 =	simm.s32 $0x200  }
0x2e: {  	[tilespmem:s3], [sflag:$0x1] =	stream.indirect.gather [hbm4b:s4+s15], $0x10, s1, s15, $0xb8;
	[tilespmem:$0x11780] =	vst v63  }
0x2f: {  	s18 =	simm.s32 $0x280;
	s20 =	simm.s32 $0x9800  }
0x30: {  	[tilespmem:s20], [sflag:$0x1] =	stream.indirect.gather [hbm4b:s4+s15], $0x10, s18, s15, $0xb8;
	[tilespmem:$0x11780] =	vst v63  }
0x31: {  	s22 =	simm.s32 $0x300;
	s23 =	simm.s32 $0xA000  }
0x32: {  	[tilespmem:s23], [sflag:$0x1] =	stream.indirect.gather [hbm4b:s4+s15], $0x10, s22, s15, $0xb8;
	[tilespmem:$0x11780] =	vst v63  }
0x33: {  	s25 =	simm.s32 $0x380;
	s26 =	simm.s32 $0xA800  }
0x34: {  	[tilespmem:s26], [sflag:$0x1] =	stream.indirect.gather [hbm4b:s4+s15], $0x10, s25, s15, $0xb8;
	[tilespmem:$0x11780] =	vst v63  }
0x35: {  	s28 =	simm.s32 $0x400;
	s29 =	simm.s32 $0xB000  }
0x36: {  	[tilespmem:s29], [sflag:$0x1] =	stream.indirect.gather [hbm4b:s4+s15], $0x10, s28, s15, $0xb8;
	[tilespmem:$0x11780] =	vst v63  }
0x37: {  	s3 =	simm.s32 $0x480;
	s18 =	simm.s32 $0xB800  }
0x38: {  	[tilespmem:s18], [sflag:$0x1] =	stream.indirect.gather [hbm4b:s4+s15], $0x10, s3, s15, $0xb8;
	[tilespmem:$0x11780] =	vst v63  }
0x39: {  	s20 =	simm.s32 $0x500;
	s22 =	simm.s32 $0xC000  }
0x3a: {  	[tilespmem:s22], [sflag:$0x1] =	stream.indirect.gather [hbm4b:s4+s15], $0x10, s20, s15, $0xb8;
	[tilespmem:$0x11780] =	vst v63  }
0x3b: {  	s23 =	simm.s32 $0x580;
	s25 =	simm.s32 $0xC800  }
0x3c: {  	[tilespmem:s25], [sflag:$0x1] =	stream.indirect.gather [hbm4b:s4+s15], $0x10, s23, s15, $0xb8;
	[tilespmem:$0x11780] =	vst v63  }
0x3d: {  	_ =	swait.ge [sflag:s24], $0x800  }
0x3e: {  	[sflag:s24] =	ssyncset.done $0x0  }
0x3f: {  	[sflag:s24] =	ssyncadd.s32 $0xFFFFF800  }
0x40: {  	_ =	swait.ge [sflag:s24], $0x800  }
0x41: {  	[sflag:s24] =	ssyncset.done $0x0  }
0x42: {  	[sflag:s24] =	ssyncadd.s32 $0xFFFFF800  }
0x43: {  	_ =	swait.ge [sflag:s24], $0x800  }
0x44: {  	[sflag:s24] =	ssyncset.done $0x0  }
0x45: {  	[sflag:s24] =	ssyncadd.s32 $0xFFFFF800  }
0x46: {  	_ =	swait.ge [sflag:s24], $0x800  }
0x47: {  	s0 =	simm.s32 @!p0 $0x1C;
	[sflag:s24] =	ssyncset.done $0x0  }
0x48: {  	s0 =	simm.s32 @p0 $0xC;
	s26 =	simm.s32 $0x3800;
	[sflag:s24] =	ssyncadd.s32 $0xFFFFF800  }
0x49: {  	[spmem:s2] =	stream.indirect.scatter.add.f32 [tilespmem:s16], [sflag:$0x2], $0x10, s26, s15, $0xb8;
	[tilespmem:$0x11780] =	vst v63  }
0x4a: {  	s28 =	simm.s32 $0x3880;
	s18 =	sshll.u32 s0, $0xB  }
0x4b: {  	[spmem:s2] =	stream.indirect.scatter.add.f32 [tilespmem:s17], [sflag:$0x2], $0x10, s28, s15, $0xb8;
	[tilespmem:$0x11780] =	vst v63  }
0x4c: {  	s29 =	simm.s32 $0x3900;
	s1 =	sadd.s32 $0xFFFFF800, s18  }
0x4d: {  	[spmem:s2] =	stream.indirect.scatter.add.f32 [tilespmem:s19], [sflag:$0x2], $0x10, s29, s15, $0xb8;
	[tilespmem:$0x11780] =	vst v63  }
0x4e: {  	s3 =	simm.s32 $0x3980;
	[dreg:$0x3] =	wrdreg s1  }
0x4f: {  	[spmem:s2] =	stream.indirect.scatter.add.f32 [tilespmem:s21], [sflag:$0x2], $0x10, s3, s15, $0xb8;
	[tilespmem:$0x11780] =	vst v63  }
0x50: {  	_ =	swait.ge [sflag:s30], $0x800  }
0x51: {  	[sflag:s30] =	ssyncset.done $0x0  }
0x52: {  	[sflag:s30] =	ssyncadd.s32 $0xFFFFF800  }
0x53: {  	_ =	swait.ge [sflag:s30], $0x800  }
0x54: {  	[sflag:s30] =	ssyncset.done $0x0  }
0x55: {  	[sflag:s30] =	ssyncadd.s32 $0xFFFFF800  }
0x56: {  	_ =	swait.ge [sflag:s30], $0x800  }
0x57: {  	[sflag:s30] =	ssyncset.done $0x0  }
0x58: {  	p1 =	sle.u32 s0, $0x3;
	[sflag:s30] =	ssyncadd.s32 $0xFFFFF800  }
0x59: {  	s1 =	simm.s32 @!p1 $0x6000;
	_ =	swait.ge [sflag:s30], $0x800  }
0x5a: {  	s20 =	simm.s32 @!p1 $0x80;
	s1 =	sand.u32 @!p1 $0x6000, s1;
	[sflag:s30] =	ssyncset.done $0x0  }
0x5b: {  	s18 =	sadd.s32 @!p1 $0x7000, s1;
	s3 =	simm.s32 @!p1 $0x600;
	[sflag:s30] =	ssyncadd.s32 $0xFFFFF800  }
0x5c: {  	[tilespmem:s18], [sflag:$0x1] =	stream.indirect.gather @!p1 [hbm4b:s4+s20], $0x10, s3, s20, $0xb8;
	[tilespmem:$0x11780] =	vst v63  }
0x5d: {  	s3 =	sadd.s32 @!p1 $0x7800, s1;
	s18 =	simm.s32 @!p1 $0x680  }
0x5e: {  	[tilespmem:s3], [sflag:$0x1] =	stream.indirect.gather @!p1 [hbm4b:s4+s20], $0x10, s18, s20, $0xb8;
	[tilespmem:$0x11780] =	vst v63  }
0x5f: {  	s3 =	sor.u32 @!p1 $0x8000, s1;
	s18 =	simm.s32 @!p1 $0x700  }
0x60: {  	[tilespmem:s3], [sflag:$0x1] =	stream.indirect.gather @!p1 [hbm4b:s4+s20], $0x10, s18, s20, $0xb8;
	[tilespmem:$0x11780] =	vst v63  }
0x61: {  	s1 =	sor.u32 @!p1 $0x8800, s1;
	s3 =	simm.s32 @!p1 $0x780  }
0x62: {  	[tilespmem:s1], [sflag:$0x1] =	stream.indirect.gather @!p1 [hbm4b:s4+s20], $0x10, s3, s20, $0xb8;
	[tilespmem:$0x11780] =	vst v63  }
0x63: {  	_ =	swait.ge [sflag:s24], $0x800  }
0x64: {  	[sflag:s24] =	ssyncset.done $0x0  }
0x65: {  	[sflag:s24] =	ssyncadd.s32 $0xFFFFF800  }
0x66: {  	_ =	swait.ge [sflag:s24], $0x800  }
0x67: {  	[sflag:s24] =	ssyncset.done $0x0  }
0x68: {  	[sflag:s24] =	ssyncadd.s32 $0xFFFFF800  }
0x69: {  	_ =	swait.ge [sflag:s24], $0x800  }
0x6a: {  	[sflag:s24] =	ssyncset.done $0x0  }
0x6b: {  	s22 =	simm.s32 $0x3A00;
	s20 =	simm.s32 $0x8000;
	[sflag:s24] =	ssyncadd.s32 $0xFFFFF800  }
0x6c: {  	s26 =	simm.s32 $0x3A80;
	s1 =	sand.u32 $0x18000, s20;
	_ =	swait.ge [sflag:s24], $0x800  }
0x6d: {  	s18 =	sshrl.u32 s1, $0x2;
	[sflag:s24] =	ssyncset.done $0x0;
	s23 =	rddreg [dreg:$0x3]  }
0x6e: {  	s1 =	sadd.s32 $0x7000, s18;
	[sflag:s24] =	ssyncadd.s32 $0xFFFFF800;
	p1 =	sne.s32 s23, $0x800  }
0x6f: {  	[spmem:s2] =	stream.indirect.scatter.add.f32 [tilespmem:s1], [sflag:$0x2], $0x10, s22, s15, $0xb8;
	[tilespmem:$0x11780] =	vst v63  }
.Ltmp0:
0x70: {  	s29 =	simm.s32 $0x3B00;
	s3 =	simm.s32 $0x4;
	(pc) =	sbr.rel @!p1 .LBB2_3-.Ltmp0, $4  }
0x71: {  	s25 =	sadd.s32 $0x7800, s18;
	s28 =	sor.u32 $0x8000, s18;
	s20 =	sor.u32 $0x8800, s18  }
0x72: {  	[spmem:s2] =	stream.indirect.scatter.add.f32 [tilespmem:s25], [sflag:$0x2], $0x10, s26, s15, $0xb8;
	[tilespmem:$0x11780] =	vst v63  }
0x73: {  	s18 =	simm.s32 $0x20000;
	s1 =	simm.s32 $0x800;
	s22 =	simm.s32 $0x3B80  }
0x74: {  	[spmem:s2] =	stream.indirect.scatter.add.f32 [tilespmem:s28], [sflag:$0x2], $0x10, s29, s15, $0xb8;
	[tilespmem:$0x11780] =	vst v63  }
.LBB2_2:
0x75: {  	[spmem:s2] =	stream.indirect.scatter.add.f32 [tilespmem:s20], [sflag:$0x2], $0x10, s22, s15, $0xb8;
	[tilespmem:$0x11780] =	vst v63  }
0x76: {  	_ =	swait.ge [sflag:s30], $0x800  }
0x77: {  	[sflag:s30] =	ssyncset.done $0x0  }
0x78: {  	[sflag:s30] =	ssyncadd.s32 $0xFFFFF800  }
0x79: {  	_ =	swait.ge [sflag:s30], $0x800  }
0x7a: {  	[sflag:s30] =	ssyncset.done $0x0  }
0x7b: {  	[sflag:s30] =	ssyncadd.s32 $0xFFFFF800  }
0x7c: {  	_ =	swait.ge [sflag:s30], $0x800  }
0x7d: {  	[sflag:s30] =	ssyncset.done $0x0  }
0x7e: {  	s20 =	smov.u32 s1;
	p1 =	sge.u32 s3, s0;
	[sflag:s30] =	ssyncadd.s32 $0xFFFFF800  }
0x7f: {  	s22 =	sshrl.u32 @!p1 s18, $0x2;
	s23 =	sshra.s32 @!p1 s20, $0x2;
	_ =	swait.ge [sflag:s30], $0x800  }
0x80: {  	s28 =	simm.s32 @!p1 $0x80;
	s22 =	sand.u32 @!p1 $0x6000, s22;
	[sflag:s30] =	ssyncset.done $0x0  }
0x81: {  	s25 =	sadd.s32 @!p1 $0x600, s23;
	s26 =	sadd.s32 @!p1 $0x7000, s22;
	[sflag:s30] =	ssyncadd.s32 $0xFFFFF800  }
0x82: {  	[tilespmem:s26], [sflag:$0x1] =	stream.indirect.gather @!p1 [hbm4b:s4+s28], $0x10, s25, s28, $0xb8;
	[tilespmem:$0x11780] =	vst v63  }
0x83: {  	s25 =	sadd.s32 @!p1 $0x7800, s22;
	s26 =	sadd.s32 @!p1 $0x680, s23  }
0x84: {  	[tilespmem:s25], [sflag:$0x1] =	stream.indirect.gather @!p1 [hbm4b:s4+s28], $0x10, s26, s28, $0xb8;
	[tilespmem:$0x11780] =	vst v63  }
0x85: {  	s29 =	sor.u32 @!p1 $0x8000, s22;
	s25 =	sadd.s32 @!p1 $0x700, s23  }
0x86: {  	[tilespmem:s29], [sflag:$0x1] =	stream.indirect.gather @!p1 [hbm4b:s4+s28], $0x10, s25, s28, $0xb8;
	[tilespmem:$0x11780] =	vst v63  }
0x87: {  	s22 =	sor.u32 @!p1 $0x8800, s22;
	s23 =	sadd.s32 @!p1 $0x780, s23  }
0x88: {  	[tilespmem:s22], [sflag:$0x1] =	stream.indirect.gather @!p1 [hbm4b:s4+s28], $0x10, s23, s28, $0xb8;
	[tilespmem:$0x11780] =	vst v63  }
0x89: {  	_ =	swait.ge [sflag:s24], $0x800  }
0x8a: {  	[sflag:s24] =	ssyncset.done $0x0  }
0x8b: {  	[sflag:s24] =	ssyncadd.s32 $0xFFFFF800  }
0x8c: {  	_ =	swait.ge [sflag:s24], $0x800  }
0x8d: {  	[sflag:s24] =	ssyncset.done $0x0  }
0x8e: {  	[sflag:s24] =	ssyncadd.s32 $0xFFFFF800  }
0x8f: {  	_ =	swait.ge [sflag:s24], $0x800  }
0x90: {  	s26 =	sadd.s32 $0xFFFF0000, s18;
	[sflag:s24] =	ssyncset.done $0x0  }
0x91: {  	s1 =	sadd.s32 $0x800, s1;
	s22 =	sand.u32 $0x18000, s26;
	[sflag:s24] =	ssyncadd.s32 $0xFFFFF800  }
0x92: {  	s23 =	sshra.s32 s20, $0x2;
	s20 =	sshrl.u32 s22, $0x2;
	_ =	swait.ge [sflag:s24], $0x800  }
0x93: {  	s29 =	sadd.s32 $0x3A00, s23;
	[sflag:s24] =	ssyncset.done $0x0;
	s22 =	rddreg [dreg:$0x3]  }
0x94: {  	s28 =	sadd.s32 $0x7000, s20;
	[sflag:s24] =	ssyncadd.s32 $0xFFFFF800;
	p1 =	sne.s32 s22, s1  }
0x95: {  	[spmem:s2] =	stream.indirect.scatter.add.f32 [tilespmem:s28], [sflag:$0x2], $0x10, s29, s15, $0xb8;
	[tilespmem:$0x11780] =	vst v63  }
.Ltmp1:
0x96: {  	s3 =	sadd.s32 $0x1, s3;
	s18 =	sadd.s32 $0x8000, s18;
	(pc) =	sbr.rel @p1 .LBB2_2-.Ltmp1, $4  }
0x97: {  	s22 =	sadd.s32 $0x3B80, s23;
	s28 =	sadd.s32 $0x7800, s20;
	s29 =	sadd.s32 $0x3A80, s23  }
0x98: {  	[spmem:s2] =	stream.indirect.scatter.add.f32 [tilespmem:s28], [sflag:$0x2], $0x10, s29, s15, $0xb8;
	[tilespmem:$0x11780] =	vst v63  }
0x99: {  	s28 =	sor.u32 $0x8000, s20;
	s29 =	sadd.s32 $0x3B00, s23;
	s20 =	sor.u32 $0x8800, s20  }
0x9a: {  	[spmem:s2] =	stream.indirect.scatter.add.f32 [tilespmem:s28], [sflag:$0x2], $0x10, s29, s15, $0xb8;
	[tilespmem:$0x11780] =	vst v63  }
.LBB2_3:
0x9b: {  	[spmem:s2] =	stream.indirect.scatter.add.f32 [tilespmem:s20], [sflag:$0x2], $0x10, s22, s15, $0xb8;
	[tilespmem:$0x11780] =	vst v63  }
0x9c: {  	_ =	swait.ge [sflag:s30], $0x800  }
0x9d: {  	[sflag:s30] =	ssyncset.done $0x0  }
0x9e: {  	[sflag:s30] =	ssyncadd.s32 $0xFFFFF800  }
0x9f: {  	_ =	swait.ge [sflag:s30], $0x800  }
0xa0: {  	[sflag:s30] =	ssyncset.done $0x0  }
0xa1: {  	[sflag:s30] =	ssyncadd.s32 $0xFFFFF800  }
0xa2: {  	_ =	swait.ge [sflag:s30], $0x800  }
0xa3: {  	[sflag:s30] =	ssyncset.done $0x0  }
0xa4: {  	[sflag:s30] =	ssyncadd.s32 $0xFFFFF800  }
0xa5: {  	_ =	swait.ge [sflag:s30], $0x800  }
0xa6: {  	s31 =	sadd.s32 $0x1, s31;
	[sflag:s30] =	ssyncset.done $0x0  }
0xa7: {  	p1 =	sne.s32 s31, s12;
	[sflag:s30] =	ssyncadd.s32 $0xFFFFF800  }
.Ltmp2:
0xa8: {  	[bflag:$0x0] =	sbarrier.arrive $0xFFFF;
	(pc) =	sbr.rel @p1 .LBB2_1-.Ltmp2, $4  }
0xa9: {  	[hbm:s11], [sflag:s6] =	dma.local [spmem:s13], $0x4F0  }
0xaa: {  	_ =	swait.ge [sflag:s14], $0x4F0  }
0xab: {  	[sflag:s14] =	ssyncset.done $0x0  }
0xac: {  	[sflag:s14] =	ssyncadd.s32 $0xFFFFFB10  }
0xad: {  	_ =	sfence.sel $0x180000  }
0xae: {  	[bflag:$0x0] =	sbarrier.arrive $0xFFFF  }
0xaf: {  	_ =	strace $0x90000047  }
0xb0: {  	s0 =	stileid.u32;
	[bflag:$0x2] =	sbarrier.arrive $0xFFFF  }
0xb1: {  	p0 =	sne.s32 s0, $0x0;
	s0 =	rddreg [dreg:$0x2]  }
0xb2: {  	s0 =	sadd.s32 @!p0 $0x100000, s0  }
0xb3: {  	[sflag:s0] =	ssyncadd.tile.s32 @!p0 $0x1;
	_ =	shalt  }
.Lfunc_end2:
_tile_overlayer_lowered:
.L_overlay_start_2:
0xb4: {  	(tag) =	ssettag $0x2  }
0xb5: {  	s0 =	rddreg [dreg:$0x0];
	s2 =	stileid.u32  }
0xb6: {  	s1 =	rddreg [dreg:$0x1];
	p0 =	sne.s32 s2, $0x0  }
0xb7: {  	s3 =	rddreg [dreg:$0x2];
	[bflag:$0x3] =	sbarrier.arrive $0xFFFF;
	s2 =	simm.s32 @!p0 $0x1C03  }
0xb8: {  	[timem:s3], [sflag:s2] =	dma.local @!p0 [hbm:s0], s1  }
0xb9: {  	s0 =	simm.s32 @!p0 $0x3  }
0xba: {  	_ =	swait.ge @!p0 [sflag:s0], s1  }
0xbb: {  	s1 =	ssub.s32 @!p0 $0x0, s1;
	[sflag:s0] =	ssyncset.done @!p0 $0x0  }
0xbc: {  	[sflag:s0] =	ssyncadd.s32 @!p0 s1  }
0xbd: {  	[bflag:$0x3] =	sbarrier.arrive $0xFFFF  }
0xbe: {  	_ =	shalt  }

</sc_bundles>
